<compile_context>
chip_gen: v7x
topology: tpu7x:2x2x1
jax: 0.10.2.dev20260603
libtpu: 0.0.44.dev20260713+nightly
codegen_flags: <defaults>
</compile_context>

<pallas_src>
import functools

import jax
import jax.numpy as jnp
from jax import lax
from jax.experimental import pallas as pl
from jax.experimental.pallas import tpu as pltpu
from jax.experimental.pallas import tpu_sc as plsc

_NEG_RATIO = 3.0
_IOU_THR = 0.5
_ALPHA = 1.0

_R = 72
_L = 128
_NBP = _R * _L
_NV = _NBP // 16


def _row_body(pred_ref, anc_ref, gtb_ref, gtc_ref, bits_ref, ce0_ref, part_ref,
              *, nb, nc):
    f32 = jnp.float32

    ax = anc_ref[0]
    ay = anc_ref[1]
    aw = anc_ref[2]
    ah = anc_ref[3]
    ax1 = ax - aw / 2
    ay1 = ay - ah / 2
    ax2 = ax + aw / 2
    ay2 = ay + ah / 2
    area_a = (ax2 - ax1) * (ay2 - ay1)

    row_ids = jax.lax.broadcasted_iota(jnp.int32, (_R, _L), 0)
    lane_ids = jax.lax.broadcasted_iota(jnp.int32, (_R, _L), 1)
    ids = row_ids * _L + lane_ids
    valid = ids < nb

    g_cx = [gtb_ref[0, g, 0] for g in range(8)]
    g_cy = [gtb_ref[0, g, 1] for g in range(8)]
    g_w = [gtb_ref[0, g, 2] for g in range(8)]
    g_h = [gtb_ref[0, g, 3] for g in range(8)]
    g_cls = [(gtc_ref[0, 0, g] + 1).astype(f32) for g in range(8)]

    best_ov = None
    best_idx = None
    bp = []
    for g in range(8):
        gx1 = g_cx[g] - g_w[g] / 2
        gy1 = g_cy[g] - g_h[g] / 2
        gx2 = g_cx[g] + g_w[g] / 2
        gy2 = g_cy[g] + g_h[g] / 2
        garea = (gx2 - gx1) * (gy2 - gy1)
        iw = jnp.maximum(jnp.minimum(gx2, ax2) - jnp.maximum(gx1, ax1), 0.0)
        ih = jnp.maximum(jnp.minimum(gy2, ay2) - jnp.maximum(gy1, ay1), 0.0)
        inter = iw * ih
        iou = inter / (garea + area_a - inter + 1e-12)
        if g == 0:
            best_ov = iou
            best_idx = jnp.zeros((_R, _L), jnp.int32)
        else:
            upd = iou > best_ov
            best_ov = jnp.where(upd, iou, best_ov)
            best_idx = jnp.where(upd, g, best_idx)
        m = jnp.max(iou)
        cand = jnp.where(iou == m, ids, _NBP)
        bp.append(jnp.min(cand))

    def pick(vals):
        v = jnp.full((_R, _L), vals[0], f32)
        for g in range(1, 8):
            v = jnp.where(best_idx == g, vals[g], v)
        return v

    cx_p = pick(g_cx)
    cy_p = pick(g_cy)
    w_p = pick(g_w)
    h_p = pick(g_h)
    cls_p = pick(g_cls)

    over = best_ov > _IOU_THR
    match = over
    for g in range(8):
        fm = ids == bp[g]
        cx_p = jnp.where(fm, g_cx[g], cx_p)
        cy_p = jnp.where(fm, g_cy[g], cy_p)
        w_p = jnp.where(fm, g_w[g], w_p)
        h_p = jnp.where(fm, g_h[g], h_p)
        cls_p = jnp.where(fm, g_cls[g], cls_p)
        match = jnp.logical_or(match, fm)

    law = jnp.log(aw)
    lah = jnp.log(ah)
    w_safe = jnp.where(match, w_p, 1.0)
    h_safe = jnp.where(match, h_p, 1.0)
    zero = jnp.zeros((_R, _L), f32)
    t0 = jnp.where(match, (cx_p - ax) / aw, zero)
    t1 = jnp.where(match, (cy_p - ay) / ah, zero)
    t2 = jnp.where(match, jnp.log(w_safe) - law, zero)
    t3 = jnp.where(match, jnp.log(h_safe) - lah, zero)
    cls_t = jnp.where(match, cls_p, zero)

    pos = (cls_t > 0).astype(f32)
    np_row = jnp.sum(pos)

    locs = (t0, t1, t2, t3)
    sl1 = zero
    for c in range(4):
        d = pred_ref[0, c] - locs[c]
        ad = jnp.abs(d)
        sl1 = sl1 + jnp.where(ad < 1.0, 0.5 * d * d, ad - 0.5)
    row_loc = jnp.sum(sl1 * pos)

    m = pred_ref[0, 4]
    for c in range(1, nc):
        m = jnp.maximum(m, pred_ref[0, 4 + c])
    s = zero
    for c in range(nc):
        s = s + jnp.exp(pred_ref[0, 4 + c] - m)
    lse = jnp.log(s) + m
    cls_i = cls_t.astype(jnp.int32)
    picked = zero
    for c in range(nc):
        picked = jnp.where(cls_i == c, pred_ref[0, 4 + c], picked)
    ce = lse - picked
    row_pos_loss = jnp.sum(ce * pos)
    ce0 = lse - pred_ref[0, 4]

    an = ce * (1.0 - pos)
    bits = jax.lax.bitcast_convert_type(an, jnp.int32)
    bits_ref[0] = jnp.where(valid, bits, -1)
    ce0_ref[0] = ce0
    part_ref[0, 0, 0] = row_loc
    part_ref[0, 0, 1] = row_pos_loss
    part_ref[0, 0, 2] = np_row
    part_ref[0, 0, 3] = jnp.minimum(_NEG_RATIO * np_row, float(nb - 1))


def _tc_stage(pred_t, anc_t, gt_boxes, gtc, nb, nc, b):
    body = functools.partial(_row_body, nb=nb, nc=nc)
    return pl.pallas_call(
        body,
        grid=(b,),
        in_specs=[
            pl.BlockSpec((1, nc + 4, _R, _L), lambda r: (r, 0, 0, 0)),
            pl.BlockSpec((4, _R, _L), lambda r: (0, 0, 0)),
            pl.BlockSpec((1, 8, 4), lambda r: (r, 0, 0), memory_space=pltpu.SMEM),
            pl.BlockSpec((1, 1, 8), lambda r: (r, 0, 0), memory_space=pltpu.SMEM),
        ],
        out_specs=[
            pl.BlockSpec((1, _R, _L), lambda r: (r, 0, 0)),
            pl.BlockSpec((1, _R, _L), lambda r: (r, 0, 0)),
            pl.BlockSpec((1, 1, 4), lambda r: (r, 0, 0), memory_space=pltpu.SMEM),
        ],
        out_shape=[
            jax.ShapeDtypeStruct((b, _R, _L), jnp.int32),
            jax.ShapeDtypeStruct((b, _R, _L), jnp.float32),
            jax.ShapeDtypeStruct((b, 1, 4), jnp.float32),
        ],
    )(pred_t, anc_t, gt_boxes, gtc)


def _sc_mine(bits, ce0, part_t, b):
    mesh = plsc.VectorSubcoreMesh(core_axis_name="c", subcore_axis_name="s")

    @functools.partial(
        pl.kernel,
        mesh=mesh,
        out_type=jax.ShapeDtypeStruct((16,), jnp.float32),
        compiler_params=pltpu.CompilerParams(needs_layout_passes=False),
        scratch_types=[
            pltpu.VMEM((_NBP,), jnp.int32),
            pltpu.VMEM((_NBP,), jnp.float32),
            pltpu.VMEM((256,), jnp.int32),
            pltpu.VMEM((16,), jnp.float32),
            pltpu.VMEM((16,), jnp.float32),
            pltpu.VMEM((256,), jnp.float32),
            pltpu.VMEM_SHARED((256,), jnp.float32),
        ],
    )
    def k_fn(bits_h, ce0_h, part_h, out_h, bits_v, ce0_v, hist_v, kf_v, out_v,
             stage_v, shared):
        cc = lax.axis_index("c")
        ss = lax.axis_index("s")
        w = ss

        @pl.when(cc == 0)
        def _():
            pltpu.sync_copy(bits_h.at[w], bits_v)
            pltpu.sync_copy(ce0_h.at[w], ce0_v)
            pltpu.sync_copy(part_h.at[3], kf_v)
            lane = lax.iota(jnp.int32, 16)
            k_i = jnp.sum(jnp.where(lane == w, kf_v[...], 0.0)).astype(jnp.int32)

            zeros16 = jnp.zeros((16,), jnp.int32)
            ones16 = jnp.ones((16,), jnp.int32)

            prefix = jnp.int32(0)
            kk = k_i
            for p in (24, 16, 8, 0):
                def zbody(i, x):
                    hist_v[pl.ds(i * 16, 16)] = zeros16
                    return x

                lax.fori_loop(0, 16, zbody, 0)

                shift_hi = p + 8

                def hbody(i, pref):
                    for u in range(4):
                        v = bits_v[pl.ds(i * 64 + u * 16, 16)]
                        if p == 24:
                            ok = v >= 0
                        else:
                            ok = (v >> shift_hi) == pref
                        bb = (v >> p) & 0xFF
                        plsc.addupdate_scatter(hist_v, [bb], ones16, mask=ok)
                    return pref

                prefix = lax.fori_loop(0, _NV // 4, hbody, prefix)

                def sbody(i, carry):
                    suf, nsel = carry
                    j = 15 - i
                    h = hist_v[pl.ds(j * 16, 16)]
                    rc = lax.rev(jnp.cumsum(lax.rev(h, (0,))), (0,)) + suf
                    nsel = nsel + jnp.sum(jnp.where(rc >= kk, 1, 0))
                    suf = suf + jnp.sum(h)
                    return suf, nsel

                _, nsel = lax.fori_loop(0, 16, sbody,
                                        (jnp.int32(0), jnp.int32(0)))
                t = nsel - 1

                def gbody(i, acc):
                    ids16 = lane + i * 16
                    h = hist_v[pl.ds(i * 16, 16)]
                    return acc + jnp.sum(jnp.where(ids16 > t, h, 0))

                n_gt = lax.fori_loop(0, 16, gbody, jnp.int32(0))
                kk = kk - n_gt
                prefix = jnp.bitwise_or(prefix << 8, t)

            thr = jnp.where(k_i > 0, prefix, jnp.int32(0x7F800000))
            r_need = jnp.where(k_i > 0, kk, 0)

            def fbody(i, carry):
                cnt_eq, accv = carry
                for u in range(2):
                    v = bits_v[pl.ds(i * 32 + u * 16, 16)]
                    gt = v > thr
                    eq = v == thr
                    pc = jnp.cumsum(eq.astype(jnp.int32))
                    sel = jnp.logical_or(
                        gt, jnp.logical_and(eq, (cnt_eq + pc) <= r_need)
                    )
                    cv = ce0_v[pl.ds(i * 32 + u * 16, 16)]
                    accv = accv + jnp.where(sel, cv, 0.0)
                    cnt_eq = cnt_eq + jnp.sum(eq.astype(jnp.int32))
                return cnt_eq, accv

            _, accv = lax.fori_loop(
                0, _NV // 2, fbody, (jnp.int32(0), jnp.zeros((16,), jnp.float32))
            )
            out_v[...] = jnp.where(lane == 0, jnp.sum(accv), 0.0)
            pltpu.sync_copy(out_v, shared.at[pl.ds(w * 16, 16)])
            plsc.subcore_barrier()

            @pl.when(ss == 0)
            def _fin():
                pltpu.sync_copy(shared, stage_v)

                def rb(j, acc):
                    return acc + stage_v[pl.ds(j * 16, 16)]

                accn = lax.fori_loop(0, b, rb, jnp.zeros((16,), jnp.float32))
                neg_total = jnp.sum(accn)
                pltpu.sync_copy(part_h.at[0], kf_v)
                loc_total = jnp.sum(kf_v[...])
                pltpu.sync_copy(part_h.at[1], kf_v)
                pos_total = jnp.sum(kf_v[...])
                pltpu.sync_copy(part_h.at[2], kf_v)
                np_total = jnp.sum(kf_v[...])
                num_v = jnp.where(
                    lane == 0, loc_total + _ALPHA * (pos_total + neg_total), 0.0
                )
                den_v = jnp.where(lane == 0, np_total, 1.0)
                out_v[...] = num_v / den_v
                pltpu.sync_copy(out_v, out_h)

    return k_fn(bits, ce0, part_t)


def kernel(pred, gt_boxes, gt_classes, anchors):
    b, nb, cp4 = pred.shape
    nc = cp4 - 4
    pred_t = jnp.transpose(pred, (0, 2, 1))
    pred_t = jnp.pad(pred_t, ((0, 0), (0, 0), (0, _NBP - nb)))
    pred_t = pred_t.reshape(b, cp4, _R, _L)
    anc_t = jnp.pad(anchors.T, ((0, 0), (0, _NBP - nb))).reshape(4, _R, _L)
    gtc = gt_classes.reshape(b, 1, 8)

    bits, ce0, part = _tc_stage(pred_t, anc_t, gt_boxes, gtc, nb, nc, b)
    part_t = part.reshape(b, 4).T
    out = _sc_mine(bits.reshape(b, _NBP), ce0.reshape(b, _NBP), part_t, b)
    return out[0]

# --- scband reference (transcript-rebuilt; emitter-appended) ---
"""Pipeline reference for scband-multi-box-loss-68083821576684 (READ-ONLY COPY).

The authoritative reference and input builder live on the scoring server;
editing this copy changes nothing except your own understanding.
"""

import jax, jax.numpy as jnp
import numpy as np

NEG_RATIO = 3.0
IOU_THR = 0.5
ALPHA = 1.0


def _cxcywh_to_xyxy(b):
    cx, cy, w, h = b[..., 0], b[..., 1], b[..., 2], b[..., 3]
    return jnp.stack([cx - w / 2, cy - h / 2, cx + w / 2, cy + h / 2], axis=-1)


def _box_iou(a, b):
    lt = jnp.maximum(a[:, None, :2], b[None, :, :2])
    rb = jnp.minimum(a[:, None, 2:], b[None, :, 2:])
    wh = jnp.clip(rb - lt, 0.0)
    inter = wh[..., 0] * wh[..., 1]
    area_a = (a[:, 2] - a[:, 0]) * (a[:, 3] - a[:, 1])
    area_b = (b[:, 2] - b[:, 0]) * (b[:, 3] - b[:, 1])
    return inter / (area_a[:, None] + area_b[None, :] - inter + 1e-12)


def _encode(gt, anchors):
    g_cxcy = (gt[:, :2] - anchors[:, :2]) / anchors[:, 2:]
    g_wh = jnp.log(gt[:, 2:]) - jnp.log(anchors[:, 2:])
    return jnp.concatenate([g_cxcy, g_wh], axis=-1)


def _match_one(gt_b, cls_b, anchors):
    ious = _box_iou(_cxcywh_to_xyxy(gt_b), _cxcywh_to_xyxy(anchors))  # [G, N]
    best_gt_overlap = ious.max(axis=0)
    best_gt_idx = ious.argmax(axis=0)
    over = best_gt_overlap > IOU_THR
    loc = jnp.where(over[:, None], _encode(gt_b[best_gt_idx], anchors), 0.0)
    cls = jnp.where(over, cls_b[best_gt_idx], 0.0)
    # force-match each gt to its best prior
    best_prior_idx = ious.argmax(axis=1)  # [G]
    loc = loc.at[best_prior_idx].set(_encode(gt_b, anchors[best_prior_idx]))
    cls = cls.at[best_prior_idx].set(cls_b)
    return loc, cls


def setup_inputs(seed: int = 0):
    key = jax.random.key(seed)
    k1, k2, k3, k4, k5, k6 = jax.random.split(key, 6)
    B, G, NB, C = 16, 8, 8732, 21
    pred = jax.random.normal(k1, (B, NB, 4 + C), dtype=jnp.float32) * 0.1
    cxcy = jax.random.uniform(k2, (B, G, 2), minval=0.1, maxval=0.9)
    wh = jax.random.uniform(k3, (B, G, 2), minval=0.05, maxval=0.4)
    gt_boxes = jnp.concatenate([cxcy, wh], axis=-1).astype(jnp.float32)
    gt_classes = jax.random.randint(k4, (B, G), 0, C - 1, dtype=jnp.int32)
    a_cxcy = jax.random.uniform(k5, (NB, 2), minval=0.05, maxval=0.95)
    a_wh = jax.random.uniform(k6, (NB, 2), minval=0.05, maxval=0.5)
    anchors = jnp.concatenate([a_cxcy, a_wh], axis=-1).astype(jnp.float32)
    return {"pred": pred, "gt_boxes": gt_boxes, "gt_classes": gt_classes, "anchors": anchors}


def reference(pred, gt_boxes, gt_classes, anchors):
    B, NB, _ = pred.shape
    loc_pred = pred[:, :, :4]
    conf_pred = pred[:, :, 4:]
    # gt[:, -1] += 1 (shift classes so 0 = background)
    cls_shift = (gt_classes + 1).astype(jnp.float32)
    loc_t, cls_t = jax.vmap(_match_one, in_axes=(0, 0, None))(gt_boxes, cls_shift, anchors)
    positive_mask = (cls_t > 0).astype(jnp.float32)  # [B, NB]
    Np = positive_mask.sum()
    # smooth L1 over positives
    d = loc_pred - loc_t
    ad = jnp.abs(d)
    sl1 = jnp.where(ad < 1.0, 0.5 * d * d, ad - 0.5)
    loc_loss = (sl1.sum(axis=-1) * positive_mask).sum()
    # per-box cross entropy
    lse = jax.scipy.special.logsumexp(conf_pred, axis=-1)
    cls_idx = cls_t.astype(jnp.int32)
    picked = jnp.take_along_axis(conf_pred, cls_idx[..., None], axis=-1)[..., 0]
    ce = lse - picked
    positive_loss = (ce * positive_mask).sum()
    # hard negative mining (selection under stop_gradient)
    num_pos = positive_mask.sum(axis=1, keepdims=True)
    num_neg = jnp.minimum(NEG_RATIO * num_pos, float(NB - 1))
    all_neg = jax.lax.stop_gradient(ce * (1.0 - positive_mask))
    loss_idx = jnp.argsort(-all_neg, axis=1)
    loss_rank = jnp.argsort(loss_idx, axis=1)
    neg_mask = (loss_rank < num_neg).astype(jnp.float32)
    ce0 = lse - conf_pred[..., 0]  # CE with background target 0
    negative_loss = (ce0 * neg_mask).sum()
    cls_loss = positive_loss + negative_loss
    return (loc_loss + ALPHA * cls_loss) / Np

if __name__ == "__main__":
    import jax
    _d = setup_inputs()
    print(jax.jit(kernel)(*tuple(_d.values())))

</pallas_src>

<mosaic_0001>
#map = affine_map<(d0, d1) -> (0, 0)>
#map1 = affine_map<(d0, d1) -> (0)>
module attributes {stable_mosaic.version = 14 : i64} {
  func.func @k_fn(%arg0: i32, %arg1: i32, %arg2: memref<16x9216xi32, #tpu.memory_space<hbm>>, %arg3: memref<16x9216xf32, #tpu.memory_space<hbm>>, %arg4: memref<4x16xf32, #tpu.memory_space<hbm>>, %arg5: memref<16xf32, #tpu.memory_space<hbm>>, %arg6: memref<9216xi32, #tpu.memory_space<vmem>>, %arg7: memref<9216xf32, #tpu.memory_space<vmem>>, %arg8: memref<256xi32, #tpu.memory_space<vmem>>, %arg9: memref<16xf32, #tpu.memory_space<vmem>>, %arg10: memref<16xf32, #tpu.memory_space<vmem>>, %arg11: memref<256xf32, #tpu.memory_space<vmem>>, %arg12: memref<256xf32, #tpu.memory_space<vmem_shared>>) attributes {dimension_semantics = [#tpu.dimension_semantics<core_parallel>, #tpu.dimension_semantics<subcore_parallel>], iteration_bounds = array<i64: 2, 16>, scalar_prefetch = 0 : i64, scratch_operands = 7 : i64, tpu.core_type = #tpu.core_type<sc_vector_subcore>, window_params = [{transform_indices = #map}, {transform_indices = #map}, {transform_indices = #map}, {transform_indices = #map1}]} {
    %eq3A = arith.constant 0 : i32
    %eq3A_0 = arith.cmpi eq, %arg0, %eq3A : i32
    %convert_element_type3A = arith.extui %eq3A_0 : i1 to i32
    %cond3A = arith.constant 0 : i32
    %cond3A_1 = arith.cmpi ne, %convert_element_type3A, %cond3A : i32
    scf.if %cond3A_1 {
      "tpu.region"() ({
        %run_scoped3A_173 = tpu.sem_alloc : memref<!tpu.dma_semaphore, #tpu.memory_space<semaphore_mem>>
        %dma_start3A = arith.constant 0 : i32
        %dma_start3A_174 = tpu.memref_slice %arg2[%arg1, %dma_start3A] : memref<16x9216xi32, #tpu.memory_space<hbm>> -> memref<1x9216xi32, #tpu.memory_space<hbm>>
        %dma_start3A_175 = tpu.memref_squeeze %dma_start3A_174 : memref<1x9216xi32, #tpu.memory_space<hbm>> -> memref<9216xi32, #tpu.memory_space<hbm>>
        %dma_start3A_176 = arith.constant 0 : i32
        %dma_start3A_177 = tpu.memref_slice %arg2[%arg1, %dma_start3A_176] : memref<16x9216xi32, #tpu.memory_space<hbm>> -> memref<1x9216xi32, #tpu.memory_space<hbm>>
        %dma_start3A_178 = tpu.memref_squeeze %dma_start3A_177 : memref<1x9216xi32, #tpu.memory_space<hbm>> -> memref<9216xi32, #tpu.memory_space<hbm>>
        tpu.enqueue_dma source(%dma_start3A_178 : memref<9216xi32, #tpu.memory_space<hbm>>) target(%arg6 : memref<9216xi32, #tpu.memory_space<vmem>>) target_semaphore(%run_scoped3A_173 : memref<!tpu.dma_semaphore, #tpu.memory_space<semaphore_mem>>)
        %dma_wait3A = arith.constant 0 : i32
        %dma_wait3A_179 = tpu.memref_slice %arg2[%arg1, %dma_wait3A] : memref<16x9216xi32, #tpu.memory_space<hbm>> -> memref<1x9216xi32, #tpu.memory_space<hbm>>
        %dma_wait3A_180 = tpu.memref_squeeze %dma_wait3A_179 : memref<1x9216xi32, #tpu.memory_space<hbm>> -> memref<9216xi32, #tpu.memory_space<hbm>>
        %dma_wait3A_181 = arith.constant 0 : i32
        %dma_wait3A_182 = tpu.memref_slice %arg2[%arg1, %dma_wait3A_181] : memref<16x9216xi32, #tpu.memory_space<hbm>> -> memref<1x9216xi32, #tpu.memory_space<hbm>>
        %dma_wait3A_183 = tpu.memref_squeeze %dma_wait3A_182 : memref<1x9216xi32, #tpu.memory_space<hbm>> -> memref<9216xi32, #tpu.memory_space<hbm>>
        tpu.wait_dma2 semaphore(%run_scoped3A_173 : memref<!tpu.dma_semaphore, #tpu.memory_space<semaphore_mem>>) src(%dma_wait3A_183 : memref<9216xi32, #tpu.memory_space<hbm>>) dst(%arg6 : memref<9216xi32, #tpu.memory_space<vmem>>)
        tpu.yield
      }) : () -> ()
      "tpu.region"() ({
        %run_scoped3A_173 = tpu.sem_alloc : memref<!tpu.dma_semaphore, #tpu.memory_space<semaphore_mem>>
        %dma_start3A = arith.constant 0 : i32
        %dma_start3A_174 = tpu.memref_slice %arg3[%arg1, %dma_start3A] : memref<16x9216xf32, #tpu.memory_space<hbm>> -> memref<1x9216xf32, #tpu.memory_space<hbm>>
        %dma_start3A_175 = tpu.memref_squeeze %dma_start3A_174 : memref<1x9216xf32, #tpu.memory_space<hbm>> -> memref<9216xf32, #tpu.memory_space<hbm>>
        %dma_start3A_176 = arith.constant 0 : i32
        %dma_start3A_177 = tpu.memref_slice %arg3[%arg1, %dma_start3A_176] : memref<16x9216xf32, #tpu.memory_space<hbm>> -> memref<1x9216xf32, #tpu.memory_space<hbm>>
        %dma_start3A_178 = tpu.memref_squeeze %dma_start3A_177 : memref<1x9216xf32, #tpu.memory_space<hbm>> -> memref<9216xf32, #tpu.memory_space<hbm>>
        tpu.enqueue_dma source(%dma_start3A_178 : memref<9216xf32, #tpu.memory_space<hbm>>) target(%arg7 : memref<9216xf32, #tpu.memory_space<vmem>>) target_semaphore(%run_scoped3A_173 : memref<!tpu.dma_semaphore, #tpu.memory_space<semaphore_mem>>)
        %dma_wait3A = arith.constant 0 : i32
        %dma_wait3A_179 = tpu.memref_slice %arg3[%arg1, %dma_wait3A] : memref<16x9216xf32, #tpu.memory_space<hbm>> -> memref<1x9216xf32, #tpu.memory_space<hbm>>
        %dma_wait3A_180 = tpu.memref_squeeze %dma_wait3A_179 : memref<1x9216xf32, #tpu.memory_space<hbm>> -> memref<9216xf32, #tpu.memory_space<hbm>>
        %dma_wait3A_181 = arith.constant 0 : i32
        %dma_wait3A_182 = tpu.memref_slice %arg3[%arg1, %dma_wait3A_181] : memref<16x9216xf32, #tpu.memory_space<hbm>> -> memref<1x9216xf32, #tpu.memory_space<hbm>>
        %dma_wait3A_183 = tpu.memref_squeeze %dma_wait3A_182 : memref<1x9216xf32, #tpu.memory_space<hbm>> -> memref<9216xf32, #tpu.memory_space<hbm>>
        tpu.wait_dma2 semaphore(%run_scoped3A_173 : memref<!tpu.dma_semaphore, #tpu.memory_space<semaphore_mem>>) src(%dma_wait3A_183 : memref<9216xf32, #tpu.memory_space<hbm>>) dst(%arg7 : memref<9216xf32, #tpu.memory_space<vmem>>)
        tpu.yield
      }) : () -> ()
      %run_scoped3A = arith.constant 3 : i32
      "tpu.region"() ({
        %run_scoped3A_173 = tpu.sem_alloc : memref<!tpu.dma_semaphore, #tpu.memory_space<semaphore_mem>>
        %dma_start3A = arith.constant 0 : i32
        %dma_start3A_174 = tpu.memref_slice %arg4[%run_scoped3A, %dma_start3A] : memref<4x16xf32, #tpu.memory_space<hbm>> -> memref<1x16xf32, #tpu.memory_space<hbm>>
        %dma_start3A_175 = tpu.memref_squeeze %dma_start3A_174 : memref<1x16xf32, #tpu.memory_space<hbm>> -> memref<16xf32, #tpu.memory_space<hbm>>
        %dma_start3A_176 = arith.constant 0 : i32
        %dma_start3A_177 = tpu.memref_slice %arg4[%run_scoped3A, %dma_start3A_176] : memref<4x16xf32, #tpu.memory_space<hbm>> -> memref<1x16xf32, #tpu.memory_space<hbm>>
        %dma_start3A_178 = tpu.memref_squeeze %dma_start3A_177 : memref<1x16xf32, #tpu.memory_space<hbm>> -> memref<16xf32, #tpu.memory_space<hbm>>
        tpu.enqueue_dma source(%dma_start3A_178 : memref<16xf32, #tpu.memory_space<hbm>>) target(%arg9 : memref<16xf32, #tpu.memory_space<vmem>>) target_semaphore(%run_scoped3A_173 : memref<!tpu.dma_semaphore, #tpu.memory_space<semaphore_mem>>)
        %dma_wait3A = arith.constant 0 : i32
        %dma_wait3A_179 = tpu.memref_slice %arg4[%run_scoped3A, %dma_wait3A] : memref<4x16xf32, #tpu.memory_space<hbm>> -> memref<1x16xf32, #tpu.memory_space<hbm>>
        %dma_wait3A_180 = tpu.memref_squeeze %dma_wait3A_179 : memref<1x16xf32, #tpu.memory_space<hbm>> -> memref<16xf32, #tpu.memory_space<hbm>>
        %dma_wait3A_181 = arith.constant 0 : i32
        %dma_wait3A_182 = tpu.memref_slice %arg4[%run_scoped3A, %dma_wait3A_181] : memref<4x16xf32, #tpu.memory_space<hbm>> -> memref<1x16xf32, #tpu.memory_space<hbm>>
        %dma_wait3A_183 = tpu.memref_squeeze %dma_wait3A_182 : memref<1x16xf32, #tpu.memory_space<hbm>> -> memref<16xf32, #tpu.memory_space<hbm>>
        tpu.wait_dma2 semaphore(%run_scoped3A_173 : memref<!tpu.dma_semaphore, #tpu.memory_space<semaphore_mem>>) src(%dma_wait3A_183 : memref<16xf32, #tpu.memory_space<hbm>>) dst(%arg9 : memref<16xf32, #tpu.memory_space<vmem>>)
        tpu.yield
      }) : () -> ()
      %iota3A = tpu.iota {dimensions = array<i32: 0>} : vector<16xi32>
      %eq3A_2 = vector.broadcast %arg1 : i32 to vector<16xi32>
      %eq3A_3 = arith.cmpi eq, %iota3A, %eq3A_2 : vector<16xi32>
      %get3A = arith.constant 0 : index
      %get3A_4 = tpu.vector_load %arg9[%get3A] {strides = array<i32>} : memref<16xf32, #tpu.memory_space<vmem>>, vector<16xf32>,
      %jit3A = arith.constant 0.000000e+00 : f32
      %broadcast_in_dim3A = vector.broadcast %jit3A : f32 to vector<16xf32>
      %select_n3A = arith.select %eq3A_3, %get3A_4, %broadcast_in_dim3A : vector<16xi1>, vector<16xf32>
      %reduce_sum3A = arith.constant true
      %reduce_sum3A_5 = vector.broadcast %reduce_sum3A : i1 to vector<16xi1>
      %reduce_sum3A_6 = tpu.scan <sum>, %select_n3A masked %reduce_sum3A_5 : vector<16xf32>, vector<16xi1> -> vector<16xf32>
      %reduce_sum3A_7 = vector.extract %reduce_sum3A_6[15] : f32 from vector<16xf32>
      %convert_element_type3A_8 = arith.fptosi %reduce_sum3A_7 : f32 to i32
      %broadcast_in_dim3A_9 = arith.constant 0 : i32
      %broadcast_in_dim3A_10 = vector.broadcast %broadcast_in_dim3A_9 : i32 to vector<16xi32>
      %broadcast_in_dim3A_11 = arith.constant 1 : i32
      %broadcast_in_dim3A_12 = vector.broadcast %broadcast_in_dim3A_11 : i32 to vector<16xi32>
      %scan3A = arith.constant 0 : i32
      %scan3A_13 = arith.constant 0 : i32
      %scan3A_14 = arith.constant 16 : i32
      %scan3A_15 = arith.addi %scan3A_13, %scan3A_14 : i32
      %scan3A_16 = arith.constant 1 : i32
      scf.for %scan3A_173 = %scan3A_13 to %scan3A_15 step %scan3A_16  : i32 {
        %mul3A_174 = arith.constant 16 : i32
        %mul3A_175 = arith.muli %scan3A_173, %mul3A_174 : i32
        %swap3A_176 = arith.index_cast %mul3A_175 : i32 to index
        %swap3A_177 = tpu.vector_load %arg8[%swap3A_176] {strides = array<i32>} : memref<256xi32, #tpu.memory_space<vmem>>, vector<16xi32>,
        tpu.vector_store %arg8[%swap3A_176], %broadcast_in_dim3A_10 {strides = array<i32>} : memref<256xi32, #tpu.memory_space<vmem>>, vector<16xi32>,
      }
      %scan3A_17 = arith.constant 16 : i32
      %scan3A_18 = arith.constant 0 : i32
      %scan3A_19 = arith.constant 0 : i32
      %scan3A_20 = arith.constant 144 : i32
      %scan3A_21 = arith.addi %scan3A_19, %scan3A_20 : i32
      %scan3A_22 = arith.constant 1 : i32
      scf.for %scan3A_173 = %scan3A_19 to %scan3A_21 step %scan3A_22  : i32 {
        %mul3A_174 = arith.constant 64 : i32
        %mul3A_175 = arith.muli %scan3A_173, %mul3A_174 : i32
        %add3A = arith.constant 0 : i32
        %add3A_176 = arith.addi %mul3A_175, %add3A : i32
        %get3A_177 = arith.index_cast %add3A_176 : i32 to index
        %get3A_178 = tpu.vector_load %arg6[%get3A_177] {strides = array<i32>} : memref<9216xi32, #tpu.memory_space<vmem>>, vector<16xi32>,
        %ge3A = arith.constant 0 : i32
        %ge3A_179 = vector.broadcast %ge3A : i32 to vector<16xi32>
        %ge3A_180 = arith.cmpi sge, %get3A_178, %ge3A_179 : vector<16xi32>
        %shift_right_arithmetic3A = arith.constant 24 : i32
        %shift_right_arithmetic3A_181 = vector.broadcast %shift_right_arithmetic3A : i32 to vector<16xi32>
        %shift_right_arithmetic3A_182 = arith.shrsi %get3A_178, %shift_right_arithmetic3A_181 : vector<16xi32>
        %and3A = arith.constant 255 : i32
        %and3A_183 = vector.broadcast %and3A : i32 to vector<16xi32>
        %and3A_184 = arith.andi %shift_right_arithmetic3A_182, %and3A_183 : vector<16xi32>
        tpu.vector_store_idx %arg8[%and3A_184], %broadcast_in_dim3A_12 masked %ge3A_180 {add = true} : memref<256xi32, #tpu.memory_space<vmem>>[vector<16xi32>], vector<16xi32>, vector<16xi1>
        %mul3A_185 = arith.constant 64 : i32
        %mul3A_186 = arith.muli %scan3A_173, %mul3A_185 : i32
        %add3A_187 = arith.constant 16 : i32
        %add3A_188 = arith.addi %mul3A_186, %add3A_187 : i32
        %get3A_189 = arith.index_cast %add3A_188 : i32 to index
        %get3A_190 = tpu.vector_load %arg6[%get3A_189] {strides = array<i32>} : memref<9216xi32, #tpu.memory_space<vmem>>, vector<16xi32>,
        %ge3A_191 = arith.constant 0 : i32
        %ge3A_192 = vector.broadcast %ge3A_191 : i32 to vector<16xi32>
        %ge3A_193 = arith.cmpi sge, %get3A_190, %ge3A_192 : vector<16xi32>
        %shift_right_arithmetic3A_194 = arith.constant 24 : i32
        %shift_right_arithmetic3A_195 = vector.broadcast %shift_right_arithmetic3A_194 : i32 to vector<16xi32>
        %shift_right_arithmetic3A_196 = arith.shrsi %get3A_190, %shift_right_arithmetic3A_195 : vector<16xi32>
        %and3A_197 = arith.constant 255 : i32
        %and3A_198 = vector.broadcast %and3A_197 : i32 to vector<16xi32>
        %and3A_199 = arith.andi %shift_right_arithmetic3A_196, %and3A_198 : vector<16xi32>
        tpu.vector_store_idx %arg8[%and3A_199], %broadcast_in_dim3A_12 masked %ge3A_193 {add = true} : memref<256xi32, #tpu.memory_space<vmem>>[vector<16xi32>], vector<16xi32>, vector<16xi1>
        %mul3A_200 = arith.constant 64 : i32
        %mul3A_201 = arith.muli %scan3A_173, %mul3A_200 : i32
        %add3A_202 = arith.constant 32 : i32
        %add3A_203 = arith.addi %mul3A_201, %add3A_202 : i32
        %get3A_204 = arith.index_cast %add3A_203 : i32 to index
        %get3A_205 = tpu.vector_load %arg6[%get3A_204] {strides = array<i32>} : memref<9216xi32, #tpu.memory_space<vmem>>, vector<16xi32>,
        %ge3A_206 = arith.constant 0 : i32
        %ge3A_207 = vector.broadcast %ge3A_206 : i32 to vector<16xi32>
        %ge3A_208 = arith.cmpi sge, %get3A_205, %ge3A_207 : vector<16xi32>
        %shift_right_arithmetic3A_209 = arith.constant 24 : i32
        %shift_right_arithmetic3A_210 = vector.broadcast %shift_right_arithmetic3A_209 : i32 to vector<16xi32>
        %shift_right_arithmetic3A_211 = arith.shrsi %get3A_205, %shift_right_arithmetic3A_210 : vector<16xi32>
        %and3A_212 = arith.constant 255 : i32
        %and3A_213 = vector.broadcast %and3A_212 : i32 to vector<16xi32>
        %and3A_214 = arith.andi %shift_right_arithmetic3A_211, %and3A_213 : vector<16xi32>
        tpu.vector_store_idx %arg8[%and3A_214], %broadcast_in_dim3A_12 masked %ge3A_208 {add = true} : memref<256xi32, #tpu.memory_space<vmem>>[vector<16xi32>], vector<16xi32>, vector<16xi1>
        %mul3A_215 = arith.constant 64 : i32
        %mul3A_216 = arith.muli %scan3A_173, %mul3A_215 : i32
        %add3A_217 = arith.constant 48 : i32
        %add3A_218 = arith.addi %mul3A_216, %add3A_217 : i32
        %get3A_219 = arith.index_cast %add3A_218 : i32 to index
        %get3A_220 = tpu.vector_load %arg6[%get3A_219] {strides = array<i32>} : memref<9216xi32, #tpu.memory_space<vmem>>, vector<16xi32>,
        %ge3A_221 = arith.constant 0 : i32
        %ge3A_222 = vector.broadcast %ge3A_221 : i32 to vector<16xi32>
        %ge3A_223 = arith.cmpi sge, %get3A_220, %ge3A_222 : vector<16xi32>
        %shift_right_arithmetic3A_224 = arith.constant 24 : i32
        %shift_right_arithmetic3A_225 = vector.broadcast %shift_right_arithmetic3A_224 : i32 to vector<16xi32>
        %shift_right_arithmetic3A_226 = arith.shrsi %get3A_220, %shift_right_arithmetic3A_225 : vector<16xi32>
        %and3A_227 = arith.constant 255 : i32
        %and3A_228 = vector.broadcast %and3A_227 : i32 to vector<16xi32>
        %and3A_229 = arith.andi %shift_right_arithmetic3A_226, %and3A_228 : vector<16xi32>
        tpu.vector_store_idx %arg8[%and3A_229], %broadcast_in_dim3A_12 masked %ge3A_223 {add = true} : memref<256xi32, #tpu.memory_space<vmem>>[vector<16xi32>], vector<16xi32>, vector<16xi1>
      }
      %scan3A_23 = arith.constant 144 : i32
      %scan3A_24 = arith.constant 0 : i32
      %scan3A_25 = arith.constant 0 : i32
      %scan3A_26 = arith.constant 0 : i32
      %scan3A_27 = arith.constant 16 : i32
      %scan3A_28 = arith.addi %scan3A_26, %scan3A_27 : i32
      %scan3A_29 = arith.constant 1 : i32
      %scan3A_30:2 = scf.for %scan3A_173 = %scan3A_26 to %scan3A_28 step %scan3A_29 iter_args(%scan3A_174 = %scan3A_24, %scan3A_175 = %scan3A_25) -> (i32, i32)  : i32 {
        %sub3A_176 = arith.constant 15 : i32
        %sub3A_177 = arith.subi %sub3A_176, %scan3A_173 : i32
        %mul3A_178 = arith.constant 16 : i32
        %mul3A_179 = arith.muli %sub3A_177, %mul3A_178 : i32
        %get3A_180 = arith.index_cast %mul3A_179 : i32 to index
        %get3A_181 = tpu.vector_load %arg8[%get3A_180] {strides = array<i32>} : memref<256xi32, #tpu.memory_space<vmem>>, vector<16xi32>,
        %rev3A = arith.constant 15 : i32
        %rev3A_182 = vector.broadcast %rev3A : i32 to vector<16xi32>
        %rev3A_183 = tpu.iota {dimensions = array<i32: 0>} : vector<16xi32>
        %rev3A_184 = arith.subi %rev3A_182, %rev3A_183 : vector<16xi32>
        %rev3A_185 = tpu.dynamic_gather %get3A_181[%rev3A_184] in [0] : vector<16xi32>, vector<16xi32> -> vector<16xi32>
        %cumsum3A = arith.constant true
        %cumsum3A_186 = vector.broadcast %cumsum3A : i1 to vector<16xi1>
        %cumsum3A_187 = tpu.scan <sum>, %rev3A_185 masked %cumsum3A_186 : vector<16xi32>, vector<16xi1> -> vector<16xi32>
        %rev3A_188 = arith.constant 15 : i32
        %rev3A_189 = vector.broadcast %rev3A_188 : i32 to vector<16xi32>
        %rev3A_190 = tpu.iota {dimensions = array<i32: 0>} : vector<16xi32>
        %rev3A_191 = arith.subi %rev3A_189, %rev3A_190 : vector<16xi32>
        %rev3A_192 = tpu.dynamic_gather %cumsum3A_187[%rev3A_191] in [0] : vector<16xi32>, vector<16xi32> -> vector<16xi32>
        %add3A = vector.broadcast %scan3A_174 : i32 to vector<16xi32>
        %add3A_193 = arith.addi %rev3A_192, %add3A : vector<16xi32>
        %ge3A = vector.broadcast %convert_element_type3A_8 : i32 to vector<16xi32>
        %ge3A_194 = arith.cmpi sge, %add3A_193, %ge3A : vector<16xi32>
        %jit3A_195 = arith.constant 1 : i32
        %jit3A_196 = arith.constant 0 : i32
        %broadcast_in_dim3A_197 = vector.broadcast %jit3A_195 : i32 to vector<16xi32>
        %broadcast_in_dim3A_198 = vector.broadcast %jit3A_196 : i32 to vector<16xi32>
        %select_n3A_199 = arith.select %ge3A_194, %broadcast_in_dim3A_197, %broadcast_in_dim3A_198 : vector<16xi1>, vector<16xi32>
        %reduce_sum3A_200 = arith.constant true
        %reduce_sum3A_201 = vector.broadcast %reduce_sum3A_200 : i1 to vector<16xi1>
        %reduce_sum3A_202 = tpu.scan <sum>, %select_n3A_199 masked %reduce_sum3A_201 : vector<16xi32>, vector<16xi1> -> vector<16xi32>
        %reduce_sum3A_203 = vector.extract %reduce_sum3A_202[15] : i32 from vector<16xi32>
        %add3A_204 = arith.addi %scan3A_175, %reduce_sum3A_203 : i32
        %reduce_sum3A_205 = arith.constant true
        %reduce_sum3A_206 = vector.broadcast %reduce_sum3A_205 : i1 to vector<16xi1>
        %reduce_sum3A_207 = tpu.scan <sum>, %get3A_181 masked %reduce_sum3A_206 : vector<16xi32>, vector<16xi1> -> vector<16xi32>
        %reduce_sum3A_208 = vector.extract %reduce_sum3A_207[15] : i32 from vector<16xi32>
        %add3A_209 = arith.addi %scan3A_174, %reduce_sum3A_208 : i32
        scf.yield %add3A_209, %add3A_204 : i32, i32
      }
      %scan3A_31 = arith.constant 16 : i32
      %sub3A = arith.constant 1 : i32
      %sub3A_32 = arith.subi %scan3A_30#1, %sub3A : i32
      %scan3A_33 = arith.constant 0 : i32
      %scan3A_34 = arith.constant 0 : i32
      %scan3A_35 = arith.constant 16 : i32
      %scan3A_36 = arith.addi %scan3A_34, %scan3A_35 : i32
      %scan3A_37 = arith.constant 1 : i32
      %scan3A_38 = scf.for %scan3A_173 = %scan3A_34 to %scan3A_36 step %scan3A_37 iter_args(%scan3A_174 = %scan3A_33) -> (i32)  : i32 {
        %mul3A_175 = arith.constant 16 : i32
        %mul3A_176 = arith.muli %scan3A_173, %mul3A_175 : i32
        %add3A = vector.broadcast %mul3A_176 : i32 to vector<16xi32>
        %add3A_177 = arith.addi %iota3A, %add3A : vector<16xi32>
        %mul3A_178 = arith.constant 16 : i32
        %mul3A_179 = arith.muli %scan3A_173, %mul3A_178 : i32
        %get3A_180 = arith.index_cast %mul3A_179 : i32 to index
        %get3A_181 = tpu.vector_load %arg8[%get3A_180] {strides = array<i32>} : memref<256xi32, #tpu.memory_space<vmem>>, vector<16xi32>,
        %gt3A_182 = vector.broadcast %sub3A_32 : i32 to vector<16xi32>
        %gt3A_183 = arith.cmpi sgt, %add3A_177, %gt3A_182 : vector<16xi32>
        %jit3A_184 = arith.constant 0 : i32
        %broadcast_in_dim3A_185 = vector.broadcast %jit3A_184 : i32 to vector<16xi32>
        %select_n3A_186 = arith.select %gt3A_183, %get3A_181, %broadcast_in_dim3A_185 : vector<16xi1>, vector<16xi32>
        %reduce_sum3A_187 = arith.constant true
        %reduce_sum3A_188 = vector.broadcast %reduce_sum3A_187 : i1 to vector<16xi1>
        %reduce_sum3A_189 = tpu.scan <sum>, %select_n3A_186 masked %reduce_sum3A_188 : vector<16xi32>, vector<16xi1> -> vector<16xi32>
        %reduce_sum3A_190 = vector.extract %reduce_sum3A_189[15] : i32 from vector<16xi32>
        %add3A_191 = arith.addi %scan3A_174, %reduce_sum3A_190 : i32
        scf.yield %add3A_191 : i32
      }
      %scan3A_39 = arith.constant 16 : i32
      %sub3A_40 = arith.subi %convert_element_type3A_8, %scan3A_38 : i32
      %shift_left3A = arith.constant 0 : i32
      %shift_left3A_41 = arith.constant 8 : i32
      %shift_left3A_42 = arith.shli %shift_left3A, %shift_left3A_41 : i32
      %or3A = arith.ori %shift_left3A_42, %sub3A_32 : i32
      %scan3A_43 = arith.constant 0 : i32
      %scan3A_44 = arith.constant 0 : i32
      %scan3A_45 = arith.constant 16 : i32
      %scan3A_46 = arith.addi %scan3A_44, %scan3A_45 : i32
      %scan3A_47 = arith.constant 1 : i32
      scf.for %scan3A_173 = %scan3A_44 to %scan3A_46 step %scan3A_47  : i32 {
        %mul3A_174 = arith.constant 16 : i32
        %mul3A_175 = arith.muli %scan3A_173, %mul3A_174 : i32
        %swap3A_176 = arith.index_cast %mul3A_175 : i32 to index
        %swap3A_177 = tpu.vector_load %arg8[%swap3A_176] {strides = array<i32>} : memref<256xi32, #tpu.memory_space<vmem>>, vector<16xi32>,
        tpu.vector_store %arg8[%swap3A_176], %broadcast_in_dim3A_10 {strides = array<i32>} : memref<256xi32, #tpu.memory_space<vmem>>, vector<16xi32>,
      }
      %scan3A_48 = arith.constant 16 : i32
      %scan3A_49 = arith.constant 0 : i32
      %scan3A_50 = arith.constant 144 : i32
      %scan3A_51 = arith.addi %scan3A_49, %scan3A_50 : i32
      %scan3A_52 = arith.constant 1 : i32
      scf.for %scan3A_173 = %scan3A_49 to %scan3A_51 step %scan3A_52  : i32 {
        %mul3A_174 = arith.constant 64 : i32
        %mul3A_175 = arith.muli %scan3A_173, %mul3A_174 : i32
        %add3A = arith.constant 0 : i32
        %add3A_176 = arith.addi %mul3A_175, %add3A : i32
        %get3A_177 = arith.index_cast %add3A_176 : i32 to index
        %get3A_178 = tpu.vector_load %arg6[%get3A_177] {strides = array<i32>} : memref<9216xi32, #tpu.memory_space<vmem>>, vector<16xi32>,
        %shift_right_arithmetic3A = arith.constant 24 : i32
        %shift_right_arithmetic3A_179 = vector.broadcast %shift_right_arithmetic3A : i32 to vector<16xi32>
        %shift_right_arithmetic3A_180 = arith.shrsi %get3A_178, %shift_right_arithmetic3A_179 : vector<16xi32>
        %eq3A_181 = vector.broadcast %or3A : i32 to vector<16xi32>
        %eq3A_182 = arith.cmpi eq, %shift_right_arithmetic3A_180, %eq3A_181 : vector<16xi32>
        %shift_right_arithmetic3A_183 = arith.constant 16 : i32
        %shift_right_arithmetic3A_184 = vector.broadcast %shift_right_arithmetic3A_183 : i32 to vector<16xi32>
        %shift_right_arithmetic3A_185 = arith.shrsi %get3A_178, %shift_right_arithmetic3A_184 : vector<16xi32>
        %and3A = arith.constant 255 : i32
        %and3A_186 = vector.broadcast %and3A : i32 to vector<16xi32>
        %and3A_187 = arith.andi %shift_right_arithmetic3A_185, %and3A_186 : vector<16xi32>
        tpu.vector_store_idx %arg8[%and3A_187], %broadcast_in_dim3A_12 masked %eq3A_182 {add = true} : memref<256xi32, #tpu.memory_space<vmem>>[vector<16xi32>], vector<16xi32>, vector<16xi1>
        %mul3A_188 = arith.constant 64 : i32
        %mul3A_189 = arith.muli %scan3A_173, %mul3A_188 : i32
        %add3A_190 = arith.constant 16 : i32
        %add3A_191 = arith.addi %mul3A_189, %add3A_190 : i32
        %get3A_192 = arith.index_cast %add3A_191 : i32 to index
        %get3A_193 = tpu.vector_load %arg6[%get3A_192] {strides = array<i32>} : memref<9216xi32, #tpu.memory_space<vmem>>, vector<16xi32>,
        %shift_right_arithmetic3A_194 = arith.constant 24 : i32
        %shift_right_arithmetic3A_195 = vector.broadcast %shift_right_arithmetic3A_194 : i32 to vector<16xi32>
        %shift_right_arithmetic3A_196 = arith.shrsi %get3A_193, %shift_right_arithmetic3A_195 : vector<16xi32>
        %eq3A_197 = vector.broadcast %or3A : i32 to vector<16xi32>
        %eq3A_198 = arith.cmpi eq, %shift_right_arithmetic3A_196, %eq3A_197 : vector<16xi32>
        %shift_right_arithmetic3A_199 = arith.constant 16 : i32
        %shift_right_arithmetic3A_200 = vector.broadcast %shift_right_arithmetic3A_199 : i32 to vector<16xi32>
        %shift_right_arithmetic3A_201 = arith.shrsi %get3A_193, %shift_right_arithmetic3A_200 : vector<16xi32>
        %and3A_202 = arith.constant 255 : i32
        %and3A_203 = vector.broadcast %and3A_202 : i32 to vector<16xi32>
        %and3A_204 = arith.andi %shift_right_arithmetic3A_201, %and3A_203 : vector<16xi32>
        tpu.vector_store_idx %arg8[%and3A_204], %broadcast_in_dim3A_12 masked %eq3A_198 {add = true} : memref<256xi32, #tpu.memory_space<vmem>>[vector<16xi32>], vector<16xi32>, vector<16xi1>
        %mul3A_205 = arith.constant 64 : i32
        %mul3A_206 = arith.muli %scan3A_173, %mul3A_205 : i32
        %add3A_207 = arith.constant 32 : i32
        %add3A_208 = arith.addi %mul3A_206, %add3A_207 : i32
        %get3A_209 = arith.index_cast %add3A_208 : i32 to index
        %get3A_210 = tpu.vector_load %arg6[%get3A_209] {strides = array<i32>} : memref<9216xi32, #tpu.memory_space<vmem>>, vector<16xi32>,
        %shift_right_arithmetic3A_211 = arith.constant 24 : i32
        %shift_right_arithmetic3A_212 = vector.broadcast %shift_right_arithmetic3A_211 : i32 to vector<16xi32>
        %shift_right_arithmetic3A_213 = arith.shrsi %get3A_210, %shift_right_arithmetic3A_212 : vector<16xi32>
        %eq3A_214 = vector.broadcast %or3A : i32 to vector<16xi32>
        %eq3A_215 = arith.cmpi eq, %shift_right_arithmetic3A_213, %eq3A_214 : vector<16xi32>
        %shift_right_arithmetic3A_216 = arith.constant 16 : i32
        %shift_right_arithmetic3A_217 = vector.broadcast %shift_right_arithmetic3A_216 : i32 to vector<16xi32>
        %shift_right_arithmetic3A_218 = arith.shrsi %get3A_210, %shift_right_arithmetic3A_217 : vector<16xi32>
        %and3A_219 = arith.constant 255 : i32
        %and3A_220 = vector.broadcast %and3A_219 : i32 to vector<16xi32>
        %and3A_221 = arith.andi %shift_right_arithmetic3A_218, %and3A_220 : vector<16xi32>
        tpu.vector_store_idx %arg8[%and3A_221], %broadcast_in_dim3A_12 masked %eq3A_215 {add = true} : memref<256xi32, #tpu.memory_space<vmem>>[vector<16xi32>], vector<16xi32>, vector<16xi1>
        %mul3A_222 = arith.constant 64 : i32
        %mul3A_223 = arith.muli %scan3A_173, %mul3A_222 : i32
        %add3A_224 = arith.constant 48 : i32
        %add3A_225 = arith.addi %mul3A_223, %add3A_224 : i32
        %get3A_226 = arith.index_cast %add3A_225 : i32 to index
        %get3A_227 = tpu.vector_load %arg6[%get3A_226] {strides = array<i32>} : memref<9216xi32, #tpu.memory_space<vmem>>, vector<16xi32>,
        %shift_right_arithmetic3A_228 = arith.constant 24 : i32
        %shift_right_arithmetic3A_229 = vector.broadcast %shift_right_arithmetic3A_228 : i32 to vector<16xi32>
        %shift_right_arithmetic3A_230 = arith.shrsi %get3A_227, %shift_right_arithmetic3A_229 : vector<16xi32>
        %eq3A_231 = vector.broadcast %or3A : i32 to vector<16xi32>
        %eq3A_232 = arith.cmpi eq, %shift_right_arithmetic3A_230, %eq3A_231 : vector<16xi32>
        %shift_right_arithmetic3A_233 = arith.constant 16 : i32
        %shift_right_arithmetic3A_234 = vector.broadcast %shift_right_arithmetic3A_233 : i32 to vector<16xi32>
        %shift_right_arithmetic3A_235 = arith.shrsi %get3A_227, %shift_right_arithmetic3A_234 : vector<16xi32>
        %and3A_236 = arith.constant 255 : i32
        %and3A_237 = vector.broadcast %and3A_236 : i32 to vector<16xi32>
        %and3A_238 = arith.andi %shift_right_arithmetic3A_235, %and3A_237 : vector<16xi32>
        tpu.vector_store_idx %arg8[%and3A_238], %broadcast_in_dim3A_12 masked %eq3A_232 {add = true} : memref<256xi32, #tpu.memory_space<vmem>>[vector<16xi32>], vector<16xi32>, vector<16xi1>
      }
      %scan3A_53 = arith.constant 144 : i32
      %scan3A_54 = arith.constant 0 : i32
      %scan3A_55 = arith.constant 0 : i32
      %scan3A_56 = arith.constant 0 : i32
      %scan3A_57 = arith.constant 16 : i32
      %scan3A_58 = arith.addi %scan3A_56, %scan3A_57 : i32
      %scan3A_59 = arith.constant 1 : i32
      %scan3A_60:2 = scf.for %scan3A_173 = %scan3A_56 to %scan3A_58 step %scan3A_59 iter_args(%scan3A_174 = %scan3A_54, %scan3A_175 = %scan3A_55) -> (i32, i32)  : i32 {
        %sub3A_176 = arith.constant 15 : i32
        %sub3A_177 = arith.subi %sub3A_176, %scan3A_173 : i32
        %mul3A_178 = arith.constant 16 : i32
        %mul3A_179 = arith.muli %sub3A_177, %mul3A_178 : i32
        %get3A_180 = arith.index_cast %mul3A_179 : i32 to index
        %get3A_181 = tpu.vector_load %arg8[%get3A_180] {strides = array<i32>} : memref<256xi32, #tpu.memory_space<vmem>>, vector<16xi32>,
        %rev3A = arith.constant 15 : i32
        %rev3A_182 = vector.broadcast %rev3A : i32 to vector<16xi32>
        %rev3A_183 = tpu.iota {dimensions = array<i32: 0>} : vector<16xi32>
        %rev3A_184 = arith.subi %rev3A_182, %rev3A_183 : vector<16xi32>
        %rev3A_185 = tpu.dynamic_gather %get3A_181[%rev3A_184] in [0] : vector<16xi32>, vector<16xi32> -> vector<16xi32>
        %cumsum3A = arith.constant true
        %cumsum3A_186 = vector.broadcast %cumsum3A : i1 to vector<16xi1>
        %cumsum3A_187 = tpu.scan <sum>, %rev3A_185 masked %cumsum3A_186 : vector<16xi32>, vector<16xi1> -> vector<16xi32>
        %rev3A_188 = arith.constant 15 : i32
        %rev3A_189 = vector.broadcast %rev3A_188 : i32 to vector<16xi32>
        %rev3A_190 = tpu.iota {dimensions = array<i32: 0>} : vector<16xi32>
        %rev3A_191 = arith.subi %rev3A_189, %rev3A_190 : vector<16xi32>
        %rev3A_192 = tpu.dynamic_gather %cumsum3A_187[%rev3A_191] in [0] : vector<16xi32>, vector<16xi32> -> vector<16xi32>
        %add3A = vector.broadcast %scan3A_174 : i32 to vector<16xi32>
        %add3A_193 = arith.addi %rev3A_192, %add3A : vector<16xi32>
        %ge3A = vector.broadcast %sub3A_40 : i32 to vector<16xi32>
        %ge3A_194 = arith.cmpi sge, %add3A_193, %ge3A : vector<16xi32>
        %jit3A_195 = arith.constant 1 : i32
        %jit3A_196 = arith.constant 0 : i32
        %broadcast_in_dim3A_197 = vector.broadcast %jit3A_195 : i32 to vector<16xi32>
        %broadcast_in_dim3A_198 = vector.broadcast %jit3A_196 : i32 to vector<16xi32>
        %select_n3A_199 = arith.select %ge3A_194, %broadcast_in_dim3A_197, %broadcast_in_dim3A_198 : vector<16xi1>, vector<16xi32>
        %reduce_sum3A_200 = arith.constant true
        %reduce_sum3A_201 = vector.broadcast %reduce_sum3A_200 : i1 to vector<16xi1>
        %reduce_sum3A_202 = tpu.scan <sum>, %select_n3A_199 masked %reduce_sum3A_201 : vector<16xi32>, vector<16xi1> -> vector<16xi32>
        %reduce_sum3A_203 = vector.extract %reduce_sum3A_202[15] : i32 from vector<16xi32>
        %add3A_204 = arith.addi %scan3A_175, %reduce_sum3A_203 : i32
        %reduce_sum3A_205 = arith.constant true
        %reduce_sum3A_206 = vector.broadcast %reduce_sum3A_205 : i1 to vector<16xi1>
        %reduce_sum3A_207 = tpu.scan <sum>, %get3A_181 masked %reduce_sum3A_206 : vector<16xi32>, vector<16xi1> -> vector<16xi32>
        %reduce_sum3A_208 = vector.extract %reduce_sum3A_207[15] : i32 from vector<16xi32>
        %add3A_209 = arith.addi %scan3A_174, %reduce_sum3A_208 : i32
        scf.yield %add3A_209, %add3A_204 : i32, i32
      }
      %scan3A_61 = arith.constant 16 : i32
      %sub3A_62 = arith.constant 1 : i32
      %sub3A_63 = arith.subi %scan3A_60#1, %sub3A_62 : i32
      %scan3A_64 = arith.constant 0 : i32
      %scan3A_65 = arith.constant 0 : i32
      %scan3A_66 = arith.constant 16 : i32
      %scan3A_67 = arith.addi %scan3A_65, %scan3A_66 : i32
      %scan3A_68 = arith.constant 1 : i32
      %scan3A_69 = scf.for %scan3A_173 = %scan3A_65 to %scan3A_67 step %scan3A_68 iter_args(%scan3A_174 = %scan3A_64) -> (i32)  : i32 {
        %mul3A_175 = arith.constant 16 : i32
        %mul3A_176 = arith.muli %scan3A_173, %mul3A_175 : i32
        %add3A = vector.broadcast %mul3A_176 : i32 to vector<16xi32>
        %add3A_177 = arith.addi %iota3A, %add3A : vector<16xi32>
        %mul3A_178 = arith.constant 16 : i32
        %mul3A_179 = arith.muli %scan3A_173, %mul3A_178 : i32
        %get3A_180 = arith.index_cast %mul3A_179 : i32 to index
        %get3A_181 = tpu.vector_load %arg8[%get3A_180] {strides = array<i32>} : memref<256xi32, #tpu.memory_space<vmem>>, vector<16xi32>,
        %gt3A_182 = vector.broadcast %sub3A_63 : i32 to vector<16xi32>
        %gt3A_183 = arith.cmpi sgt, %add3A_177, %gt3A_182 : vector<16xi32>
        %jit3A_184 = arith.constant 0 : i32
        %broadcast_in_dim3A_185 = vector.broadcast %jit3A_184 : i32 to vector<16xi32>
        %select_n3A_186 = arith.select %gt3A_183, %get3A_181, %broadcast_in_dim3A_185 : vector<16xi1>, vector<16xi32>
        %reduce_sum3A_187 = arith.constant true
        %reduce_sum3A_188 = vector.broadcast %reduce_sum3A_187 : i1 to vector<16xi1>
        %reduce_sum3A_189 = tpu.scan <sum>, %select_n3A_186 masked %reduce_sum3A_188 : vector<16xi32>, vector<16xi1> -> vector<16xi32>
        %reduce_sum3A_190 = vector.extract %reduce_sum3A_189[15] : i32 from vector<16xi32>
        %add3A_191 = arith.addi %scan3A_174, %reduce_sum3A_190 : i32
        scf.yield %add3A_191 : i32
      }
      %scan3A_70 = arith.constant 16 : i32
      %sub3A_71 = arith.subi %sub3A_40, %scan3A_69 : i32
      %shift_left3A_72 = arith.constant 8 : i32
      %shift_left3A_73 = arith.shli %or3A, %shift_left3A_72 : i32
      %or3A_74 = arith.ori %shift_left3A_73, %sub3A_63 : i32
      %scan3A_75 = arith.constant 0 : i32
      %scan3A_76 = arith.constant 0 : i32
      %scan3A_77 = arith.constant 16 : i32
      %scan3A_78 = arith.addi %scan3A_76, %scan3A_77 : i32
      %scan3A_79 = arith.constant 1 : i32
      scf.for %scan3A_173 = %scan3A_76 to %scan3A_78 step %scan3A_79  : i32 {
        %mul3A_174 = arith.constant 16 : i32
        %mul3A_175 = arith.muli %scan3A_173, %mul3A_174 : i32
        %swap3A_176 = arith.index_cast %mul3A_175 : i32 to index
        %swap3A_177 = tpu.vector_load %arg8[%swap3A_176] {strides = array<i32>} : memref<256xi32, #tpu.memory_space<vmem>>, vector<16xi32>,
        tpu.vector_store %arg8[%swap3A_176], %broadcast_in_dim3A_10 {strides = array<i32>} : memref<256xi32, #tpu.memory_space<vmem>>, vector<16xi32>,
      }
      %scan3A_80 = arith.constant 16 : i32
      %scan3A_81 = arith.constant 0 : i32
      %scan3A_82 = arith.constant 144 : i32
      %scan3A_83 = arith.addi %scan3A_81, %scan3A_82 : i32
      %scan3A_84 = arith.constant 1 : i32
      scf.for %scan3A_173 = %scan3A_81 to %scan3A_83 step %scan3A_84  : i32 {
        %mul3A_174 = arith.constant 64 : i32
        %mul3A_175 = arith.muli %scan3A_173, %mul3A_174 : i32
        %add3A = arith.constant 0 : i32
        %add3A_176 = arith.addi %mul3A_175, %add3A : i32
        %get3A_177 = arith.index_cast %add3A_176 : i32 to index
        %get3A_178 = tpu.vector_load %arg6[%get3A_177] {strides = array<i32>} : memref<9216xi32, #tpu.memory_space<vmem>>, vector<16xi32>,
        %shift_right_arithmetic3A = arith.constant 16 : i32
        %shift_right_arithmetic3A_179 = vector.broadcast %shift_right_arithmetic3A : i32 to vector<16xi32>
        %shift_right_arithmetic3A_180 = arith.shrsi %get3A_178, %shift_right_arithmetic3A_179 : vector<16xi32>
        %eq3A_181 = vector.broadcast %or3A_74 : i32 to vector<16xi32>
        %eq3A_182 = arith.cmpi eq, %shift_right_arithmetic3A_180, %eq3A_181 : vector<16xi32>
        %shift_right_arithmetic3A_183 = arith.constant 8 : i32
        %shift_right_arithmetic3A_184 = vector.broadcast %shift_right_arithmetic3A_183 : i32 to vector<16xi32>
        %shift_right_arithmetic3A_185 = arith.shrsi %get3A_178, %shift_right_arithmetic3A_184 : vector<16xi32>
        %and3A = arith.constant 255 : i32
        %and3A_186 = vector.broadcast %and3A : i32 to vector<16xi32>
        %and3A_187 = arith.andi %shift_right_arithmetic3A_185, %and3A_186 : vector<16xi32>
        tpu.vector_store_idx %arg8[%and3A_187], %broadcast_in_dim3A_12 masked %eq3A_182 {add = true} : memref<256xi32, #tpu.memory_space<vmem>>[vector<16xi32>], vector<16xi32>, vector<16xi1>
        %mul3A_188 = arith.constant 64 : i32
        %mul3A_189 = arith.muli %scan3A_173, %mul3A_188 : i32
        %add3A_190 = arith.constant 16 : i32
        %add3A_191 = arith.addi %mul3A_189, %add3A_190 : i32
        %get3A_192 = arith.index_cast %add3A_191 : i32 to index
        %get3A_193 = tpu.vector_load %arg6[%get3A_192] {strides = array<i32>} : memref<9216xi32, #tpu.memory_space<vmem>>, vector<16xi32>,
        %shift_right_arithmetic3A_194 = arith.constant 16 : i32
        %shift_right_arithmetic3A_195 = vector.broadcast %shift_right_arithmetic3A_194 : i32 to vector<16xi32>
        %shift_right_arithmetic3A_196 = arith.shrsi %get3A_193, %shift_right_arithmetic3A_195 : vector<16xi32>
        %eq3A_197 = vector.broadcast %or3A_74 : i32 to vector<16xi32>
        %eq3A_198 = arith.cmpi eq, %shift_right_arithmetic3A_196, %eq3A_197 : vector<16xi32>
        %shift_right_arithmetic3A_199 = arith.constant 8 : i32
        %shift_right_arithmetic3A_200 = vector.broadcast %shift_right_arithmetic3A_199 : i32 to vector<16xi32>
        %shift_right_arithmetic3A_201 = arith.shrsi %get3A_193, %shift_right_arithmetic3A_200 : vector<16xi32>
        %and3A_202 = arith.constant 255 : i32
        %and3A_203 = vector.broadcast %and3A_202 : i32 to vector<16xi32>
        %and3A_204 = arith.andi %shift_right_arithmetic3A_201, %and3A_203 : vector<16xi32>
        tpu.vector_store_idx %arg8[%and3A_204], %broadcast_in_dim3A_12 masked %eq3A_198 {add = true} : memref<256xi32, #tpu.memory_space<vmem>>[vector<16xi32>], vector<16xi32>, vector<16xi1>
        %mul3A_205 = arith.constant 64 : i32
        %mul3A_206 = arith.muli %scan3A_173, %mul3A_205 : i32
        %add3A_207 = arith.constant 32 : i32
        %add3A_208 = arith.addi %mul3A_206, %add3A_207 : i32
        %get3A_209 = arith.index_cast %add3A_208 : i32 to index
        %get3A_210 = tpu.vector_load %arg6[%get3A_209] {strides = array<i32>} : memref<9216xi32, #tpu.memory_space<vmem>>, vector<16xi32>,
        %shift_right_arithmetic3A_211 = arith.constant 16 : i32
        %shift_right_arithmetic3A_212 = vector.broadcast %shift_right_arithmetic3A_211 : i32 to vector<16xi32>
        %shift_right_arithmetic3A_213 = arith.shrsi %get3A_210, %shift_right_arithmetic3A_212 : vector<16xi32>
        %eq3A_214 = vector.broadcast %or3A_74 : i32 to vector<16xi32>
        %eq3A_215 = arith.cmpi eq, %shift_right_arithmetic3A_213, %eq3A_214 : vector<16xi32>
        %shift_right_arithmetic3A_216 = arith.constant 8 : i32
        %shift_right_arithmetic3A_217 = vector.broadcast %shift_right_arithmetic3A_216 : i32 to vector<16xi32>
        %shift_right_arithmetic3A_218 = arith.shrsi %get3A_210, %shift_right_arithmetic3A_217 : vector<16xi32>
        %and3A_219 = arith.constant 255 : i32
        %and3A_220 = vector.broadcast %and3A_219 : i32 to vector<16xi32>
        %and3A_221 = arith.andi %shift_right_arithmetic3A_218, %and3A_220 : vector<16xi32>
        tpu.vector_store_idx %arg8[%and3A_221], %broadcast_in_dim3A_12 masked %eq3A_215 {add = true} : memref<256xi32, #tpu.memory_space<vmem>>[vector<16xi32>], vector<16xi32>, vector<16xi1>
        %mul3A_222 = arith.constant 64 : i32
        %mul3A_223 = arith.muli %scan3A_173, %mul3A_222 : i32
        %add3A_224 = arith.constant 48 : i32
        %add3A_225 = arith.addi %mul3A_223, %add3A_224 : i32
        %get3A_226 = arith.index_cast %add3A_225 : i32 to index
        %get3A_227 = tpu.vector_load %arg6[%get3A_226] {strides = array<i32>} : memref<9216xi32, #tpu.memory_space<vmem>>, vector<16xi32>,
        %shift_right_arithmetic3A_228 = arith.constant 16 : i32
        %shift_right_arithmetic3A_229 = vector.broadcast %shift_right_arithmetic3A_228 : i32 to vector<16xi32>
        %shift_right_arithmetic3A_230 = arith.shrsi %get3A_227, %shift_right_arithmetic3A_229 : vector<16xi32>
        %eq3A_231 = vector.broadcast %or3A_74 : i32 to vector<16xi32>
        %eq3A_232 = arith.cmpi eq, %shift_right_arithmetic3A_230, %eq3A_231 : vector<16xi32>
        %shift_right_arithmetic3A_233 = arith.constant 8 : i32
        %shift_right_arithmetic3A_234 = vector.broadcast %shift_right_arithmetic3A_233 : i32 to vector<16xi32>
        %shift_right_arithmetic3A_235 = arith.shrsi %get3A_227, %shift_right_arithmetic3A_234 : vector<16xi32>
        %and3A_236 = arith.constant 255 : i32
        %and3A_237 = vector.broadcast %and3A_236 : i32 to vector<16xi32>
        %and3A_238 = arith.andi %shift_right_arithmetic3A_235, %and3A_237 : vector<16xi32>
        tpu.vector_store_idx %arg8[%and3A_238], %broadcast_in_dim3A_12 masked %eq3A_232 {add = true} : memref<256xi32, #tpu.memory_space<vmem>>[vector<16xi32>], vector<16xi32>, vector<16xi1>
      }
      %scan3A_85 = arith.constant 144 : i32
      %scan3A_86 = arith.constant 0 : i32
      %scan3A_87 = arith.constant 0 : i32
      %scan3A_88 = arith.constant 0 : i32
      %scan3A_89 = arith.constant 16 : i32
      %scan3A_90 = arith.addi %scan3A_88, %scan3A_89 : i32
      %scan3A_91 = arith.constant 1 : i32
      %scan3A_92:2 = scf.for %scan3A_173 = %scan3A_88 to %scan3A_90 step %scan3A_91 iter_args(%scan3A_174 = %scan3A_86, %scan3A_175 = %scan3A_87) -> (i32, i32)  : i32 {
        %sub3A_176 = arith.constant 15 : i32
        %sub3A_177 = arith.subi %sub3A_176, %scan3A_173 : i32
        %mul3A_178 = arith.constant 16 : i32
        %mul3A_179 = arith.muli %sub3A_177, %mul3A_178 : i32
        %get3A_180 = arith.index_cast %mul3A_179 : i32 to index
        %get3A_181 = tpu.vector_load %arg8[%get3A_180] {strides = array<i32>} : memref<256xi32, #tpu.memory_space<vmem>>, vector<16xi32>,
        %rev3A = arith.constant 15 : i32
        %rev3A_182 = vector.broadcast %rev3A : i32 to vector<16xi32>
        %rev3A_183 = tpu.iota {dimensions = array<i32: 0>} : vector<16xi32>
        %rev3A_184 = arith.subi %rev3A_182, %rev3A_183 : vector<16xi32>
        %rev3A_185 = tpu.dynamic_gather %get3A_181[%rev3A_184] in [0] : vector<16xi32>, vector<16xi32> -> vector<16xi32>
        %cumsum3A = arith.constant true
        %cumsum3A_186 = vector.broadcast %cumsum3A : i1 to vector<16xi1>
        %cumsum3A_187 = tpu.scan <sum>, %rev3A_185 masked %cumsum3A_186 : vector<16xi32>, vector<16xi1> -> vector<16xi32>
        %rev3A_188 = arith.constant 15 : i32
        %rev3A_189 = vector.broadcast %rev3A_188 : i32 to vector<16xi32>
        %rev3A_190 = tpu.iota {dimensions = array<i32: 0>} : vector<16xi32>
        %rev3A_191 = arith.subi %rev3A_189, %rev3A_190 : vector<16xi32>
        %rev3A_192 = tpu.dynamic_gather %cumsum3A_187[%rev3A_191] in [0] : vector<16xi32>, vector<16xi32> -> vector<16xi32>
        %add3A = vector.broadcast %scan3A_174 : i32 to vector<16xi32>
        %add3A_193 = arith.addi %rev3A_192, %add3A : vector<16xi32>
        %ge3A = vector.broadcast %sub3A_71 : i32 to vector<16xi32>
        %ge3A_194 = arith.cmpi sge, %add3A_193, %ge3A : vector<16xi32>
        %jit3A_195 = arith.constant 1 : i32
        %jit3A_196 = arith.constant 0 : i32
        %broadcast_in_dim3A_197 = vector.broadcast %jit3A_195 : i32 to vector<16xi32>
        %broadcast_in_dim3A_198 = vector.broadcast %jit3A_196 : i32 to vector<16xi32>
        %select_n3A_199 = arith.select %ge3A_194, %broadcast_in_dim3A_197, %broadcast_in_dim3A_198 : vector<16xi1>, vector<16xi32>
        %reduce_sum3A_200 = arith.constant true
        %reduce_sum3A_201 = vector.broadcast %reduce_sum3A_200 : i1 to vector<16xi1>
        %reduce_sum3A_202 = tpu.scan <sum>, %select_n3A_199 masked %reduce_sum3A_201 : vector<16xi32>, vector<16xi1> -> vector<16xi32>
        %reduce_sum3A_203 = vector.extract %reduce_sum3A_202[15] : i32 from vector<16xi32>
        %add3A_204 = arith.addi %scan3A_175, %reduce_sum3A_203 : i32
        %reduce_sum3A_205 = arith.constant true
        %reduce_sum3A_206 = vector.broadcast %reduce_sum3A_205 : i1 to vector<16xi1>
        %reduce_sum3A_207 = tpu.scan <sum>, %get3A_181 masked %reduce_sum3A_206 : vector<16xi32>, vector<16xi1> -> vector<16xi32>
        %reduce_sum3A_208 = vector.extract %reduce_sum3A_207[15] : i32 from vector<16xi32>
        %add3A_209 = arith.addi %scan3A_174, %reduce_sum3A_208 : i32
        scf.yield %add3A_209, %add3A_204 : i32, i32
      }
      %scan3A_93 = arith.constant 16 : i32
      %sub3A_94 = arith.constant 1 : i32
      %sub3A_95 = arith.subi %scan3A_92#1, %sub3A_94 : i32
      %scan3A_96 = arith.constant 0 : i32
      %scan3A_97 = arith.constant 0 : i32
      %scan3A_98 = arith.constant 16 : i32
      %scan3A_99 = arith.addi %scan3A_97, %scan3A_98 : i32
      %scan3A_100 = arith.constant 1 : i32
      %scan3A_101 = scf.for %scan3A_173 = %scan3A_97 to %scan3A_99 step %scan3A_100 iter_args(%scan3A_174 = %scan3A_96) -> (i32)  : i32 {
        %mul3A_175 = arith.constant 16 : i32
        %mul3A_176 = arith.muli %scan3A_173, %mul3A_175 : i32
        %add3A = vector.broadcast %mul3A_176 : i32 to vector<16xi32>
        %add3A_177 = arith.addi %iota3A, %add3A : vector<16xi32>
        %mul3A_178 = arith.constant 16 : i32
        %mul3A_179 = arith.muli %scan3A_173, %mul3A_178 : i32
        %get3A_180 = arith.index_cast %mul3A_179 : i32 to index
        %get3A_181 = tpu.vector_load %arg8[%get3A_180] {strides = array<i32>} : memref<256xi32, #tpu.memory_space<vmem>>, vector<16xi32>,
        %gt3A_182 = vector.broadcast %sub3A_95 : i32 to vector<16xi32>
        %gt3A_183 = arith.cmpi sgt, %add3A_177, %gt3A_182 : vector<16xi32>
        %jit3A_184 = arith.constant 0 : i32
        %broadcast_in_dim3A_185 = vector.broadcast %jit3A_184 : i32 to vector<16xi32>
        %select_n3A_186 = arith.select %gt3A_183, %get3A_181, %broadcast_in_dim3A_185 : vector<16xi1>, vector<16xi32>
        %reduce_sum3A_187 = arith.constant true
        %reduce_sum3A_188 = vector.broadcast %reduce_sum3A_187 : i1 to vector<16xi1>
        %reduce_sum3A_189 = tpu.scan <sum>, %select_n3A_186 masked %reduce_sum3A_188 : vector<16xi32>, vector<16xi1> -> vector<16xi32>
        %reduce_sum3A_190 = vector.extract %reduce_sum3A_189[15] : i32 from vector<16xi32>
        %add3A_191 = arith.addi %scan3A_174, %reduce_sum3A_190 : i32
        scf.yield %add3A_191 : i32
      }
      %scan3A_102 = arith.constant 16 : i32
      %sub3A_103 = arith.subi %sub3A_71, %scan3A_101 : i32
      %shift_left3A_104 = arith.constant 8 : i32
      %shift_left3A_105 = arith.shli %or3A_74, %shift_left3A_104 : i32
      %or3A_106 = arith.ori %shift_left3A_105, %sub3A_95 : i32
      %scan3A_107 = arith.constant 0 : i32
      %scan3A_108 = arith.constant 0 : i32
      %scan3A_109 = arith.constant 16 : i32
      %scan3A_110 = arith.addi %scan3A_108, %scan3A_109 : i32
      %scan3A_111 = arith.constant 1 : i32
      scf.for %scan3A_173 = %scan3A_108 to %scan3A_110 step %scan3A_111  : i32 {
        %mul3A_174 = arith.constant 16 : i32
        %mul3A_175 = arith.muli %scan3A_173, %mul3A_174 : i32
        %swap3A_176 = arith.index_cast %mul3A_175 : i32 to index
        %swap3A_177 = tpu.vector_load %arg8[%swap3A_176] {strides = array<i32>} : memref<256xi32, #tpu.memory_space<vmem>>, vector<16xi32>,
        tpu.vector_store %arg8[%swap3A_176], %broadcast_in_dim3A_10 {strides = array<i32>} : memref<256xi32, #tpu.memory_space<vmem>>, vector<16xi32>,
      }
      %scan3A_112 = arith.constant 16 : i32
      %scan3A_113 = arith.constant 0 : i32
      %scan3A_114 = arith.constant 144 : i32
      %scan3A_115 = arith.addi %scan3A_113, %scan3A_114 : i32
      %scan3A_116 = arith.constant 1 : i32
      scf.for %scan3A_173 = %scan3A_113 to %scan3A_115 step %scan3A_116  : i32 {
        %mul3A_174 = arith.constant 64 : i32
        %mul3A_175 = arith.muli %scan3A_173, %mul3A_174 : i32
        %add3A = arith.constant 0 : i32
        %add3A_176 = arith.addi %mul3A_175, %add3A : i32
        %get3A_177 = arith.index_cast %add3A_176 : i32 to index
        %get3A_178 = tpu.vector_load %arg6[%get3A_177] {strides = array<i32>} : memref<9216xi32, #tpu.memory_space<vmem>>, vector<16xi32>,
        %shift_right_arithmetic3A = arith.constant 8 : i32
        %shift_right_arithmetic3A_179 = vector.broadcast %shift_right_arithmetic3A : i32 to vector<16xi32>
        %shift_right_arithmetic3A_180 = arith.shrsi %get3A_178, %shift_right_arithmetic3A_179 : vector<16xi32>
        %eq3A_181 = vector.broadcast %or3A_106 : i32 to vector<16xi32>
        %eq3A_182 = arith.cmpi eq, %shift_right_arithmetic3A_180, %eq3A_181 : vector<16xi32>
        %shift_right_arithmetic3A_183 = arith.constant 0 : i32
        %shift_right_arithmetic3A_184 = vector.broadcast %shift_right_arithmetic3A_183 : i32 to vector<16xi32>
        %shift_right_arithmetic3A_185 = arith.shrsi %get3A_178, %shift_right_arithmetic3A_184 : vector<16xi32>
        %and3A = arith.constant 255 : i32
        %and3A_186 = vector.broadcast %and3A : i32 to vector<16xi32>
        %and3A_187 = arith.andi %shift_right_arithmetic3A_185, %and3A_186 : vector<16xi32>
        tpu.vector_store_idx %arg8[%and3A_187], %broadcast_in_dim3A_12 masked %eq3A_182 {add = true} : memref<256xi32, #tpu.memory_space<vmem>>[vector<16xi32>], vector<16xi32>, vector<16xi1>
        %mul3A_188 = arith.constant 64 : i32
        %mul3A_189 = arith.muli %scan3A_173, %mul3A_188 : i32
        %add3A_190 = arith.constant 16 : i32
        %add3A_191 = arith.addi %mul3A_189, %add3A_190 : i32
        %get3A_192 = arith.index_cast %add3A_191 : i32 to index
        %get3A_193 = tpu.vector_load %arg6[%get3A_192] {strides = array<i32>} : memref<9216xi32, #tpu.memory_space<vmem>>, vector<16xi32>,
        %shift_right_arithmetic3A_194 = arith.constant 8 : i32
        %shift_right_arithmetic3A_195 = vector.broadcast %shift_right_arithmetic3A_194 : i32 to vector<16xi32>
        %shift_right_arithmetic3A_196 = arith.shrsi %get3A_193, %shift_right_arithmetic3A_195 : vector<16xi32>
        %eq3A_197 = vector.broadcast %or3A_106 : i32 to vector<16xi32>
        %eq3A_198 = arith.cmpi eq, %shift_right_arithmetic3A_196, %eq3A_197 : vector<16xi32>
        %shift_right_arithmetic3A_199 = arith.constant 0 : i32
        %shift_right_arithmetic3A_200 = vector.broadcast %shift_right_arithmetic3A_199 : i32 to vector<16xi32>
        %shift_right_arithmetic3A_201 = arith.shrsi %get3A_193, %shift_right_arithmetic3A_200 : vector<16xi32>
        %and3A_202 = arith.constant 255 : i32
        %and3A_203 = vector.broadcast %and3A_202 : i32 to vector<16xi32>
        %and3A_204 = arith.andi %shift_right_arithmetic3A_201, %and3A_203 : vector<16xi32>
        tpu.vector_store_idx %arg8[%and3A_204], %broadcast_in_dim3A_12 masked %eq3A_198 {add = true} : memref<256xi32, #tpu.memory_space<vmem>>[vector<16xi32>], vector<16xi32>, vector<16xi1>
        %mul3A_205 = arith.constant 64 : i32
        %mul3A_206 = arith.muli %scan3A_173, %mul3A_205 : i32
        %add3A_207 = arith.constant 32 : i32
        %add3A_208 = arith.addi %mul3A_206, %add3A_207 : i32
        %get3A_209 = arith.index_cast %add3A_208 : i32 to index
        %get3A_210 = tpu.vector_load %arg6[%get3A_209] {strides = array<i32>} : memref<9216xi32, #tpu.memory_space<vmem>>, vector<16xi32>,
        %shift_right_arithmetic3A_211 = arith.constant 8 : i32
        %shift_right_arithmetic3A_212 = vector.broadcast %shift_right_arithmetic3A_211 : i32 to vector<16xi32>
        %shift_right_arithmetic3A_213 = arith.shrsi %get3A_210, %shift_right_arithmetic3A_212 : vector<16xi32>
        %eq3A_214 = vector.broadcast %or3A_106 : i32 to vector<16xi32>
        %eq3A_215 = arith.cmpi eq, %shift_right_arithmetic3A_213, %eq3A_214 : vector<16xi32>
        %shift_right_arithmetic3A_216 = arith.constant 0 : i32
        %shift_right_arithmetic3A_217 = vector.broadcast %shift_right_arithmetic3A_216 : i32 to vector<16xi32>
        %shift_right_arithmetic3A_218 = arith.shrsi %get3A_210, %shift_right_arithmetic3A_217 : vector<16xi32>
        %and3A_219 = arith.constant 255 : i32
        %and3A_220 = vector.broadcast %and3A_219 : i32 to vector<16xi32>
        %and3A_221 = arith.andi %shift_right_arithmetic3A_218, %and3A_220 : vector<16xi32>
        tpu.vector_store_idx %arg8[%and3A_221], %broadcast_in_dim3A_12 masked %eq3A_215 {add = true} : memref<256xi32, #tpu.memory_space<vmem>>[vector<16xi32>], vector<16xi32>, vector<16xi1>
        %mul3A_222 = arith.constant 64 : i32
        %mul3A_223 = arith.muli %scan3A_173, %mul3A_222 : i32
        %add3A_224 = arith.constant 48 : i32
        %add3A_225 = arith.addi %mul3A_223, %add3A_224 : i32
        %get3A_226 = arith.index_cast %add3A_225 : i32 to index
        %get3A_227 = tpu.vector_load %arg6[%get3A_226] {strides = array<i32>} : memref<9216xi32, #tpu.memory_space<vmem>>, vector<16xi32>,
        %shift_right_arithmetic3A_228 = arith.constant 8 : i32
        %shift_right_arithmetic3A_229 = vector.broadcast %shift_right_arithmetic3A_228 : i32 to vector<16xi32>
        %shift_right_arithmetic3A_230 = arith.shrsi %get3A_227, %shift_right_arithmetic3A_229 : vector<16xi32>
        %eq3A_231 = vector.broadcast %or3A_106 : i32 to vector<16xi32>
        %eq3A_232 = arith.cmpi eq, %shift_right_arithmetic3A_230, %eq3A_231 : vector<16xi32>
        %shift_right_arithmetic3A_233 = arith.constant 0 : i32
        %shift_right_arithmetic3A_234 = vector.broadcast %shift_right_arithmetic3A_233 : i32 to vector<16xi32>
        %shift_right_arithmetic3A_235 = arith.shrsi %get3A_227, %shift_right_arithmetic3A_234 : vector<16xi32>
        %and3A_236 = arith.constant 255 : i32
        %and3A_237 = vector.broadcast %and3A_236 : i32 to vector<16xi32>
        %and3A_238 = arith.andi %shift_right_arithmetic3A_235, %and3A_237 : vector<16xi32>
        tpu.vector_store_idx %arg8[%and3A_238], %broadcast_in_dim3A_12 masked %eq3A_232 {add = true} : memref<256xi32, #tpu.memory_space<vmem>>[vector<16xi32>], vector<16xi32>, vector<16xi1>
      }
      %scan3A_117 = arith.constant 144 : i32
      %scan3A_118 = arith.constant 0 : i32
      %scan3A_119 = arith.constant 0 : i32
      %scan3A_120 = arith.constant 0 : i32
      %scan3A_121 = arith.constant 16 : i32
      %scan3A_122 = arith.addi %scan3A_120, %scan3A_121 : i32
      %scan3A_123 = arith.constant 1 : i32
      %scan3A_124:2 = scf.for %scan3A_173 = %scan3A_120 to %scan3A_122 step %scan3A_123 iter_args(%scan3A_174 = %scan3A_118, %scan3A_175 = %scan3A_119) -> (i32, i32)  : i32 {
        %sub3A_176 = arith.constant 15 : i32
        %sub3A_177 = arith.subi %sub3A_176, %scan3A_173 : i32
        %mul3A_178 = arith.constant 16 : i32
        %mul3A_179 = arith.muli %sub3A_177, %mul3A_178 : i32
        %get3A_180 = arith.index_cast %mul3A_179 : i32 to index
        %get3A_181 = tpu.vector_load %arg8[%get3A_180] {strides = array<i32>} : memref<256xi32, #tpu.memory_space<vmem>>, vector<16xi32>,
        %rev3A = arith.constant 15 : i32
        %rev3A_182 = vector.broadcast %rev3A : i32 to vector<16xi32>
        %rev3A_183 = tpu.iota {dimensions = array<i32: 0>} : vector<16xi32>
        %rev3A_184 = arith.subi %rev3A_182, %rev3A_183 : vector<16xi32>
        %rev3A_185 = tpu.dynamic_gather %get3A_181[%rev3A_184] in [0] : vector<16xi32>, vector<16xi32> -> vector<16xi32>
        %cumsum3A = arith.constant true
        %cumsum3A_186 = vector.broadcast %cumsum3A : i1 to vector<16xi1>
        %cumsum3A_187 = tpu.scan <sum>, %rev3A_185 masked %cumsum3A_186 : vector<16xi32>, vector<16xi1> -> vector<16xi32>
        %rev3A_188 = arith.constant 15 : i32
        %rev3A_189 = vector.broadcast %rev3A_188 : i32 to vector<16xi32>
        %rev3A_190 = tpu.iota {dimensions = array<i32: 0>} : vector<16xi32>
        %rev3A_191 = arith.subi %rev3A_189, %rev3A_190 : vector<16xi32>
        %rev3A_192 = tpu.dynamic_gather %cumsum3A_187[%rev3A_191] in [0] : vector<16xi32>, vector<16xi32> -> vector<16xi32>
        %add3A = vector.broadcast %scan3A_174 : i32 to vector<16xi32>
        %add3A_193 = arith.addi %rev3A_192, %add3A : vector<16xi32>
        %ge3A = vector.broadcast %sub3A_103 : i32 to vector<16xi32>
        %ge3A_194 = arith.cmpi sge, %add3A_193, %ge3A : vector<16xi32>
        %jit3A_195 = arith.constant 1 : i32
        %jit3A_196 = arith.constant 0 : i32
        %broadcast_in_dim3A_197 = vector.broadcast %jit3A_195 : i32 to vector<16xi32>
        %broadcast_in_dim3A_198 = vector.broadcast %jit3A_196 : i32 to vector<16xi32>
        %select_n3A_199 = arith.select %ge3A_194, %broadcast_in_dim3A_197, %broadcast_in_dim3A_198 : vector<16xi1>, vector<16xi32>
        %reduce_sum3A_200 = arith.constant true
        %reduce_sum3A_201 = vector.broadcast %reduce_sum3A_200 : i1 to vector<16xi1>
        %reduce_sum3A_202 = tpu.scan <sum>, %select_n3A_199 masked %reduce_sum3A_201 : vector<16xi32>, vector<16xi1> -> vector<16xi32>
        %reduce_sum3A_203 = vector.extract %reduce_sum3A_202[15] : i32 from vector<16xi32>
        %add3A_204 = arith.addi %scan3A_175, %reduce_sum3A_203 : i32
        %reduce_sum3A_205 = arith.constant true
        %reduce_sum3A_206 = vector.broadcast %reduce_sum3A_205 : i1 to vector<16xi1>
        %reduce_sum3A_207 = tpu.scan <sum>, %get3A_181 masked %reduce_sum3A_206 : vector<16xi32>, vector<16xi1> -> vector<16xi32>
        %reduce_sum3A_208 = vector.extract %reduce_sum3A_207[15] : i32 from vector<16xi32>
        %add3A_209 = arith.addi %scan3A_174, %reduce_sum3A_208 : i32
        scf.yield %add3A_209, %add3A_204 : i32, i32
      }
      %scan3A_125 = arith.constant 16 : i32
      %sub3A_126 = arith.constant 1 : i32
      %sub3A_127 = arith.subi %scan3A_124#1, %sub3A_126 : i32
      %scan3A_128 = arith.constant 0 : i32
      %scan3A_129 = arith.constant 0 : i32
      %scan3A_130 = arith.constant 16 : i32
      %scan3A_131 = arith.addi %scan3A_129, %scan3A_130 : i32
      %scan3A_132 = arith.constant 1 : i32
      %scan3A_133 = scf.for %scan3A_173 = %scan3A_129 to %scan3A_131 step %scan3A_132 iter_args(%scan3A_174 = %scan3A_128) -> (i32)  : i32 {
        %mul3A_175 = arith.constant 16 : i32
        %mul3A_176 = arith.muli %scan3A_173, %mul3A_175 : i32
        %add3A = vector.broadcast %mul3A_176 : i32 to vector<16xi32>
        %add3A_177 = arith.addi %iota3A, %add3A : vector<16xi32>
        %mul3A_178 = arith.constant 16 : i32
        %mul3A_179 = arith.muli %scan3A_173, %mul3A_178 : i32
        %get3A_180 = arith.index_cast %mul3A_179 : i32 to index
        %get3A_181 = tpu.vector_load %arg8[%get3A_180] {strides = array<i32>} : memref<256xi32, #tpu.memory_space<vmem>>, vector<16xi32>,
        %gt3A_182 = vector.broadcast %sub3A_127 : i32 to vector<16xi32>
        %gt3A_183 = arith.cmpi sgt, %add3A_177, %gt3A_182 : vector<16xi32>
        %jit3A_184 = arith.constant 0 : i32
        %broadcast_in_dim3A_185 = vector.broadcast %jit3A_184 : i32 to vector<16xi32>
        %select_n3A_186 = arith.select %gt3A_183, %get3A_181, %broadcast_in_dim3A_185 : vector<16xi1>, vector<16xi32>
        %reduce_sum3A_187 = arith.constant true
        %reduce_sum3A_188 = vector.broadcast %reduce_sum3A_187 : i1 to vector<16xi1>
        %reduce_sum3A_189 = tpu.scan <sum>, %select_n3A_186 masked %reduce_sum3A_188 : vector<16xi32>, vector<16xi1> -> vector<16xi32>
        %reduce_sum3A_190 = vector.extract %reduce_sum3A_189[15] : i32 from vector<16xi32>
        %add3A_191 = arith.addi %scan3A_174, %reduce_sum3A_190 : i32
        scf.yield %add3A_191 : i32
      }
      %scan3A_134 = arith.constant 16 : i32
      %sub3A_135 = arith.subi %sub3A_103, %scan3A_133 : i32
      %shift_left3A_136 = arith.constant 8 : i32
      %shift_left3A_137 = arith.shli %or3A_106, %shift_left3A_136 : i32
      %or3A_138 = arith.ori %shift_left3A_137, %sub3A_127 : i32
      %gt3A = arith.constant 0 : i32
      %gt3A_139 = arith.cmpi sgt, %convert_element_type3A_8, %gt3A : i32
      %jit3A_140 = arith.constant 2139095040 : i32
      %select_n3A_141 = arith.select %gt3A_139, %or3A_138, %jit3A_140 : i32
      %gt3A_142 = arith.constant 0 : i32
      %gt3A_143 = arith.cmpi sgt, %convert_element_type3A_8, %gt3A_142 : i32
      %jit3A_144 = arith.constant 0 : i32
      %select_n3A_145 = arith.select %gt3A_143, %sub3A_135, %jit3A_144 : i32
      %broadcast_in_dim3A_146 = arith.constant 0.000000e+00 : f32
      %broadcast_in_dim3A_147 = vector.broadcast %broadcast_in_dim3A_146 : f32 to vector<16xf32>
      %scan3A_148 = arith.constant 0 : i32
      %scan3A_149 = arith.constant 0 : i32
      %scan3A_150 = arith.constant 288 : i32
      %scan3A_151 = arith.addi %scan3A_149, %scan3A_150 : i32
      %scan3A_152 = arith.constant 1 : i32
      %scan3A_153:2 = scf.for %scan3A_173 = %scan3A_149 to %scan3A_151 step %scan3A_152 iter_args(%scan3A_174 = %scan3A_148, %scan3A_175 = %broadcast_in_dim3A_147) -> (i32, vector<16xf32>)  : i32 {
        %mul3A_176 = arith.constant 32 : i32
        %mul3A_177 = arith.muli %scan3A_173, %mul3A_176 : i32
        %add3A = arith.constant 0 : i32
        %add3A_178 = arith.addi %mul3A_177, %add3A : i32
        %get3A_179 = arith.index_cast %add3A_178 : i32 to index
        %get3A_180 = tpu.vector_load %arg6[%get3A_179] {strides = array<i32>} : memref<9216xi32, #tpu.memory_space<vmem>>, vector<16xi32>,
        %gt3A_181 = vector.broadcast %select_n3A_141 : i32 to vector<16xi32>
        %gt3A_182 = arith.cmpi sgt, %get3A_180, %gt3A_181 : vector<16xi32>
        %eq3A_183 = vector.broadcast %select_n3A_141 : i32 to vector<16xi32>
        %eq3A_184 = arith.cmpi eq, %get3A_180, %eq3A_183 : vector<16xi32>
        %convert_element_type3A_185 = arith.extui %eq3A_184 : vector<16xi1> to vector<16xi32>
        %cumsum3A = arith.constant true
        %cumsum3A_186 = vector.broadcast %cumsum3A : i1 to vector<16xi1>
        %cumsum3A_187 = tpu.scan <sum>, %convert_element_type3A_185 masked %cumsum3A_186 : vector<16xi32>, vector<16xi1> -> vector<16xi32>
        %add3A_188 = vector.broadcast %scan3A_174 : i32 to vector<16xi32>
        %add3A_189 = arith.addi %add3A_188, %cumsum3A_187 : vector<16xi32>
        %le3A = vector.broadcast %select_n3A_145 : i32 to vector<16xi32>
        %le3A_190 = arith.cmpi sle, %add3A_189, %le3A : vector<16xi32>
        %and3A = arith.andi %eq3A_184, %le3A_190 : vector<16xi1>
        %or3A_191 = arith.ori %gt3A_182, %and3A : vector<16xi1>
        %mul3A_192 = arith.constant 32 : i32
        %mul3A_193 = arith.muli %scan3A_173, %mul3A_192 : i32
        %add3A_194 = arith.constant 0 : i32
        %add3A_195 = arith.addi %mul3A_193, %add3A_194 : i32
        %get3A_196 = arith.index_cast %add3A_195 : i32 to index
        %get3A_197 = tpu.vector_load %arg7[%get3A_196] {strides = array<i32>} : memref<9216xf32, #tpu.memory_space<vmem>>, vector<16xf32>,
        %jit3A_198 = arith.constant 0.000000e+00 : f32
        %broadcast_in_dim3A_199 = vector.broadcast %jit3A_198 : f32 to vector<16xf32>
        %select_n3A_200 = arith.select %or3A_191, %get3A_197, %broadcast_in_dim3A_199 : vector<16xi1>, vector<16xf32>
        %add3A_201 = arith.addf %scan3A_175, %select_n3A_200 : vector<16xf32>
        %convert_element_type3A_202 = arith.extui %eq3A_184 : vector<16xi1> to vector<16xi32>
        %reduce_sum3A_203 = arith.constant true
        %reduce_sum3A_204 = vector.broadcast %reduce_sum3A_203 : i1 to vector<16xi1>
        %reduce_sum3A_205 = tpu.scan <sum>, %convert_element_type3A_202 masked %reduce_sum3A_204 : vector<16xi32>, vector<16xi1> -> vector<16xi32>
        %reduce_sum3A_206 = vector.extract %reduce_sum3A_205[15] : i32 from vector<16xi32>
        %add3A_207 = arith.addi %scan3A_174, %reduce_sum3A_206 : i32
        %mul3A_208 = arith.constant 32 : i32
        %mul3A_209 = arith.muli %scan3A_173, %mul3A_208 : i32
        %add3A_210 = arith.constant 16 : i32
        %add3A_211 = arith.addi %mul3A_209, %add3A_210 : i32
        %get3A_212 = arith.index_cast %add3A_211 : i32 to index
        %get3A_213 = tpu.vector_load %arg6[%get3A_212] {strides = array<i32>} : memref<9216xi32, #tpu.memory_space<vmem>>, vector<16xi32>,
        %gt3A_214 = vector.broadcast %select_n3A_141 : i32 to vector<16xi32>
        %gt3A_215 = arith.cmpi sgt, %get3A_213, %gt3A_214 : vector<16xi32>
        %eq3A_216 = vector.broadcast %select_n3A_141 : i32 to vector<16xi32>
        %eq3A_217 = arith.cmpi eq, %get3A_213, %eq3A_216 : vector<16xi32>
        %convert_element_type3A_218 = arith.extui %eq3A_217 : vector<16xi1> to vector<16xi32>
        %cumsum3A_219 = arith.constant true
        %cumsum3A_220 = vector.broadcast %cumsum3A_219 : i1 to vector<16xi1>
        %cumsum3A_221 = tpu.scan <sum>, %convert_element_type3A_218 masked %cumsum3A_220 : vector<16xi32>, vector<16xi1> -> vector<16xi32>
        %add3A_222 = vector.broadcast %add3A_207 : i32 to vector<16xi32>
        %add3A_223 = arith.addi %add3A_222, %cumsum3A_221 : vector<16xi32>
        %le3A_224 = vector.broadcast %select_n3A_145 : i32 to vector<16xi32>
        %le3A_225 = arith.cmpi sle, %add3A_223, %le3A_224 : vector<16xi32>
        %and3A_226 = arith.andi %eq3A_217, %le3A_225 : vector<16xi1>
        %or3A_227 = arith.ori %gt3A_215, %and3A_226 : vector<16xi1>
        %mul3A_228 = arith.constant 32 : i32
        %mul3A_229 = arith.muli %scan3A_173, %mul3A_228 : i32
        %add3A_230 = arith.constant 16 : i32
        %add3A_231 = arith.addi %mul3A_229, %add3A_230 : i32
        %get3A_232 = arith.index_cast %add3A_231 : i32 to index
        %get3A_233 = tpu.vector_load %arg7[%get3A_232] {strides = array<i32>} : memref<9216xf32, #tpu.memory_space<vmem>>, vector<16xf32>,
        %jit3A_234 = arith.constant 0.000000e+00 : f32
        %broadcast_in_dim3A_235 = vector.broadcast %jit3A_234 : f32 to vector<16xf32>
        %select_n3A_236 = arith.select %or3A_227, %get3A_233, %broadcast_in_dim3A_235 : vector<16xi1>, vector<16xf32>
        %add3A_237 = arith.addf %add3A_201, %select_n3A_236 : vector<16xf32>
        %convert_element_type3A_238 = arith.extui %eq3A_217 : vector<16xi1> to vector<16xi32>
        %reduce_sum3A_239 = arith.constant true
        %reduce_sum3A_240 = vector.broadcast %reduce_sum3A_239 : i1 to vector<16xi1>
        %reduce_sum3A_241 = tpu.scan <sum>, %convert_element_type3A_238 masked %reduce_sum3A_240 : vector<16xi32>, vector<16xi1> -> vector<16xi32>
        %reduce_sum3A_242 = vector.extract %reduce_sum3A_241[15] : i32 from vector<16xi32>
        %add3A_243 = arith.addi %add3A_207, %reduce_sum3A_242 : i32
        scf.yield %add3A_243, %add3A_237 : i32, vector<16xf32>
      }
      %scan3A_154 = arith.constant 288 : i32
      %eq3A_155 = arith.constant 0 : i32
      %eq3A_156 = vector.broadcast %eq3A_155 : i32 to vector<16xi32>
      %eq3A_157 = arith.cmpi eq, %iota3A, %eq3A_156 : vector<16xi32>
      %reduce_sum3A_158 = arith.constant true
      %reduce_sum3A_159 = vector.broadcast %reduce_sum3A_158 : i1 to vector<16xi1>
      %reduce_sum3A_160 = tpu.scan <sum>, %scan3A_153#1 masked %reduce_sum3A_159 : vector<16xf32>, vector<16xi1> -> vector<16xf32>
      %reduce_sum3A_161 = vector.extract %reduce_sum3A_160[15] : f32 from vector<16xf32>
      %jit3A_162 = arith.constant 0.000000e+00 : f32
      %broadcast_in_dim3A_163 = vector.broadcast %reduce_sum3A_161 : f32 to vector<16xf32>
      %broadcast_in_dim3A_164 = vector.broadcast %jit3A_162 : f32 to vector<16xf32>
      %select_n3A_165 = arith.select %eq3A_157, %broadcast_in_dim3A_163, %broadcast_in_dim3A_164 : vector<16xi1>, vector<16xf32>
      %swap3A = arith.constant 0 : index
      %swap3A_166 = tpu.vector_load %arg10[%swap3A] {strides = array<i32>} : memref<16xf32, #tpu.memory_space<vmem>>, vector<16xf32>,
      tpu.vector_store %arg10[%swap3A], %select_n3A_165 {strides = array<i32>} : memref<16xf32, #tpu.memory_space<vmem>>, vector<16xf32>,
      %mul3A = arith.constant 16 : i32
      %mul3A_167 = arith.muli %arg1, %mul3A : i32
      "tpu.region"() ({
        %run_scoped3A_173 = tpu.sem_alloc : memref<!tpu.dma_semaphore, #tpu.memory_space<semaphore_mem>>
        %dma_start3A = tpu.memref_slice %arg12[%mul3A_167] : memref<256xf32, #tpu.memory_space<vmem_shared>> -> memref<16xf32, #tpu.memory_space<vmem_shared>>
        %dma_start3A_174 = tpu.memref_slice %arg12[%mul3A_167] : memref<256xf32, #tpu.memory_space<vmem_shared>> -> memref<16xf32, #tpu.memory_space<vmem_shared>>
        tpu.enqueue_dma source(%arg10 : memref<16xf32, #tpu.memory_space<vmem>>) target(%dma_start3A_174 : memref<16xf32, #tpu.memory_space<vmem_shared>>) target_semaphore(%run_scoped3A_173 : memref<!tpu.dma_semaphore, #tpu.memory_space<semaphore_mem>>)
        %dma_wait3A = tpu.memref_slice %arg12[%mul3A_167] : memref<256xf32, #tpu.memory_space<vmem_shared>> -> memref<16xf32, #tpu.memory_space<vmem_shared>>
        %dma_wait3A_175 = tpu.memref_slice %arg12[%mul3A_167] : memref<256xf32, #tpu.memory_space<vmem_shared>> -> memref<16xf32, #tpu.memory_space<vmem_shared>>
        tpu.wait_dma2 semaphore(%run_scoped3A_173 : memref<!tpu.dma_semaphore, #tpu.memory_space<semaphore_mem>>) src(%arg10 : memref<16xf32, #tpu.memory_space<vmem>>) dst(%dma_wait3A_175 : memref<16xf32, #tpu.memory_space<vmem_shared>>)
        tpu.yield
      }) : () -> ()
      %barrier3A = arith.constant 0 : index
      tpu.barrier barrier_id(%barrier3A)
      %eq3A_168 = arith.constant 0 : i32
      %eq3A_169 = arith.cmpi eq, %arg1, %eq3A_168 : i32
      %convert_element_type3A_170 = arith.extui %eq3A_169 : i1 to i32
      %cond3A_171 = arith.constant 0 : i32
      %cond3A_172 = arith.cmpi ne, %convert_element_type3A_170, %cond3A_171 : i32
      scf.if %cond3A_172 {
        "tpu.region"() ({
          %run_scoped3A_225 = tpu.sem_alloc : memref<!tpu.dma_semaphore, #tpu.memory_space<semaphore_mem>>
          tpu.enqueue_dma source(%arg12 : memref<256xf32, #tpu.memory_space<vmem_shared>>) target(%arg11 : memref<256xf32, #tpu.memory_space<vmem>>) target_semaphore(%run_scoped3A_225 : memref<!tpu.dma_semaphore, #tpu.memory_space<semaphore_mem>>)
          tpu.wait_dma2 semaphore(%run_scoped3A_225 : memref<!tpu.dma_semaphore, #tpu.memory_space<semaphore_mem>>) src(%arg12 : memref<256xf32, #tpu.memory_space<vmem_shared>>) dst(%arg11 : memref<256xf32, #tpu.memory_space<vmem>>)
          tpu.yield
        }) : () -> ()
        %broadcast_in_dim3A_173 = arith.constant 0.000000e+00 : f32
        %broadcast_in_dim3A_174 = vector.broadcast %broadcast_in_dim3A_173 : f32 to vector<16xf32>
        %scan3A_175 = arith.constant 0 : i32
        %scan3A_176 = arith.constant 16 : i32
        %scan3A_177 = arith.addi %scan3A_175, %scan3A_176 : i32
        %scan3A_178 = arith.constant 1 : i32
        %scan3A_179 = scf.for %scan3A_225 = %scan3A_175 to %scan3A_177 step %scan3A_178 iter_args(%scan3A_226 = %broadcast_in_dim3A_174) -> (vector<16xf32>)  : i32 {
          %mul3A_227 = arith.constant 16 : i32
          %mul3A_228 = arith.muli %scan3A_225, %mul3A_227 : i32
          %get3A_229 = arith.index_cast %mul3A_228 : i32 to index
          %get3A_230 = tpu.vector_load %arg11[%get3A_229] {strides = array<i32>} : memref<256xf32, #tpu.memory_space<vmem>>, vector<16xf32>,
          %add3A_231 = arith.addf %scan3A_226, %get3A_230 : vector<16xf32>
          scf.yield %add3A_231 : vector<16xf32>
        }
        %scan3A_180 = arith.constant 16 : i32
        %reduce_sum3A_181 = arith.constant true
        %reduce_sum3A_182 = vector.broadcast %reduce_sum3A_181 : i1 to vector<16xi1>
        %reduce_sum3A_183 = tpu.scan <sum>, %scan3A_179 masked %reduce_sum3A_182 : vector<16xf32>, vector<16xi1> -> vector<16xf32>
        %reduce_sum3A_184 = vector.extract %reduce_sum3A_183[15] : f32 from vector<16xf32>
        %run_scoped3A_185 = arith.constant 0 : i32
        "tpu.region"() ({
          %run_scoped3A_225 = tpu.sem_alloc : memref<!tpu.dma_semaphore, #tpu.memory_space<semaphore_mem>>
          %dma_start3A = arith.constant 0 : i32
          %dma_start3A_226 = tpu.memref_slice %arg4[%run_scoped3A_185, %dma_start3A] : memref<4x16xf32, #tpu.memory_space<hbm>> -> memref<1x16xf32, #tpu.memory_space<hbm>>
          %dma_start3A_227 = tpu.memref_squeeze %dma_start3A_226 : memref<1x16xf32, #tpu.memory_space<hbm>> -> memref<16xf32, #tpu.memory_space<hbm>>
          %dma_start3A_228 = arith.constant 0 : i32
          %dma_start3A_229 = tpu.memref_slice %arg4[%run_scoped3A_185, %dma_start3A_228] : memref<4x16xf32, #tpu.memory_space<hbm>> -> memref<1x16xf32, #tpu.memory_space<hbm>>
          %dma_start3A_230 = tpu.memref_squeeze %dma_start3A_229 : memref<1x16xf32, #tpu.memory_space<hbm>> -> memref<16xf32, #tpu.memory_space<hbm>>
          tpu.enqueue_dma source(%dma_start3A_230 : memref<16xf32, #tpu.memory_space<hbm>>) target(%arg9 : memref<16xf32, #tpu.memory_space<vmem>>) target_semaphore(%run_scoped3A_225 : memref<!tpu.dma_semaphore, #tpu.memory_space<semaphore_mem>>)
          %dma_wait3A = arith.constant 0 : i32
          %dma_wait3A_231 = tpu.memref_slice %arg4[%run_scoped3A_185, %dma_wait3A] : memref<4x16xf32, #tpu.memory_space<hbm>> -> memref<1x16xf32, #tpu.memory_space<hbm>>
          %dma_wait3A_232 = tpu.memref_squeeze %dma_wait3A_231 : memref<1x16xf32, #tpu.memory_space<hbm>> -> memref<16xf32, #tpu.memory_space<hbm>>
          %dma_wait3A_233 = arith.constant 0 : i32
          %dma_wait3A_234 = tpu.memref_slice %arg4[%run_scoped3A_185, %dma_wait3A_233] : memref<4x16xf32, #tpu.memory_space<hbm>> -> memref<1x16xf32, #tpu.memory_space<hbm>>
          %dma_wait3A_235 = tpu.memref_squeeze %dma_wait3A_234 : memref<1x16xf32, #tpu.memory_space<hbm>> -> memref<16xf32, #tpu.memory_space<hbm>>
          tpu.wait_dma2 semaphore(%run_scoped3A_225 : memref<!tpu.dma_semaphore, #tpu.memory_space<semaphore_mem>>) src(%dma_wait3A_235 : memref<16xf32, #tpu.memory_space<hbm>>) dst(%arg9 : memref<16xf32, #tpu.memory_space<vmem>>)
          tpu.yield
        }) : () -> ()
        %get3A_186 = arith.constant 0 : index
        %get3A_187 = tpu.vector_load %arg9[%get3A_186] {strides = array<i32>} : memref<16xf32, #tpu.memory_space<vmem>>, vector<16xf32>,
        %reduce_sum3A_188 = arith.constant true
        %reduce_sum3A_189 = vector.broadcast %reduce_sum3A_188 : i1 to vector<16xi1>
        %reduce_sum3A_190 = tpu.scan <sum>, %get3A_187 masked %reduce_sum3A_189 : vector<16xf32>, vector<16xi1> -> vector<16xf32>
        %reduce_sum3A_191 = vector.extract %reduce_sum3A_190[15] : f32 from vector<16xf32>
        %run_scoped3A_192 = arith.constant 1 : i32
        "tpu.region"() ({
          %run_scoped3A_225 = tpu.sem_alloc : memref<!tpu.dma_semaphore, #tpu.memory_space<semaphore_mem>>
          %dma_start3A = arith.constant 0 : i32
          %dma_start3A_226 = tpu.memref_slice %arg4[%run_scoped3A_192, %dma_start3A] : memref<4x16xf32, #tpu.memory_space<hbm>> -> memref<1x16xf32, #tpu.memory_space<hbm>>
          %dma_start3A_227 = tpu.memref_squeeze %dma_start3A_226 : memref<1x16xf32, #tpu.memory_space<hbm>> -> memref<16xf32, #tpu.memory_space<hbm>>
          %dma_start3A_228 = arith.constant 0 : i32
          %dma_start3A_229 = tpu.memref_slice %arg4[%run_scoped3A_192, %dma_start3A_228] : memref<4x16xf32, #tpu.memory_space<hbm>> -> memref<1x16xf32, #tpu.memory_space<hbm>>
          %dma_start3A_230 = tpu.memref_squeeze %dma_start3A_229 : memref<1x16xf32, #tpu.memory_space<hbm>> -> memref<16xf32, #tpu.memory_space<hbm>>
          tpu.enqueue_dma source(%dma_start3A_230 : memref<16xf32, #tpu.memory_space<hbm>>) target(%arg9 : memref<16xf32, #tpu.memory_space<vmem>>) target_semaphore(%run_scoped3A_225 : memref<!tpu.dma_semaphore, #tpu.memory_space<semaphore_mem>>)
          %dma_wait3A = arith.constant 0 : i32
          %dma_wait3A_231 = tpu.memref_slice %arg4[%run_scoped3A_192, %dma_wait3A] : memref<4x16xf32, #tpu.memory_space<hbm>> -> memref<1x16xf32, #tpu.memory_space<hbm>>
          %dma_wait3A_232 = tpu.memref_squeeze %dma_wait3A_231 : memref<1x16xf32, #tpu.memory_space<hbm>> -> memref<16xf32, #tpu.memory_space<hbm>>
          %dma_wait3A_233 = arith.constant 0 : i32
          %dma_wait3A_234 = tpu.memref_slice %arg4[%run_scoped3A_192, %dma_wait3A_233] : memref<4x16xf32, #tpu.memory_space<hbm>> -> memref<1x16xf32, #tpu.memory_space<hbm>>
          %dma_wait3A_235 = tpu.memref_squeeze %dma_wait3A_234 : memref<1x16xf32, #tpu.memory_space<hbm>> -> memref<16xf32, #tpu.memory_space<hbm>>
          tpu.wait_dma2 semaphore(%run_scoped3A_225 : memref<!tpu.dma_semaphore, #tpu.memory_space<semaphore_mem>>) src(%dma_wait3A_235 : memref<16xf32, #tpu.memory_space<hbm>>) dst(%arg9 : memref<16xf32, #tpu.memory_space<vmem>>)
          tpu.yield
        }) : () -> ()
        %get3A_193 = arith.constant 0 : index
        %get3A_194 = tpu.vector_load %arg9[%get3A_193] {strides = array<i32>} : memref<16xf32, #tpu.memory_space<vmem>>, vector<16xf32>,
        %reduce_sum3A_195 = arith.constant true
        %reduce_sum3A_196 = vector.broadcast %reduce_sum3A_195 : i1 to vector<16xi1>
        %reduce_sum3A_197 = tpu.scan <sum>, %get3A_194 masked %reduce_sum3A_196 : vector<16xf32>, vector<16xi1> -> vector<16xf32>
        %reduce_sum3A_198 = vector.extract %reduce_sum3A_197[15] : f32 from vector<16xf32>
        %run_scoped3A_199 = arith.constant 2 : i32
        "tpu.region"() ({
          %run_scoped3A_225 = tpu.sem_alloc : memref<!tpu.dma_semaphore, #tpu.memory_space<semaphore_mem>>
          %dma_start3A = arith.constant 0 : i32
          %dma_start3A_226 = tpu.memref_slice %arg4[%run_scoped3A_199, %dma_start3A] : memref<4x16xf32, #tpu.memory_space<hbm>> -> memref<1x16xf32, #tpu.memory_space<hbm>>
          %dma_start3A_227 = tpu.memref_squeeze %dma_start3A_226 : memref<1x16xf32, #tpu.memory_space<hbm>> -> memref<16xf32, #tpu.memory_space<hbm>>
          %dma_start3A_228 = arith.constant 0 : i32
          %dma_start3A_229 = tpu.memref_slice %arg4[%run_scoped3A_199, %dma_start3A_228] : memref<4x16xf32, #tpu.memory_space<hbm>> -> memref<1x16xf32, #tpu.memory_space<hbm>>
          %dma_start3A_230 = tpu.memref_squeeze %dma_start3A_229 : memref<1x16xf32, #tpu.memory_space<hbm>> -> memref<16xf32, #tpu.memory_space<hbm>>
          tpu.enqueue_dma source(%dma_start3A_230 : memref<16xf32, #tpu.memory_space<hbm>>) target(%arg9 : memref<16xf32, #tpu.memory_space<vmem>>) target_semaphore(%run_scoped3A_225 : memref<!tpu.dma_semaphore, #tpu.memory_space<semaphore_mem>>)
          %dma_wait3A = arith.constant 0 : i32
          %dma_wait3A_231 = tpu.memref_slice %arg4[%run_scoped3A_199, %dma_wait3A] : memref<4x16xf32, #tpu.memory_space<hbm>> -> memref<1x16xf32, #tpu.memory_space<hbm>>
          %dma_wait3A_232 = tpu.memref_squeeze %dma_wait3A_231 : memref<1x16xf32, #tpu.memory_space<hbm>> -> memref<16xf32, #tpu.memory_space<hbm>>
          %dma_wait3A_233 = arith.constant 0 : i32
          %dma_wait3A_234 = tpu.memref_slice %arg4[%run_scoped3A_199, %dma_wait3A_233] : memref<4x16xf32, #tpu.memory_space<hbm>> -> memref<1x16xf32, #tpu.memory_space<hbm>>
          %dma_wait3A_235 = tpu.memref_squeeze %dma_wait3A_234 : memref<1x16xf32, #tpu.memory_space<hbm>> -> memref<16xf32, #tpu.memory_space<hbm>>
          tpu.wait_dma2 semaphore(%run_scoped3A_225 : memref<!tpu.dma_semaphore, #tpu.memory_space<semaphore_mem>>) src(%dma_wait3A_235 : memref<16xf32, #tpu.memory_space<hbm>>) dst(%arg9 : memref<16xf32, #tpu.memory_space<vmem>>)
          tpu.yield
        }) : () -> ()
        %get3A_200 = arith.constant 0 : index
        %get3A_201 = tpu.vector_load %arg9[%get3A_200] {strides = array<i32>} : memref<16xf32, #tpu.memory_space<vmem>>, vector<16xf32>,
        %reduce_sum3A_202 = arith.constant true
        %reduce_sum3A_203 = vector.broadcast %reduce_sum3A_202 : i1 to vector<16xi1>
        %reduce_sum3A_204 = tpu.scan <sum>, %get3A_201 masked %reduce_sum3A_203 : vector<16xf32>, vector<16xi1> -> vector<16xf32>
        %reduce_sum3A_205 = vector.extract %reduce_sum3A_204[15] : f32 from vector<16xf32>
        %eq3A_206 = arith.constant 0 : i32
        %eq3A_207 = vector.broadcast %eq3A_206 : i32 to vector<16xi32>
        %eq3A_208 = arith.cmpi eq, %iota3A, %eq3A_207 : vector<16xi32>
        %add3A = arith.addf %reduce_sum3A_198, %reduce_sum3A_184 : f32
        %mul3A_209 = arith.constant 1.000000e+00 : f32
        %mul3A_210 = arith.mulf %mul3A_209, %add3A : f32
        %add3A_211 = arith.addf %reduce_sum3A_191, %mul3A_210 : f32
        %jit3A_212 = arith.constant 0.000000e+00 : f32
        %broadcast_in_dim3A_213 = vector.broadcast %add3A_211 : f32 to vector<16xf32>
        %broadcast_in_dim3A_214 = vector.broadcast %jit3A_212 : f32 to vector<16xf32>
        %select_n3A_215 = arith.select %eq3A_208, %broadcast_in_dim3A_213, %broadcast_in_dim3A_214 : vector<16xi1>, vector<16xf32>
        %eq3A_216 = arith.constant 0 : i32
        %eq3A_217 = vector.broadcast %eq3A_216 : i32 to vector<16xi32>
        %eq3A_218 = arith.cmpi eq, %iota3A, %eq3A_217 : vector<16xi32>
        %jit3A_219 = arith.constant 1.000000e+00 : f32
        %broadcast_in_dim3A_220 = vector.broadcast %reduce_sum3A_205 : f32 to vector<16xf32>
        %broadcast_in_dim3A_221 = vector.broadcast %jit3A_219 : f32 to vector<16xf32>
        %select_n3A_222 = arith.select %eq3A_218, %broadcast_in_dim3A_220, %broadcast_in_dim3A_221 : vector<16xi1>, vector<16xf32>
        %div3A = arith.divf %select_n3A_215, %select_n3A_222 : vector<16xf32>
        %swap3A_223 = arith.constant 0 : index
        %swap3A_224 = tpu.vector_load %arg10[%swap3A_223] {strides = array<i32>} : memref<16xf32, #tpu.memory_space<vmem>>, vector<16xf32>,
        tpu.vector_store %arg10[%swap3A_223], %div3A {strides = array<i32>} : memref<16xf32, #tpu.memory_space<vmem>>, vector<16xf32>,
        "tpu.region"() ({
          %run_scoped3A_225 = tpu.sem_alloc : memref<!tpu.dma_semaphore, #tpu.memory_space<semaphore_mem>>
          tpu.enqueue_dma source(%arg10 : memref<16xf32, #tpu.memory_space<vmem>>) target(%arg5 : memref<16xf32, #tpu.memory_space<hbm>>) target_semaphore(%run_scoped3A_225 : memref<!tpu.dma_semaphore, #tpu.memory_space<semaphore_mem>>)
          tpu.wait_dma2 semaphore(%run_scoped3A_225 : memref<!tpu.dma_semaphore, #tpu.memory_space<semaphore_mem>>) src(%arg10 : memref<16xf32, #tpu.memory_space<vmem>>) dst(%arg5 : memref<16xf32, #tpu.memory_space<hbm>>)
          tpu.yield
        }) : () -> ()
      } else {
      }
    } else {
    }
    return
  }
}

module attributes {stable_mosaic.version = 14 : i64} {
  func.func @_row_body(%arg0: i32, %arg1: memref<1x25x72x128xf32, #tpu.memory_space<vmem>>, %arg2: memref<4x72x128xf32, #tpu.memory_space<vmem>>, %arg3: memref<1x8x4xf32, #tpu.memory_space<smem>>, %arg4: memref<1x1x8xi32, #tpu.memory_space<smem>>, %arg5: memref<1x72x128xi32, #tpu.memory_space<vmem>>, %arg6: memref<1x72x128xf32, #tpu.memory_space<vmem>>, %arg7: memref<1x1x4xf32, #tpu.memory_space<smem>>) attributes {dimension_semantics = [#tpu.dimension_semantics<arbitrary>], iteration_bounds = array<i64: 16>, scalar_prefetch = 0 : i64, scratch_operands = 0 : i64, tpu.core_type = #tpu.core_type<tc>, window_params = [{transform_indices = @transform_0, window_bounds = array<i64: 1, 25, 72, 128>}, {pipeline_mode = #tpu.pipeline_mode<synchronous>, transform_indices = @transform_1, window_bounds = array<i64: 4, 72, 128>}, {transform_indices = @transform_2, window_bounds = array<i64: 1, 8, 4>}, {transform_indices = @transform_3, window_bounds = array<i64: 1, 1, 8>}, {transform_indices = @transform_4, window_bounds = array<i64: 1, 72, 128>}, {transform_indices = @transform_5, window_bounds = array<i64: 1, 72, 128>}, {transform_indices = @transform_6, window_bounds = array<i64: 1, 1, 4>}]} {
    %get3A = arith.constant 0 : index
    %get3A_0 = arith.constant 0 : index
    %get3A_1 = arith.constant 0 : index
    %get3A_2 = vector.load %arg2[%get3A, %get3A_0, %get3A_1] : memref<4x72x128xf32, #tpu.memory_space<vmem>>, vector<1x72x128xf32>
    %get3A_3 = vector.shape_cast %get3A_2 : vector<1x72x128xf32> to vector<72x128xf32>
    %get3A_4 = arith.constant 1 : index
    %get3A_5 = arith.constant 0 : index
    %get3A_6 = arith.constant 0 : index
    %get3A_7 = vector.load %arg2[%get3A_4, %get3A_5, %get3A_6] : memref<4x72x128xf32, #tpu.memory_space<vmem>>, vector<1x72x128xf32>
    %get3A_8 = vector.shape_cast %get3A_7 : vector<1x72x128xf32> to vector<72x128xf32>
    %get3A_9 = arith.constant 2 : index
    %get3A_10 = arith.constant 0 : index
    %get3A_11 = arith.constant 0 : index
    %get3A_12 = vector.load %arg2[%get3A_9, %get3A_10, %get3A_11] : memref<4x72x128xf32, #tpu.memory_space<vmem>>, vector<1x72x128xf32>
    %get3A_13 = vector.shape_cast %get3A_12 : vector<1x72x128xf32> to vector<72x128xf32>
    %get3A_14 = arith.constant 3 : index
    %get3A_15 = arith.constant 0 : index
    %get3A_16 = arith.constant 0 : index
    %get3A_17 = vector.load %arg2[%get3A_14, %get3A_15, %get3A_16] : memref<4x72x128xf32, #tpu.memory_space<vmem>>, vector<1x72x128xf32>
    %get3A_18 = vector.shape_cast %get3A_17 : vector<1x72x128xf32> to vector<72x128xf32>
    %div3A = arith.constant 2.000000e+00 : f32
    %div3A_19 = vector.broadcast %div3A : f32 to vector<72x128xf32>
    %div3A_20 = arith.divf %get3A_13, %div3A_19 : vector<72x128xf32>
    %sub3A = arith.subf %get3A_3, %div3A_20 : vector<72x128xf32>
    %div3A_21 = arith.constant 2.000000e+00 : f32
    %div3A_22 = vector.broadcast %div3A_21 : f32 to vector<72x128xf32>
    %div3A_23 = arith.divf %get3A_18, %div3A_22 : vector<72x128xf32>
    %sub3A_24 = arith.subf %get3A_8, %div3A_23 : vector<72x128xf32>
    %div3A_25 = arith.constant 2.000000e+00 : f32
    %div3A_26 = vector.broadcast %div3A_25 : f32 to vector<72x128xf32>
    %div3A_27 = arith.divf %get3A_13, %div3A_26 : vector<72x128xf32>
    %add3A = arith.addf %get3A_3, %div3A_27 : vector<72x128xf32>
    %div3A_28 = arith.constant 2.000000e+00 : f32
    %div3A_29 = vector.broadcast %div3A_28 : f32 to vector<72x128xf32>
    %div3A_30 = arith.divf %get3A_18, %div3A_29 : vector<72x128xf32>
    %add3A_31 = arith.addf %get3A_8, %div3A_30 : vector<72x128xf32>
    %sub3A_32 = arith.subf %add3A, %sub3A : vector<72x128xf32>
    %sub3A_33 = arith.subf %add3A_31, %sub3A_24 : vector<72x128xf32>
    %mul3A = arith.mulf %sub3A_32, %sub3A_33 : vector<72x128xf32>
    %iota3A = tpu.iota {dimensions = array<i32: 0>} : vector<72x128xi32>
    %iota3A_34 = tpu.iota {dimensions = array<i32: 1>} : vector<72x128xi32>
    %mul3A_35 = arith.constant 128 : i32
    %mul3A_36 = vector.broadcast %mul3A_35 : i32 to vector<72x128xi32>
    %mul3A_37 = arith.muli %iota3A, %mul3A_36 : vector<72x128xi32>
    %add3A_38 = arith.addi %mul3A_37, %iota3A_34 : vector<72x128xi32>
    %lt3A = arith.constant 8732 : i32
    %lt3A_39 = vector.broadcast %lt3A : i32 to vector<72x128xi32>
    %lt3A_40 = arith.cmpi slt, %add3A_38, %lt3A_39 : vector<72x128xi32>
    %get3A_41 = arith.constant 0 : index
    %get3A_42 = arith.constant 0 : index
    %get3A_43 = arith.constant 0 : index
    %get3A_44 = memref.load %arg3[%get3A_41, %get3A_42, %get3A_43] : memref<1x8x4xf32, #tpu.memory_space<smem>>
    %get3A_45 = arith.constant 0 : index
    %get3A_46 = arith.constant 1 : index
    %get3A_47 = arith.constant 0 : index
    %get3A_48 = memref.load %arg3[%get3A_45, %get3A_46, %get3A_47] : memref<1x8x4xf32, #tpu.memory_space<smem>>
    %get3A_49 = arith.constant 0 : index
    %get3A_50 = arith.constant 2 : index
    %get3A_51 = arith.constant 0 : index
    %get3A_52 = memref.load %arg3[%get3A_49, %get3A_50, %get3A_51] : memref<1x8x4xf32, #tpu.memory_space<smem>>
    %get3A_53 = arith.constant 0 : index
    %get3A_54 = arith.constant 3 : index
    %get3A_55 = arith.constant 0 : index
    %get3A_56 = memref.load %arg3[%get3A_53, %get3A_54, %get3A_55] : memref<1x8x4xf32, #tpu.memory_space<smem>>
    %get3A_57 = arith.constant 0 : index
    %get3A_58 = arith.constant 4 : index
    %get3A_59 = arith.constant 0 : index
    %get3A_60 = memref.load %arg3[%get3A_57, %get3A_58, %get3A_59] : memref<1x8x4xf32, #tpu.memory_space<smem>>
    %get3A_61 = arith.constant 0 : index
    %get3A_62 = arith.constant 5 : index
    %get3A_63 = arith.constant 0 : index
    %get3A_64 = memref.load %arg3[%get3A_61, %get3A_62, %get3A_63] : memref<1x8x4xf32, #tpu.memory_space<smem>>
    %get3A_65 = arith.constant 0 : index
    %get3A_66 = arith.constant 6 : index
    %get3A_67 = arith.constant 0 : index
    %get3A_68 = memref.load %arg3[%get3A_65, %get3A_66, %get3A_67] : memref<1x8x4xf32, #tpu.memory_space<smem>>
    %get3A_69 = arith.constant 0 : index
    %get3A_70 = arith.constant 7 : index
    %get3A_71 = arith.constant 0 : index
    %get3A_72 = memref.load %arg3[%get3A_69, %get3A_70, %get3A_71] : memref<1x8x4xf32, #tpu.memory_space<smem>>
    %get3A_73 = arith.constant 0 : index
    %get3A_74 = arith.constant 0 : index
    %get3A_75 = arith.constant 1 : index
    %get3A_76 = memref.load %arg3[%get3A_73, %get3A_74, %get3A_75] : memref<1x8x4xf32, #tpu.memory_space<smem>>
    %get3A_77 = arith.constant 0 : index
    %get3A_78 = arith.constant 1 : index
    %get3A_79 = arith.constant 1 : index
    %get3A_80 = memref.load %arg3[%get3A_77, %get3A_78, %get3A_79] : memref<1x8x4xf32, #tpu.memory_space<smem>>
    %get3A_81 = arith.constant 0 : index
    %get3A_82 = arith.constant 2 : index
    %get3A_83 = arith.constant 1 : index
    %get3A_84 = memref.load %arg3[%get3A_81, %get3A_82, %get3A_83] : memref<1x8x4xf32, #tpu.memory_space<smem>>
    %get3A_85 = arith.constant 0 : index
    %get3A_86 = arith.constant 3 : index
    %get3A_87 = arith.constant 1 : index
    %get3A_88 = memref.load %arg3[%get3A_85, %get3A_86, %get3A_87] : memref<1x8x4xf32, #tpu.memory_space<smem>>
    %get3A_89 = arith.constant 0 : index
    %get3A_90 = arith.constant 4 : index
    %get3A_91 = arith.constant 1 : index
    %get3A_92 = memref.load %arg3[%get3A_89, %get3A_90, %get3A_91] : memref<1x8x4xf32, #tpu.memory_space<smem>>
    %get3A_93 = arith.constant 0 : index
    %get3A_94 = arith.constant 5 : index
    %get3A_95 = arith.constant 1 : index
    %get3A_96 = memref.load %arg3[%get3A_93, %get3A_94, %get3A_95] : memref<1x8x4xf32, #tpu.memory_space<smem>>
    %get3A_97 = arith.constant 0 : index
    %get3A_98 = arith.constant 6 : index
    %get3A_99 = arith.constant 1 : index
    %get3A_100 = memref.load %arg3[%get3A_97, %get3A_98, %get3A_99] : memref<1x8x4xf32, #tpu.memory_space<smem>>
    %get3A_101 = arith.constant 0 : index
    %get3A_102 = arith.constant 7 : index
    %get3A_103 = arith.constant 1 : index
    %get3A_104 = memref.load %arg3[%get3A_101, %get3A_102, %get3A_103] : memref<1x8x4xf32, #tpu.memory_space<smem>>
    %get3A_105 = arith.constant 0 : index
    %get3A_106 = arith.constant 0 : index
    %get3A_107 = arith.constant 2 : index
    %get3A_108 = memref.load %arg3[%get3A_105, %get3A_106, %get3A_107] : memref<1x8x4xf32, #tpu.memory_space<smem>>
    %get3A_109 = arith.constant 0 : index
    %get3A_110 = arith.constant 1 : index
    %get3A_111 = arith.constant 2 : index
    %get3A_112 = memref.load %arg3[%get3A_109, %get3A_110, %get3A_111] : memref<1x8x4xf32, #tpu.memory_space<smem>>
    %get3A_113 = arith.constant 0 : index
    %get3A_114 = arith.constant 2 : index
    %get3A_115 = arith.constant 2 : index
    %get3A_116 = memref.load %arg3[%get3A_113, %get3A_114, %get3A_115] : memref<1x8x4xf32, #tpu.memory_space<smem>>
    %get3A_117 = arith.constant 0 : index
    %get3A_118 = arith.constant 3 : index
    %get3A_119 = arith.constant 2 : index
    %get3A_120 = memref.load %arg3[%get3A_117, %get3A_118, %get3A_119] : memref<1x8x4xf32, #tpu.memory_space<smem>>
    %get3A_121 = arith.constant 0 : index
    %get3A_122 = arith.constant 4 : index
    %get3A_123 = arith.constant 2 : index
    %get3A_124 = memref.load %arg3[%get3A_121, %get3A_122, %get3A_123] : memref<1x8x4xf32, #tpu.memory_space<smem>>
    %get3A_125 = arith.constant 0 : index
    %get3A_126 = arith.constant 5 : index
    %get3A_127 = arith.constant 2 : index
    %get3A_128 = memref.load %arg3[%get3A_125, %get3A_126, %get3A_127] : memref<1x8x4xf32, #tpu.memory_space<smem>>
    %get3A_129 = arith.constant 0 : index
    %get3A_130 = arith.constant 6 : index
    %get3A_131 = arith.constant 2 : index
    %get3A_132 = memref.load %arg3[%get3A_129, %get3A_130, %get3A_131] : memref<1x8x4xf32, #tpu.memory_space<smem>>
    %get3A_133 = arith.constant 0 : index
    %get3A_134 = arith.constant 7 : index
    %get3A_135 = arith.constant 2 : index
    %get3A_136 = memref.load %arg3[%get3A_133, %get3A_134, %get3A_135] : memref<1x8x4xf32, #tpu.memory_space<smem>>
    %get3A_137 = arith.constant 0 : index
    %get3A_138 = arith.constant 0 : index
    %get3A_139 = arith.constant 3 : index
    %get3A_140 = memref.load %arg3[%get3A_137, %get3A_138, %get3A_139] : memref<1x8x4xf32, #tpu.memory_space<smem>>
    %get3A_141 = arith.constant 0 : index
    %get3A_142 = arith.constant 1 : index
    %get3A_143 = arith.constant 3 : index
    %get3A_144 = memref.load %arg3[%get3A_141, %get3A_142, %get3A_143] : memref<1x8x4xf32, #tpu.memory_space<smem>>
    %get3A_145 = arith.constant 0 : index
    %get3A_146 = arith.constant 2 : index
    %get3A_147 = arith.constant 3 : index
    %get3A_148 = memref.load %arg3[%get3A_145, %get3A_146, %get3A_147] : memref<1x8x4xf32, #tpu.memory_space<smem>>
    %get3A_149 = arith.constant 0 : index
    %get3A_150 = arith.constant 3 : index
    %get3A_151 = arith.constant 3 : index
    %get3A_152 = memref.load %arg3[%get3A_149, %get3A_150, %get3A_151] : memref<1x8x4xf32, #tpu.memory_space<smem>>
    %get3A_153 = arith.constant 0 : index
    %get3A_154 = arith.constant 4 : index
    %get3A_155 = arith.constant 3 : index
    %get3A_156 = memref.load %arg3[%get3A_153, %get3A_154, %get3A_155] : memref<1x8x4xf32, #tpu.memory_space<smem>>
    %get3A_157 = arith.constant 0 : index
    %get3A_158 = arith.constant 5 : index
    %get3A_159 = arith.constant 3 : index
    %get3A_160 = memref.load %arg3[%get3A_157, %get3A_158, %get3A_159] : memref<1x8x4xf32, #tpu.memory_space<smem>>
    %get3A_161 = arith.constant 0 : index
    %get3A_162 = arith.constant 6 : index
    %get3A_163 = arith.constant 3 : index
    %get3A_164 = memref.load %arg3[%get3A_161, %get3A_162, %get3A_163] : memref<1x8x4xf32, #tpu.memory_space<smem>>
    %get3A_165 = arith.constant 0 : index
    %get3A_166 = arith.constant 7 : index
    %get3A_167 = arith.constant 3 : index
    %get3A_168 = memref.load %arg3[%get3A_165, %get3A_166, %get3A_167] : memref<1x8x4xf32, #tpu.memory_space<smem>>
    %get3A_169 = arith.constant 0 : index
    %get3A_170 = arith.constant 0 : index
    %get3A_171 = arith.constant 0 : index
    %get3A_172 = memref.load %arg4[%get3A_169, %get3A_170, %get3A_171] : memref<1x1x8xi32, #tpu.memory_space<smem>>
    %add3A_173 = arith.constant 1 : i32
    %add3A_174 = arith.addi %get3A_172, %add3A_173 : i32
    %convert_element_type3A = arith.sitofp %add3A_174 : i32 to f32
    %get3A_175 = arith.constant 0 : index
    %get3A_176 = arith.constant 0 : index
    %get3A_177 = arith.constant 1 : index
    %get3A_178 = memref.load %arg4[%get3A_175, %get3A_176, %get3A_177] : memref<1x1x8xi32, #tpu.memory_space<smem>>
    %add3A_179 = arith.constant 1 : i32
    %add3A_180 = arith.addi %get3A_178, %add3A_179 : i32
    %convert_element_type3A_181 = arith.sitofp %add3A_180 : i32 to f32
    %get3A_182 = arith.constant 0 : index
    %get3A_183 = arith.constant 0 : index
    %get3A_184 = arith.constant 2 : index
    %get3A_185 = memref.load %arg4[%get3A_182, %get3A_183, %get3A_184] : memref<1x1x8xi32, #tpu.memory_space<smem>>
    %add3A_186 = arith.constant 1 : i32
    %add3A_187 = arith.addi %get3A_185, %add3A_186 : i32
    %convert_element_type3A_188 = arith.sitofp %add3A_187 : i32 to f32
    %get3A_189 = arith.constant 0 : index
    %get3A_190 = arith.constant 0 : index
    %get3A_191 = arith.constant 3 : index
    %get3A_192 = memref.load %arg4[%get3A_189, %get3A_190, %get3A_191] : memref<1x1x8xi32, #tpu.memory_space<smem>>
    %add3A_193 = arith.constant 1 : i32
    %add3A_194 = arith.addi %get3A_192, %add3A_193 : i32
    %convert_element_type3A_195 = arith.sitofp %add3A_194 : i32 to f32
    %get3A_196 = arith.constant 0 : index
    %get3A_197 = arith.constant 0 : index
    %get3A_198 = arith.constant 4 : index
    %get3A_199 = memref.load %arg4[%get3A_196, %get3A_197, %get3A_198] : memref<1x1x8xi32, #tpu.memory_space<smem>>
    %add3A_200 = arith.constant 1 : i32
    %add3A_201 = arith.addi %get3A_199, %add3A_200 : i32
    %convert_element_type3A_202 = arith.sitofp %add3A_201 : i32 to f32
    %get3A_203 = arith.constant 0 : index
    %get3A_204 = arith.constant 0 : index
    %get3A_205 = arith.constant 5 : index
    %get3A_206 = memref.load %arg4[%get3A_203, %get3A_204, %get3A_205] : memref<1x1x8xi32, #tpu.memory_space<smem>>
    %add3A_207 = arith.constant 1 : i32
    %add3A_208 = arith.addi %get3A_206, %add3A_207 : i32
    %convert_element_type3A_209 = arith.sitofp %add3A_208 : i32 to f32
    %get3A_210 = arith.constant 0 : index
    %get3A_211 = arith.constant 0 : index
    %get3A_212 = arith.constant 6 : index
    %get3A_213 = memref.load %arg4[%get3A_210, %get3A_211, %get3A_212] : memref<1x1x8xi32, #tpu.memory_space<smem>>
    %add3A_214 = arith.constant 1 : i32
    %add3A_215 = arith.addi %get3A_213, %add3A_214 : i32
    %convert_element_type3A_216 = arith.sitofp %add3A_215 : i32 to f32
    %get3A_217 = arith.constant 0 : index
    %get3A_218 = arith.constant 0 : index
    %get3A_219 = arith.constant 7 : index
    %get3A_220 = memref.load %arg4[%get3A_217, %get3A_218, %get3A_219] : memref<1x1x8xi32, #tpu.memory_space<smem>>
    %add3A_221 = arith.constant 1 : i32
    %add3A_222 = arith.addi %get3A_220, %add3A_221 : i32
    %convert_element_type3A_223 = arith.sitofp %add3A_222 : i32 to f32
    %div3A_224 = arith.constant 2.000000e+00 : f32
    %div3A_225 = arith.divf %get3A_108, %div3A_224 : f32
    %sub3A_226 = arith.subf %get3A_44, %div3A_225 : f32
    %div3A_227 = arith.constant 2.000000e+00 : f32
    %div3A_228 = arith.divf %get3A_140, %div3A_227 : f32
    %sub3A_229 = arith.subf %get3A_76, %div3A_228 : f32
    %div3A_230 = arith.constant 2.000000e+00 : f32
    %div3A_231 = arith.divf %get3A_108, %div3A_230 : f32
    %add3A_232 = arith.addf %get3A_44, %div3A_231 : f32
    %div3A_233 = arith.constant 2.000000e+00 : f32
    %div3A_234 = arith.divf %get3A_140, %div3A_233 : f32
    %add3A_235 = arith.addf %get3A_76, %div3A_234 : f32
    %sub3A_236 = arith.subf %add3A_232, %sub3A_226 : f32
    %sub3A_237 = arith.subf %add3A_235, %sub3A_229 : f32
    %mul3A_238 = arith.mulf %sub3A_236, %sub3A_237 : f32
    %min3A = vector.broadcast %add3A_232 : f32 to vector<72x128xf32>
    %min3A_239 = arith.minimumf %min3A, %add3A : vector<72x128xf32>
    %max3A = vector.broadcast %sub3A_226 : f32 to vector<72x128xf32>
    %max3A_240 = arith.maximumf %max3A, %sub3A : vector<72x128xf32>
    %sub3A_241 = arith.subf %min3A_239, %max3A_240 : vector<72x128xf32>
    %max3A_242 = arith.constant 0.000000e+00 : f32
    %max3A_243 = vector.broadcast %max3A_242 : f32 to vector<72x128xf32>
    %max3A_244 = arith.maximumf %sub3A_241, %max3A_243 : vector<72x128xf32>
    %min3A_245 = vector.broadcast %add3A_235 : f32 to vector<72x128xf32>
    %min3A_246 = arith.minimumf %min3A_245, %add3A_31 : vector<72x128xf32>
    %max3A_247 = vector.broadcast %sub3A_229 : f32 to vector<72x128xf32>
    %max3A_248 = arith.maximumf %max3A_247, %sub3A_24 : vector<72x128xf32>
    %sub3A_249 = arith.subf %min3A_246, %max3A_248 : vector<72x128xf32>
    %max3A_250 = arith.constant 0.000000e+00 : f32
    %max3A_251 = vector.broadcast %max3A_250 : f32 to vector<72x128xf32>
    %max3A_252 = arith.maximumf %sub3A_249, %max3A_251 : vector<72x128xf32>
    %mul3A_253 = arith.mulf %max3A_244, %max3A_252 : vector<72x128xf32>
    %add3A_254 = vector.broadcast %mul3A_238 : f32 to vector<72x128xf32>
    %add3A_255 = arith.addf %add3A_254, %mul3A : vector<72x128xf32>
    %sub3A_256 = arith.subf %add3A_255, %mul3A_253 : vector<72x128xf32>
    %add3A_257 = arith.constant 9.99999996E-13 : f32
    %add3A_258 = vector.broadcast %add3A_257 : f32 to vector<72x128xf32>
    %add3A_259 = arith.addf %sub3A_256, %add3A_258 : vector<72x128xf32>
    %div3A_260 = arith.divf %mul3A_253, %add3A_259 : vector<72x128xf32>
    %broadcast_in_dim3A = arith.constant 0 : i32
    %broadcast_in_dim3A_261 = vector.broadcast %broadcast_in_dim3A : i32 to vector<72x128xi32>
    %reduce_max3A = vector.shape_cast %div3A_260 : vector<72x128xf32> to vector<1x72x128xf32>
    %reduce_max3A_262 = arith.constant dense<0xFF800000> : vector<1xf32>
    %reduce_max3A_263 = vector.multi_reduction <maximumf>, %reduce_max3A, %reduce_max3A_262 [1, 2] : vector<1x72x128xf32> to vector<1xf32>
    %reduce_max3A_264 = vector.shape_cast %reduce_max3A_263 : vector<1xf32> to vector<1x1x1xf32>
    %reduce_max3A_265 = vector.extract %reduce_max3A_264[0, 0, 0] : f32 from vector<1x1x1xf32>
    %eq3A = vector.broadcast %reduce_max3A_265 : f32 to vector<72x128xf32>
    %eq3A_266 = arith.cmpf oeq, %div3A_260, %eq3A : vector<72x128xf32>
    %jit3A = arith.constant 9216 : i32
    %broadcast_in_dim3A_267 = vector.broadcast %jit3A : i32 to vector<72x128xi32>
    %select_n3A = arith.select %eq3A_266, %add3A_38, %broadcast_in_dim3A_267 : vector<72x128xi1>, vector<72x128xi32>
    %reduce_min3A = vector.shape_cast %select_n3A : vector<72x128xi32> to vector<1x72x128xi32>
    %reduce_min3A_268 = arith.constant dense<2147483647> : vector<1xi32>
    %reduce_min3A_269 = vector.multi_reduction <minsi>, %reduce_min3A, %reduce_min3A_268 [1, 2] : vector<1x72x128xi32> to vector<1xi32>
    %reduce_min3A_270 = vector.shape_cast %reduce_min3A_269 : vector<1xi32> to vector<1x1x1xi32>
    %reduce_min3A_271 = vector.extract %reduce_min3A_270[0, 0, 0] : i32 from vector<1x1x1xi32>
    %div3A_272 = arith.constant 2.000000e+00 : f32
    %div3A_273 = arith.divf %get3A_112, %div3A_272 : f32
    %sub3A_274 = arith.subf %get3A_48, %div3A_273 : f32
    %div3A_275 = arith.constant 2.000000e+00 : f32
    %div3A_276 = arith.divf %get3A_144, %div3A_275 : f32
    %sub3A_277 = arith.subf %get3A_80, %div3A_276 : f32
    %div3A_278 = arith.constant 2.000000e+00 : f32
    %div3A_279 = arith.divf %get3A_112, %div3A_278 : f32
    %add3A_280 = arith.addf %get3A_48, %div3A_279 : f32
    %div3A_281 = arith.constant 2.000000e+00 : f32
    %div3A_282 = arith.divf %get3A_144, %div3A_281 : f32
    %add3A_283 = arith.addf %get3A_80, %div3A_282 : f32
    %sub3A_284 = arith.subf %add3A_280, %sub3A_274 : f32
    %sub3A_285 = arith.subf %add3A_283, %sub3A_277 : f32
    %mul3A_286 = arith.mulf %sub3A_284, %sub3A_285 : f32
    %min3A_287 = vector.broadcast %add3A_280 : f32 to vector<72x128xf32>
    %min3A_288 = arith.minimumf %min3A_287, %add3A : vector<72x128xf32>
    %max3A_289 = vector.broadcast %sub3A_274 : f32 to vector<72x128xf32>
    %max3A_290 = arith.maximumf %max3A_289, %sub3A : vector<72x128xf32>
    %sub3A_291 = arith.subf %min3A_288, %max3A_290 : vector<72x128xf32>
    %max3A_292 = arith.constant 0.000000e+00 : f32
    %max3A_293 = vector.broadcast %max3A_292 : f32 to vector<72x128xf32>
    %max3A_294 = arith.maximumf %sub3A_291, %max3A_293 : vector<72x128xf32>
    %min3A_295 = vector.broadcast %add3A_283 : f32 to vector<72x128xf32>
    %min3A_296 = arith.minimumf %min3A_295, %add3A_31 : vector<72x128xf32>
    %max3A_297 = vector.broadcast %sub3A_277 : f32 to vector<72x128xf32>
    %max3A_298 = arith.maximumf %max3A_297, %sub3A_24 : vector<72x128xf32>
    %sub3A_299 = arith.subf %min3A_296, %max3A_298 : vector<72x128xf32>
    %max3A_300 = arith.constant 0.000000e+00 : f32
    %max3A_301 = vector.broadcast %max3A_300 : f32 to vector<72x128xf32>
    %max3A_302 = arith.maximumf %sub3A_299, %max3A_301 : vector<72x128xf32>
    %mul3A_303 = arith.mulf %max3A_294, %max3A_302 : vector<72x128xf32>
    %add3A_304 = vector.broadcast %mul3A_286 : f32 to vector<72x128xf32>
    %add3A_305 = arith.addf %add3A_304, %mul3A : vector<72x128xf32>
    %sub3A_306 = arith.subf %add3A_305, %mul3A_303 : vector<72x128xf32>
    %add3A_307 = arith.constant 9.99999996E-13 : f32
    %add3A_308 = vector.broadcast %add3A_307 : f32 to vector<72x128xf32>
    %add3A_309 = arith.addf %sub3A_306, %add3A_308 : vector<72x128xf32>
    %div3A_310 = arith.divf %mul3A_303, %add3A_309 : vector<72x128xf32>
    %gt3A = arith.cmpf ogt, %div3A_310, %div3A_260 : vector<72x128xf32>
    %select_n3A_311 = arith.select %gt3A, %div3A_310, %div3A_260 : vector<72x128xi1>, vector<72x128xf32>
    %jit3A_312 = arith.constant 1 : i32
    %broadcast_in_dim3A_313 = vector.broadcast %jit3A_312 : i32 to vector<72x128xi32>
    %select_n3A_314 = arith.select %gt3A, %broadcast_in_dim3A_313, %broadcast_in_dim3A_261 : vector<72x128xi1>, vector<72x128xi32>
    %reduce_max3A_315 = vector.shape_cast %div3A_310 : vector<72x128xf32> to vector<1x72x128xf32>
    %reduce_max3A_316 = arith.constant dense<0xFF800000> : vector<1xf32>
    %reduce_max3A_317 = vector.multi_reduction <maximumf>, %reduce_max3A_315, %reduce_max3A_316 [1, 2] : vector<1x72x128xf32> to vector<1xf32>
    %reduce_max3A_318 = vector.shape_cast %reduce_max3A_317 : vector<1xf32> to vector<1x1x1xf32>
    %reduce_max3A_319 = vector.extract %reduce_max3A_318[0, 0, 0] : f32 from vector<1x1x1xf32>
    %eq3A_320 = vector.broadcast %reduce_max3A_319 : f32 to vector<72x128xf32>
    %eq3A_321 = arith.cmpf oeq, %div3A_310, %eq3A_320 : vector<72x128xf32>
    %jit3A_322 = arith.constant 9216 : i32
    %broadcast_in_dim3A_323 = vector.broadcast %jit3A_322 : i32 to vector<72x128xi32>
    %select_n3A_324 = arith.select %eq3A_321, %add3A_38, %broadcast_in_dim3A_323 : vector<72x128xi1>, vector<72x128xi32>
    %reduce_min3A_325 = vector.shape_cast %select_n3A_324 : vector<72x128xi32> to vector<1x72x128xi32>
    %reduce_min3A_326 = arith.constant dense<2147483647> : vector<1xi32>
    %reduce_min3A_327 = vector.multi_reduction <minsi>, %reduce_min3A_325, %reduce_min3A_326 [1, 2] : vector<1x72x128xi32> to vector<1xi32>
    %reduce_min3A_328 = vector.shape_cast %reduce_min3A_327 : vector<1xi32> to vector<1x1x1xi32>
    %reduce_min3A_329 = vector.extract %reduce_min3A_328[0, 0, 0] : i32 from vector<1x1x1xi32>
    %div3A_330 = arith.constant 2.000000e+00 : f32
    %div3A_331 = arith.divf %get3A_116, %div3A_330 : f32
    %sub3A_332 = arith.subf %get3A_52, %div3A_331 : f32
    %div3A_333 = arith.constant 2.000000e+00 : f32
    %div3A_334 = arith.divf %get3A_148, %div3A_333 : f32
    %sub3A_335 = arith.subf %get3A_84, %div3A_334 : f32
    %div3A_336 = arith.constant 2.000000e+00 : f32
    %div3A_337 = arith.divf %get3A_116, %div3A_336 : f32
    %add3A_338 = arith.addf %get3A_52, %div3A_337 : f32
    %div3A_339 = arith.constant 2.000000e+00 : f32
    %div3A_340 = arith.divf %get3A_148, %div3A_339 : f32
    %add3A_341 = arith.addf %get3A_84, %div3A_340 : f32
    %sub3A_342 = arith.subf %add3A_338, %sub3A_332 : f32
    %sub3A_343 = arith.subf %add3A_341, %sub3A_335 : f32
    %mul3A_344 = arith.mulf %sub3A_342, %sub3A_343 : f32
    %min3A_345 = vector.broadcast %add3A_338 : f32 to vector<72x128xf32>
    %min3A_346 = arith.minimumf %min3A_345, %add3A : vector<72x128xf32>
    %max3A_347 = vector.broadcast %sub3A_332 : f32 to vector<72x128xf32>
    %max3A_348 = arith.maximumf %max3A_347, %sub3A : vector<72x128xf32>
    %sub3A_349 = arith.subf %min3A_346, %max3A_348 : vector<72x128xf32>
    %max3A_350 = arith.constant 0.000000e+00 : f32
    %max3A_351 = vector.broadcast %max3A_350 : f32 to vector<72x128xf32>
    %max3A_352 = arith.maximumf %sub3A_349, %max3A_351 : vector<72x128xf32>
    %min3A_353 = vector.broadcast %add3A_341 : f32 to vector<72x128xf32>
    %min3A_354 = arith.minimumf %min3A_353, %add3A_31 : vector<72x128xf32>
    %max3A_355 = vector.broadcast %sub3A_335 : f32 to vector<72x128xf32>
    %max3A_356 = arith.maximumf %max3A_355, %sub3A_24 : vector<72x128xf32>
    %sub3A_357 = arith.subf %min3A_354, %max3A_356 : vector<72x128xf32>
    %max3A_358 = arith.constant 0.000000e+00 : f32
    %max3A_359 = vector.broadcast %max3A_358 : f32 to vector<72x128xf32>
    %max3A_360 = arith.maximumf %sub3A_357, %max3A_359 : vector<72x128xf32>
    %mul3A_361 = arith.mulf %max3A_352, %max3A_360 : vector<72x128xf32>
    %add3A_362 = vector.broadcast %mul3A_344 : f32 to vector<72x128xf32>
    %add3A_363 = arith.addf %add3A_362, %mul3A : vector<72x128xf32>
    %sub3A_364 = arith.subf %add3A_363, %mul3A_361 : vector<72x128xf32>
    %add3A_365 = arith.constant 9.99999996E-13 : f32
    %add3A_366 = vector.broadcast %add3A_365 : f32 to vector<72x128xf32>
    %add3A_367 = arith.addf %sub3A_364, %add3A_366 : vector<72x128xf32>
    %div3A_368 = arith.divf %mul3A_361, %add3A_367 : vector<72x128xf32>
    %gt3A_369 = arith.cmpf ogt, %div3A_368, %select_n3A_311 : vector<72x128xf32>
    %select_n3A_370 = arith.select %gt3A_369, %div3A_368, %select_n3A_311 : vector<72x128xi1>, vector<72x128xf32>
    %jit3A_371 = arith.constant 2 : i32
    %broadcast_in_dim3A_372 = vector.broadcast %jit3A_371 : i32 to vector<72x128xi32>
    %select_n3A_373 = arith.select %gt3A_369, %broadcast_in_dim3A_372, %select_n3A_314 : vector<72x128xi1>, vector<72x128xi32>
    %reduce_max3A_374 = vector.shape_cast %div3A_368 : vector<72x128xf32> to vector<1x72x128xf32>
    %reduce_max3A_375 = arith.constant dense<0xFF800000> : vector<1xf32>
    %reduce_max3A_376 = vector.multi_reduction <maximumf>, %reduce_max3A_374, %reduce_max3A_375 [1, 2] : vector<1x72x128xf32> to vector<1xf32>
    %reduce_max3A_377 = vector.shape_cast %reduce_max3A_376 : vector<1xf32> to vector<1x1x1xf32>
    %reduce_max3A_378 = vector.extract %reduce_max3A_377[0, 0, 0] : f32 from vector<1x1x1xf32>
    %eq3A_379 = vector.broadcast %reduce_max3A_378 : f32 to vector<72x128xf32>
    %eq3A_380 = arith.cmpf oeq, %div3A_368, %eq3A_379 : vector<72x128xf32>
    %jit3A_381 = arith.constant 9216 : i32
    %broadcast_in_dim3A_382 = vector.broadcast %jit3A_381 : i32 to vector<72x128xi32>
    %select_n3A_383 = arith.select %eq3A_380, %add3A_38, %broadcast_in_dim3A_382 : vector<72x128xi1>, vector<72x128xi32>
    %reduce_min3A_384 = vector.shape_cast %select_n3A_383 : vector<72x128xi32> to vector<1x72x128xi32>
    %reduce_min3A_385 = arith.constant dense<2147483647> : vector<1xi32>
    %reduce_min3A_386 = vector.multi_reduction <minsi>, %reduce_min3A_384, %reduce_min3A_385 [1, 2] : vector<1x72x128xi32> to vector<1xi32>
    %reduce_min3A_387 = vector.shape_cast %reduce_min3A_386 : vector<1xi32> to vector<1x1x1xi32>
    %reduce_min3A_388 = vector.extract %reduce_min3A_387[0, 0, 0] : i32 from vector<1x1x1xi32>
    %div3A_389 = arith.constant 2.000000e+00 : f32
    %div3A_390 = arith.divf %get3A_120, %div3A_389 : f32
    %sub3A_391 = arith.subf %get3A_56, %div3A_390 : f32
    %div3A_392 = arith.constant 2.000000e+00 : f32
    %div3A_393 = arith.divf %get3A_152, %div3A_392 : f32
    %sub3A_394 = arith.subf %get3A_88, %div3A_393 : f32
    %div3A_395 = arith.constant 2.000000e+00 : f32
    %div3A_396 = arith.divf %get3A_120, %div3A_395 : f32
    %add3A_397 = arith.addf %get3A_56, %div3A_396 : f32
    %div3A_398 = arith.constant 2.000000e+00 : f32
    %div3A_399 = arith.divf %get3A_152, %div3A_398 : f32
    %add3A_400 = arith.addf %get3A_88, %div3A_399 : f32
    %sub3A_401 = arith.subf %add3A_397, %sub3A_391 : f32
    %sub3A_402 = arith.subf %add3A_400, %sub3A_394 : f32
    %mul3A_403 = arith.mulf %sub3A_401, %sub3A_402 : f32
    %min3A_404 = vector.broadcast %add3A_397 : f32 to vector<72x128xf32>
    %min3A_405 = arith.minimumf %min3A_404, %add3A : vector<72x128xf32>
    %max3A_406 = vector.broadcast %sub3A_391 : f32 to vector<72x128xf32>
    %max3A_407 = arith.maximumf %max3A_406, %sub3A : vector<72x128xf32>
    %sub3A_408 = arith.subf %min3A_405, %max3A_407 : vector<72x128xf32>
    %max3A_409 = arith.constant 0.000000e+00 : f32
    %max3A_410 = vector.broadcast %max3A_409 : f32 to vector<72x128xf32>
    %max3A_411 = arith.maximumf %sub3A_408, %max3A_410 : vector<72x128xf32>
    %min3A_412 = vector.broadcast %add3A_400 : f32 to vector<72x128xf32>
    %min3A_413 = arith.minimumf %min3A_412, %add3A_31 : vector<72x128xf32>
    %max3A_414 = vector.broadcast %sub3A_394 : f32 to vector<72x128xf32>
    %max3A_415 = arith.maximumf %max3A_414, %sub3A_24 : vector<72x128xf32>
    %sub3A_416 = arith.subf %min3A_413, %max3A_415 : vector<72x128xf32>
    %max3A_417 = arith.constant 0.000000e+00 : f32
    %max3A_418 = vector.broadcast %max3A_417 : f32 to vector<72x128xf32>
    %max3A_419 = arith.maximumf %sub3A_416, %max3A_418 : vector<72x128xf32>
    %mul3A_420 = arith.mulf %max3A_411, %max3A_419 : vector<72x128xf32>
    %add3A_421 = vector.broadcast %mul3A_403 : f32 to vector<72x128xf32>
    %add3A_422 = arith.addf %add3A_421, %mul3A : vector<72x128xf32>
    %sub3A_423 = arith.subf %add3A_422, %mul3A_420 : vector<72x128xf32>
    %add3A_424 = arith.constant 9.99999996E-13 : f32
    %add3A_425 = vector.broadcast %add3A_424 : f32 to vector<72x128xf32>
    %add3A_426 = arith.addf %sub3A_423, %add3A_425 : vector<72x128xf32>
    %div3A_427 = arith.divf %mul3A_420, %add3A_426 : vector<72x128xf32>
    %gt3A_428 = arith.cmpf ogt, %div3A_427, %select_n3A_370 : vector<72x128xf32>
    %select_n3A_429 = arith.select %gt3A_428, %div3A_427, %select_n3A_370 : vector<72x128xi1>, vector<72x128xf32>
    %jit3A_430 = arith.constant 3 : i32
    %broadcast_in_dim3A_431 = vector.broadcast %jit3A_430 : i32 to vector<72x128xi32>
    %select_n3A_432 = arith.select %gt3A_428, %broadcast_in_dim3A_431, %select_n3A_373 : vector<72x128xi1>, vector<72x128xi32>
    %reduce_max3A_433 = vector.shape_cast %div3A_427 : vector<72x128xf32> to vector<1x72x128xf32>
    %reduce_max3A_434 = arith.constant dense<0xFF800000> : vector<1xf32>
    %reduce_max3A_435 = vector.multi_reduction <maximumf>, %reduce_max3A_433, %reduce_max3A_434 [1, 2] : vector<1x72x128xf32> to vector<1xf32>
    %reduce_max3A_436 = vector.shape_cast %reduce_max3A_435 : vector<1xf32> to vector<1x1x1xf32>
    %reduce_max3A_437 = vector.extract %reduce_max3A_436[0, 0, 0] : f32 from vector<1x1x1xf32>
    %eq3A_438 = vector.broadcast %reduce_max3A_437 : f32 to vector<72x128xf32>
    %eq3A_439 = arith.cmpf oeq, %div3A_427, %eq3A_438 : vector<72x128xf32>
    %jit3A_440 = arith.constant 9216 : i32
    %broadcast_in_dim3A_441 = vector.broadcast %jit3A_440 : i32 to vector<72x128xi32>
    %select_n3A_442 = arith.select %eq3A_439, %add3A_38, %broadcast_in_dim3A_441 : vector<72x128xi1>, vector<72x128xi32>
    %reduce_min3A_443 = vector.shape_cast %select_n3A_442 : vector<72x128xi32> to vector<1x72x128xi32>
    %reduce_min3A_444 = arith.constant dense<2147483647> : vector<1xi32>
    %reduce_min3A_445 = vector.multi_reduction <minsi>, %reduce_min3A_443, %reduce_min3A_444 [1, 2] : vector<1x72x128xi32> to vector<1xi32>
    %reduce_min3A_446 = vector.shape_cast %reduce_min3A_445 : vector<1xi32> to vector<1x1x1xi32>
    %reduce_min3A_447 = vector.extract %reduce_min3A_446[0, 0, 0] : i32 from vector<1x1x1xi32>
    %div3A_448 = arith.constant 2.000000e+00 : f32
    %div3A_449 = arith.divf %get3A_124, %div3A_448 : f32
    %sub3A_450 = arith.subf %get3A_60, %div3A_449 : f32
    %div3A_451 = arith.constant 2.000000e+00 : f32
    %div3A_452 = arith.divf %get3A_156, %div3A_451 : f32
    %sub3A_453 = arith.subf %get3A_92, %div3A_452 : f32
    %div3A_454 = arith.constant 2.000000e+00 : f32
    %div3A_455 = arith.divf %get3A_124, %div3A_454 : f32
    %add3A_456 = arith.addf %get3A_60, %div3A_455 : f32
    %div3A_457 = arith.constant 2.000000e+00 : f32
    %div3A_458 = arith.divf %get3A_156, %div3A_457 : f32
    %add3A_459 = arith.addf %get3A_92, %div3A_458 : f32
    %sub3A_460 = arith.subf %add3A_456, %sub3A_450 : f32
    %sub3A_461 = arith.subf %add3A_459, %sub3A_453 : f32
    %mul3A_462 = arith.mulf %sub3A_460, %sub3A_461 : f32
    %min3A_463 = vector.broadcast %add3A_456 : f32 to vector<72x128xf32>
    %min3A_464 = arith.minimumf %min3A_463, %add3A : vector<72x128xf32>
    %max3A_465 = vector.broadcast %sub3A_450 : f32 to vector<72x128xf32>
    %max3A_466 = arith.maximumf %max3A_465, %sub3A : vector<72x128xf32>
    %sub3A_467 = arith.subf %min3A_464, %max3A_466 : vector<72x128xf32>
    %max3A_468 = arith.constant 0.000000e+00 : f32
    %max3A_469 = vector.broadcast %max3A_468 : f32 to vector<72x128xf32>
    %max3A_470 = arith.maximumf %sub3A_467, %max3A_469 : vector<72x128xf32>
    %min3A_471 = vector.broadcast %add3A_459 : f32 to vector<72x128xf32>
    %min3A_472 = arith.minimumf %min3A_471, %add3A_31 : vector<72x128xf32>
    %max3A_473 = vector.broadcast %sub3A_453 : f32 to vector<72x128xf32>
    %max3A_474 = arith.maximumf %max3A_473, %sub3A_24 : vector<72x128xf32>
    %sub3A_475 = arith.subf %min3A_472, %max3A_474 : vector<72x128xf32>
    %max3A_476 = arith.constant 0.000000e+00 : f32
    %max3A_477 = vector.broadcast %max3A_476 : f32 to vector<72x128xf32>
    %max3A_478 = arith.maximumf %sub3A_475, %max3A_477 : vector<72x128xf32>
    %mul3A_479 = arith.mulf %max3A_470, %max3A_478 : vector<72x128xf32>
    %add3A_480 = vector.broadcast %mul3A_462 : f32 to vector<72x128xf32>
    %add3A_481 = arith.addf %add3A_480, %mul3A : vector<72x128xf32>
    %sub3A_482 = arith.subf %add3A_481, %mul3A_479 : vector<72x128xf32>
    %add3A_483 = arith.constant 9.99999996E-13 : f32
    %add3A_484 = vector.broadcast %add3A_483 : f32 to vector<72x128xf32>
    %add3A_485 = arith.addf %sub3A_482, %add3A_484 : vector<72x128xf32>
    %div3A_486 = arith.divf %mul3A_479, %add3A_485 : vector<72x128xf32>
    %gt3A_487 = arith.cmpf ogt, %div3A_486, %select_n3A_429 : vector<72x128xf32>
    %select_n3A_488 = arith.select %gt3A_487, %div3A_486, %select_n3A_429 : vector<72x128xi1>, vector<72x128xf32>
    %jit3A_489 = arith.constant 4 : i32
    %broadcast_in_dim3A_490 = vector.broadcast %jit3A_489 : i32 to vector<72x128xi32>
    %select_n3A_491 = arith.select %gt3A_487, %broadcast_in_dim3A_490, %select_n3A_432 : vector<72x128xi1>, vector<72x128xi32>
    %reduce_max3A_492 = vector.shape_cast %div3A_486 : vector<72x128xf32> to vector<1x72x128xf32>
    %reduce_max3A_493 = arith.constant dense<0xFF800000> : vector<1xf32>
    %reduce_max3A_494 = vector.multi_reduction <maximumf>, %reduce_max3A_492, %reduce_max3A_493 [1, 2] : vector<1x72x128xf32> to vector<1xf32>
    %reduce_max3A_495 = vector.shape_cast %reduce_max3A_494 : vector<1xf32> to vector<1x1x1xf32>
    %reduce_max3A_496 = vector.extract %reduce_max3A_495[0, 0, 0] : f32 from vector<1x1x1xf32>
    %eq3A_497 = vector.broadcast %reduce_max3A_496 : f32 to vector<72x128xf32>
    %eq3A_498 = arith.cmpf oeq, %div3A_486, %eq3A_497 : vector<72x128xf32>
    %jit3A_499 = arith.constant 9216 : i32
    %broadcast_in_dim3A_500 = vector.broadcast %jit3A_499 : i32 to vector<72x128xi32>
    %select_n3A_501 = arith.select %eq3A_498, %add3A_38, %broadcast_in_dim3A_500 : vector<72x128xi1>, vector<72x128xi32>
    %reduce_min3A_502 = vector.shape_cast %select_n3A_501 : vector<72x128xi32> to vector<1x72x128xi32>
    %reduce_min3A_503 = arith.constant dense<2147483647> : vector<1xi32>
    %reduce_min3A_504 = vector.multi_reduction <minsi>, %reduce_min3A_502, %reduce_min3A_503 [1, 2] : vector<1x72x128xi32> to vector<1xi32>
    %reduce_min3A_505 = vector.shape_cast %reduce_min3A_504 : vector<1xi32> to vector<1x1x1xi32>
    %reduce_min3A_506 = vector.extract %reduce_min3A_505[0, 0, 0] : i32 from vector<1x1x1xi32>
    %div3A_507 = arith.constant 2.000000e+00 : f32
    %div3A_508 = arith.divf %get3A_128, %div3A_507 : f32
    %sub3A_509 = arith.subf %get3A_64, %div3A_508 : f32
    %div3A_510 = arith.constant 2.000000e+00 : f32
    %div3A_511 = arith.divf %get3A_160, %div3A_510 : f32
    %sub3A_512 = arith.subf %get3A_96, %div3A_511 : f32
    %div3A_513 = arith.constant 2.000000e+00 : f32
    %div3A_514 = arith.divf %get3A_128, %div3A_513 : f32
    %add3A_515 = arith.addf %get3A_64, %div3A_514 : f32
    %div3A_516 = arith.constant 2.000000e+00 : f32
    %div3A_517 = arith.divf %get3A_160, %div3A_516 : f32
    %add3A_518 = arith.addf %get3A_96, %div3A_517 : f32
    %sub3A_519 = arith.subf %add3A_515, %sub3A_509 : f32
    %sub3A_520 = arith.subf %add3A_518, %sub3A_512 : f32
    %mul3A_521 = arith.mulf %sub3A_519, %sub3A_520 : f32
    %min3A_522 = vector.broadcast %add3A_515 : f32 to vector<72x128xf32>
    %min3A_523 = arith.minimumf %min3A_522, %add3A : vector<72x128xf32>
    %max3A_524 = vector.broadcast %sub3A_509 : f32 to vector<72x128xf32>
    %max3A_525 = arith.maximumf %max3A_524, %sub3A : vector<72x128xf32>
    %sub3A_526 = arith.subf %min3A_523, %max3A_525 : vector<72x128xf32>
    %max3A_527 = arith.constant 0.000000e+00 : f32
    %max3A_528 = vector.broadcast %max3A_527 : f32 to vector<72x128xf32>
    %max3A_529 = arith.maximumf %sub3A_526, %max3A_528 : vector<72x128xf32>
    %min3A_530 = vector.broadcast %add3A_518 : f32 to vector<72x128xf32>
    %min3A_531 = arith.minimumf %min3A_530, %add3A_31 : vector<72x128xf32>
    %max3A_532 = vector.broadcast %sub3A_512 : f32 to vector<72x128xf32>
    %max3A_533 = arith.maximumf %max3A_532, %sub3A_24 : vector<72x128xf32>
    %sub3A_534 = arith.subf %min3A_531, %max3A_533 : vector<72x128xf32>
    %max3A_535 = arith.constant 0.000000e+00 : f32
    %max3A_536 = vector.broadcast %max3A_535 : f32 to vector<72x128xf32>
    %max3A_537 = arith.maximumf %sub3A_534, %max3A_536 : vector<72x128xf32>
    %mul3A_538 = arith.mulf %max3A_529, %max3A_537 : vector<72x128xf32>
    %add3A_539 = vector.broadcast %mul3A_521 : f32 to vector<72x128xf32>
    %add3A_540 = arith.addf %add3A_539, %mul3A : vector<72x128xf32>
    %sub3A_541 = arith.subf %add3A_540, %mul3A_538 : vector<72x128xf32>
    %add3A_542 = arith.constant 9.99999996E-13 : f32
    %add3A_543 = vector.broadcast %add3A_542 : f32 to vector<72x128xf32>
    %add3A_544 = arith.addf %sub3A_541, %add3A_543 : vector<72x128xf32>
    %div3A_545 = arith.divf %mul3A_538, %add3A_544 : vector<72x128xf32>
    %gt3A_546 = arith.cmpf ogt, %div3A_545, %select_n3A_488 : vector<72x128xf32>
    %select_n3A_547 = arith.select %gt3A_546, %div3A_545, %select_n3A_488 : vector<72x128xi1>, vector<72x128xf32>
    %jit3A_548 = arith.constant 5 : i32
    %broadcast_in_dim3A_549 = vector.broadcast %jit3A_548 : i32 to vector<72x128xi32>
    %select_n3A_550 = arith.select %gt3A_546, %broadcast_in_dim3A_549, %select_n3A_491 : vector<72x128xi1>, vector<72x128xi32>
    %reduce_max3A_551 = vector.shape_cast %div3A_545 : vector<72x128xf32> to vector<1x72x128xf32>
    %reduce_max3A_552 = arith.constant dense<0xFF800000> : vector<1xf32>
    %reduce_max3A_553 = vector.multi_reduction <maximumf>, %reduce_max3A_551, %reduce_max3A_552 [1, 2] : vector<1x72x128xf32> to vector<1xf32>
    %reduce_max3A_554 = vector.shape_cast %reduce_max3A_553 : vector<1xf32> to vector<1x1x1xf32>
    %reduce_max3A_555 = vector.extract %reduce_max3A_554[0, 0, 0] : f32 from vector<1x1x1xf32>
    %eq3A_556 = vector.broadcast %reduce_max3A_555 : f32 to vector<72x128xf32>
    %eq3A_557 = arith.cmpf oeq, %div3A_545, %eq3A_556 : vector<72x128xf32>
    %jit3A_558 = arith.constant 9216 : i32
    %broadcast_in_dim3A_559 = vector.broadcast %jit3A_558 : i32 to vector<72x128xi32>
    %select_n3A_560 = arith.select %eq3A_557, %add3A_38, %broadcast_in_dim3A_559 : vector<72x128xi1>, vector<72x128xi32>
    %reduce_min3A_561 = vector.shape_cast %select_n3A_560 : vector<72x128xi32> to vector<1x72x128xi32>
    %reduce_min3A_562 = arith.constant dense<2147483647> : vector<1xi32>
    %reduce_min3A_563 = vector.multi_reduction <minsi>, %reduce_min3A_561, %reduce_min3A_562 [1, 2] : vector<1x72x128xi32> to vector<1xi32>
    %reduce_min3A_564 = vector.shape_cast %reduce_min3A_563 : vector<1xi32> to vector<1x1x1xi32>
    %reduce_min3A_565 = vector.extract %reduce_min3A_564[0, 0, 0] : i32 from vector<1x1x1xi32>
    %div3A_566 = arith.constant 2.000000e+00 : f32
    %div3A_567 = arith.divf %get3A_132, %div3A_566 : f32
    %sub3A_568 = arith.subf %get3A_68, %div3A_567 : f32
    %div3A_569 = arith.constant 2.000000e+00 : f32
    %div3A_570 = arith.divf %get3A_164, %div3A_569 : f32
    %sub3A_571 = arith.subf %get3A_100, %div3A_570 : f32
    %div3A_572 = arith.constant 2.000000e+00 : f32
    %div3A_573 = arith.divf %get3A_132, %div3A_572 : f32
    %add3A_574 = arith.addf %get3A_68, %div3A_573 : f32
    %div3A_575 = arith.constant 2.000000e+00 : f32
    %div3A_576 = arith.divf %get3A_164, %div3A_575 : f32
    %add3A_577 = arith.addf %get3A_100, %div3A_576 : f32
    %sub3A_578 = arith.subf %add3A_574, %sub3A_568 : f32
    %sub3A_579 = arith.subf %add3A_577, %sub3A_571 : f32
    %mul3A_580 = arith.mulf %sub3A_578, %sub3A_579 : f32
    %min3A_581 = vector.broadcast %add3A_574 : f32 to vector<72x128xf32>
    %min3A_582 = arith.minimumf %min3A_581, %add3A : vector<72x128xf32>
    %max3A_583 = vector.broadcast %sub3A_568 : f32 to vector<72x128xf32>
    %max3A_584 = arith.maximumf %max3A_583, %sub3A : vector<72x128xf32>
    %sub3A_585 = arith.subf %min3A_582, %max3A_584 : vector<72x128xf32>
    %max3A_586 = arith.constant 0.000000e+00 : f32
    %max3A_587 = vector.broadcast %max3A_586 : f32 to vector<72x128xf32>
    %max3A_588 = arith.maximumf %sub3A_585, %max3A_587 : vector<72x128xf32>
    %min3A_589 = vector.broadcast %add3A_577 : f32 to vector<72x128xf32>
    %min3A_590 = arith.minimumf %min3A_589, %add3A_31 : vector<72x128xf32>
    %max3A_591 = vector.broadcast %sub3A_571 : f32 to vector<72x128xf32>
    %max3A_592 = arith.maximumf %max3A_591, %sub3A_24 : vector<72x128xf32>
    %sub3A_593 = arith.subf %min3A_590, %max3A_592 : vector<72x128xf32>
    %max3A_594 = arith.constant 0.000000e+00 : f32
    %max3A_595 = vector.broadcast %max3A_594 : f32 to vector<72x128xf32>
    %max3A_596 = arith.maximumf %sub3A_593, %max3A_595 : vector<72x128xf32>
    %mul3A_597 = arith.mulf %max3A_588, %max3A_596 : vector<72x128xf32>
    %add3A_598 = vector.broadcast %mul3A_580 : f32 to vector<72x128xf32>
    %add3A_599 = arith.addf %add3A_598, %mul3A : vector<72x128xf32>
    %sub3A_600 = arith.subf %add3A_599, %mul3A_597 : vector<72x128xf32>
    %add3A_601 = arith.constant 9.99999996E-13 : f32
    %add3A_602 = vector.broadcast %add3A_601 : f32 to vector<72x128xf32>
    %add3A_603 = arith.addf %sub3A_600, %add3A_602 : vector<72x128xf32>
    %div3A_604 = arith.divf %mul3A_597, %add3A_603 : vector<72x128xf32>
    %gt3A_605 = arith.cmpf ogt, %div3A_604, %select_n3A_547 : vector<72x128xf32>
    %select_n3A_606 = arith.select %gt3A_605, %div3A_604, %select_n3A_547 : vector<72x128xi1>, vector<72x128xf32>
    %jit3A_607 = arith.constant 6 : i32
    %broadcast_in_dim3A_608 = vector.broadcast %jit3A_607 : i32 to vector<72x128xi32>
    %select_n3A_609 = arith.select %gt3A_605, %broadcast_in_dim3A_608, %select_n3A_550 : vector<72x128xi1>, vector<72x128xi32>
    %reduce_max3A_610 = vector.shape_cast %div3A_604 : vector<72x128xf32> to vector<1x72x128xf32>
    %reduce_max3A_611 = arith.constant dense<0xFF800000> : vector<1xf32>
    %reduce_max3A_612 = vector.multi_reduction <maximumf>, %reduce_max3A_610, %reduce_max3A_611 [1, 2] : vector<1x72x128xf32> to vector<1xf32>
    %reduce_max3A_613 = vector.shape_cast %reduce_max3A_612 : vector<1xf32> to vector<1x1x1xf32>
    %reduce_max3A_614 = vector.extract %reduce_max3A_613[0, 0, 0] : f32 from vector<1x1x1xf32>
    %eq3A_615 = vector.broadcast %reduce_max3A_614 : f32 to vector<72x128xf32>
    %eq3A_616 = arith.cmpf oeq, %div3A_604, %eq3A_615 : vector<72x128xf32>
    %jit3A_617 = arith.constant 9216 : i32
    %broadcast_in_dim3A_618 = vector.broadcast %jit3A_617 : i32 to vector<72x128xi32>
    %select_n3A_619 = arith.select %eq3A_616, %add3A_38, %broadcast_in_dim3A_618 : vector<72x128xi1>, vector<72x128xi32>
    %reduce_min3A_620 = vector.shape_cast %select_n3A_619 : vector<72x128xi32> to vector<1x72x128xi32>
    %reduce_min3A_621 = arith.constant dense<2147483647> : vector<1xi32>
    %reduce_min3A_622 = vector.multi_reduction <minsi>, %reduce_min3A_620, %reduce_min3A_621 [1, 2] : vector<1x72x128xi32> to vector<1xi32>
    %reduce_min3A_623 = vector.shape_cast %reduce_min3A_622 : vector<1xi32> to vector<1x1x1xi32>
    %reduce_min3A_624 = vector.extract %reduce_min3A_623[0, 0, 0] : i32 from vector<1x1x1xi32>
    %div3A_625 = arith.constant 2.000000e+00 : f32
    %div3A_626 = arith.divf %get3A_136, %div3A_625 : f32
    %sub3A_627 = arith.subf %get3A_72, %div3A_626 : f32
    %div3A_628 = arith.constant 2.000000e+00 : f32
    %div3A_629 = arith.divf %get3A_168, %div3A_628 : f32
    %sub3A_630 = arith.subf %get3A_104, %div3A_629 : f32
    %div3A_631 = arith.constant 2.000000e+00 : f32
    %div3A_632 = arith.divf %get3A_136, %div3A_631 : f32
    %add3A_633 = arith.addf %get3A_72, %div3A_632 : f32
    %div3A_634 = arith.constant 2.000000e+00 : f32
    %div3A_635 = arith.divf %get3A_168, %div3A_634 : f32
    %add3A_636 = arith.addf %get3A_104, %div3A_635 : f32
    %sub3A_637 = arith.subf %add3A_633, %sub3A_627 : f32
    %sub3A_638 = arith.subf %add3A_636, %sub3A_630 : f32
    %mul3A_639 = arith.mulf %sub3A_637, %sub3A_638 : f32
    %min3A_640 = vector.broadcast %add3A_633 : f32 to vector<72x128xf32>
    %min3A_641 = arith.minimumf %min3A_640, %add3A : vector<72x128xf32>
    %max3A_642 = vector.broadcast %sub3A_627 : f32 to vector<72x128xf32>
    %max3A_643 = arith.maximumf %max3A_642, %sub3A : vector<72x128xf32>
    %sub3A_644 = arith.subf %min3A_641, %max3A_643 : vector<72x128xf32>
    %max3A_645 = arith.constant 0.000000e+00 : f32
    %max3A_646 = vector.broadcast %max3A_645 : f32 to vector<72x128xf32>
    %max3A_647 = arith.maximumf %sub3A_644, %max3A_646 : vector<72x128xf32>
    %min3A_648 = vector.broadcast %add3A_636 : f32 to vector<72x128xf32>
    %min3A_649 = arith.minimumf %min3A_648, %add3A_31 : vector<72x128xf32>
    %max3A_650 = vector.broadcast %sub3A_630 : f32 to vector<72x128xf32>
    %max3A_651 = arith.maximumf %max3A_650, %sub3A_24 : vector<72x128xf32>
    %sub3A_652 = arith.subf %min3A_649, %max3A_651 : vector<72x128xf32>
    %max3A_653 = arith.constant 0.000000e+00 : f32
    %max3A_654 = vector.broadcast %max3A_653 : f32 to vector<72x128xf32>
    %max3A_655 = arith.maximumf %sub3A_652, %max3A_654 : vector<72x128xf32>
    %mul3A_656 = arith.mulf %max3A_647, %max3A_655 : vector<72x128xf32>
    %add3A_657 = vector.broadcast %mul3A_639 : f32 to vector<72x128xf32>
    %add3A_658 = arith.addf %add3A_657, %mul3A : vector<72x128xf32>
    %sub3A_659 = arith.subf %add3A_658, %mul3A_656 : vector<72x128xf32>
    %add3A_660 = arith.constant 9.99999996E-13 : f32
    %add3A_661 = vector.broadcast %add3A_660 : f32 to vector<72x128xf32>
    %add3A_662 = arith.addf %sub3A_659, %add3A_661 : vector<72x128xf32>
    %div3A_663 = arith.divf %mul3A_656, %add3A_662 : vector<72x128xf32>
    %gt3A_664 = arith.cmpf ogt, %div3A_663, %select_n3A_606 : vector<72x128xf32>
    %select_n3A_665 = arith.select %gt3A_664, %div3A_663, %select_n3A_606 : vector<72x128xi1>, vector<72x128xf32>
    %jit3A_666 = arith.constant 7 : i32
    %broadcast_in_dim3A_667 = vector.broadcast %jit3A_666 : i32 to vector<72x128xi32>
    %select_n3A_668 = arith.select %gt3A_664, %broadcast_in_dim3A_667, %select_n3A_609 : vector<72x128xi1>, vector<72x128xi32>
    %reduce_max3A_669 = vector.shape_cast %div3A_663 : vector<72x128xf32> to vector<1x72x128xf32>
    %reduce_max3A_670 = arith.constant dense<0xFF800000> : vector<1xf32>
    %reduce_max3A_671 = vector.multi_reduction <maximumf>, %reduce_max3A_669, %reduce_max3A_670 [1, 2] : vector<1x72x128xf32> to vector<1xf32>
    %reduce_max3A_672 = vector.shape_cast %reduce_max3A_671 : vector<1xf32> to vector<1x1x1xf32>
    %reduce_max3A_673 = vector.extract %reduce_max3A_672[0, 0, 0] : f32 from vector<1x1x1xf32>
    %eq3A_674 = vector.broadcast %reduce_max3A_673 : f32 to vector<72x128xf32>
    %eq3A_675 = arith.cmpf oeq, %div3A_663, %eq3A_674 : vector<72x128xf32>
    %jit3A_676 = arith.constant 9216 : i32
    %broadcast_in_dim3A_677 = vector.broadcast %jit3A_676 : i32 to vector<72x128xi32>
    %select_n3A_678 = arith.select %eq3A_675, %add3A_38, %broadcast_in_dim3A_677 : vector<72x128xi1>, vector<72x128xi32>
    %reduce_min3A_679 = vector.shape_cast %select_n3A_678 : vector<72x128xi32> to vector<1x72x128xi32>
    %reduce_min3A_680 = arith.constant dense<2147483647> : vector<1xi32>
    %reduce_min3A_681 = vector.multi_reduction <minsi>, %reduce_min3A_679, %reduce_min3A_680 [1, 2] : vector<1x72x128xi32> to vector<1xi32>
    %reduce_min3A_682 = vector.shape_cast %reduce_min3A_681 : vector<1xi32> to vector<1x1x1xi32>
    %reduce_min3A_683 = vector.extract %reduce_min3A_682[0, 0, 0] : i32 from vector<1x1x1xi32>
    %broadcast_in_dim3A_684 = vector.broadcast %get3A_44 : f32 to vector<72x128xf32>
    %eq3A_685 = arith.constant 1 : i32
    %eq3A_686 = vector.broadcast %eq3A_685 : i32 to vector<72x128xi32>
    %eq3A_687 = arith.cmpi eq, %select_n3A_668, %eq3A_686 : vector<72x128xi32>
    %broadcast_in_dim3A_688 = vector.broadcast %get3A_48 : f32 to vector<72x128xf32>
    %select_n3A_689 = arith.select %eq3A_687, %broadcast_in_dim3A_688, %broadcast_in_dim3A_684 : vector<72x128xi1>, vector<72x128xf32>
    %eq3A_690 = arith.constant 2 : i32
    %eq3A_691 = vector.broadcast %eq3A_690 : i32 to vector<72x128xi32>
    %eq3A_692 = arith.cmpi eq, %select_n3A_668, %eq3A_691 : vector<72x128xi32>
    %broadcast_in_dim3A_693 = vector.broadcast %get3A_52 : f32 to vector<72x128xf32>
    %select_n3A_694 = arith.select %eq3A_692, %broadcast_in_dim3A_693, %select_n3A_689 : vector<72x128xi1>, vector<72x128xf32>
    %eq3A_695 = arith.constant 3 : i32
    %eq3A_696 = vector.broadcast %eq3A_695 : i32 to vector<72x128xi32>
    %eq3A_697 = arith.cmpi eq, %select_n3A_668, %eq3A_696 : vector<72x128xi32>
    %broadcast_in_dim3A_698 = vector.broadcast %get3A_56 : f32 to vector<72x128xf32>
    %select_n3A_699 = arith.select %eq3A_697, %broadcast_in_dim3A_698, %select_n3A_694 : vector<72x128xi1>, vector<72x128xf32>
    %eq3A_700 = arith.constant 4 : i32
    %eq3A_701 = vector.broadcast %eq3A_700 : i32 to vector<72x128xi32>
    %eq3A_702 = arith.cmpi eq, %select_n3A_668, %eq3A_701 : vector<72x128xi32>
    %broadcast_in_dim3A_703 = vector.broadcast %get3A_60 : f32 to vector<72x128xf32>
    %select_n3A_704 = arith.select %eq3A_702, %broadcast_in_dim3A_703, %select_n3A_699 : vector<72x128xi1>, vector<72x128xf32>
    %eq3A_705 = arith.constant 5 : i32
    %eq3A_706 = vector.broadcast %eq3A_705 : i32 to vector<72x128xi32>
    %eq3A_707 = arith.cmpi eq, %select_n3A_668, %eq3A_706 : vector<72x128xi32>
    %broadcast_in_dim3A_708 = vector.broadcast %get3A_64 : f32 to vector<72x128xf32>
    %select_n3A_709 = arith.select %eq3A_707, %broadcast_in_dim3A_708, %select_n3A_704 : vector<72x128xi1>, vector<72x128xf32>
    %eq3A_710 = arith.constant 6 : i32
    %eq3A_711 = vector.broadcast %eq3A_710 : i32 to vector<72x128xi32>
    %eq3A_712 = arith.cmpi eq, %select_n3A_668, %eq3A_711 : vector<72x128xi32>
    %broadcast_in_dim3A_713 = vector.broadcast %get3A_68 : f32 to vector<72x128xf32>
    %select_n3A_714 = arith.select %eq3A_712, %broadcast_in_dim3A_713, %select_n3A_709 : vector<72x128xi1>, vector<72x128xf32>
    %eq3A_715 = arith.constant 7 : i32
    %eq3A_716 = vector.broadcast %eq3A_715 : i32 to vector<72x128xi32>
    %eq3A_717 = arith.cmpi eq, %select_n3A_668, %eq3A_716 : vector<72x128xi32>
    %broadcast_in_dim3A_718 = vector.broadcast %get3A_72 : f32 to vector<72x128xf32>
    %select_n3A_719 = arith.select %eq3A_717, %broadcast_in_dim3A_718, %select_n3A_714 : vector<72x128xi1>, vector<72x128xf32>
    %broadcast_in_dim3A_720 = vector.broadcast %get3A_76 : f32 to vector<72x128xf32>
    %eq3A_721 = arith.constant 1 : i32
    %eq3A_722 = vector.broadcast %eq3A_721 : i32 to vector<72x128xi32>
    %eq3A_723 = arith.cmpi eq, %select_n3A_668, %eq3A_722 : vector<72x128xi32>
    %broadcast_in_dim3A_724 = vector.broadcast %get3A_80 : f32 to vector<72x128xf32>
    %select_n3A_725 = arith.select %eq3A_723, %broadcast_in_dim3A_724, %broadcast_in_dim3A_720 : vector<72x128xi1>, vector<72x128xf32>
    %eq3A_726 = arith.constant 2 : i32
    %eq3A_727 = vector.broadcast %eq3A_726 : i32 to vector<72x128xi32>
    %eq3A_728 = arith.cmpi eq, %select_n3A_668, %eq3A_727 : vector<72x128xi32>
    %broadcast_in_dim3A_729 = vector.broadcast %get3A_84 : f32 to vector<72x128xf32>
    %select_n3A_730 = arith.select %eq3A_728, %broadcast_in_dim3A_729, %select_n3A_725 : vector<72x128xi1>, vector<72x128xf32>
    %eq3A_731 = arith.constant 3 : i32
    %eq3A_732 = vector.broadcast %eq3A_731 : i32 to vector<72x128xi32>
    %eq3A_733 = arith.cmpi eq, %select_n3A_668, %eq3A_732 : vector<72x128xi32>
    %broadcast_in_dim3A_734 = vector.broadcast %get3A_88 : f32 to vector<72x128xf32>
    %select_n3A_735 = arith.select %eq3A_733, %broadcast_in_dim3A_734, %select_n3A_730 : vector<72x128xi1>, vector<72x128xf32>
    %eq3A_736 = arith.constant 4 : i32
    %eq3A_737 = vector.broadcast %eq3A_736 : i32 to vector<72x128xi32>
    %eq3A_738 = arith.cmpi eq, %select_n3A_668, %eq3A_737 : vector<72x128xi32>
    %broadcast_in_dim3A_739 = vector.broadcast %get3A_92 : f32 to vector<72x128xf32>
    %select_n3A_740 = arith.select %eq3A_738, %broadcast_in_dim3A_739, %select_n3A_735 : vector<72x128xi1>, vector<72x128xf32>
    %eq3A_741 = arith.constant 5 : i32
    %eq3A_742 = vector.broadcast %eq3A_741 : i32 to vector<72x128xi32>
    %eq3A_743 = arith.cmpi eq, %select_n3A_668, %eq3A_742 : vector<72x128xi32>
    %broadcast_in_dim3A_744 = vector.broadcast %get3A_96 : f32 to vector<72x128xf32>
    %select_n3A_745 = arith.select %eq3A_743, %broadcast_in_dim3A_744, %select_n3A_740 : vector<72x128xi1>, vector<72x128xf32>
    %eq3A_746 = arith.constant 6 : i32
    %eq3A_747 = vector.broadcast %eq3A_746 : i32 to vector<72x128xi32>
    %eq3A_748 = arith.cmpi eq, %select_n3A_668, %eq3A_747 : vector<72x128xi32>
    %broadcast_in_dim3A_749 = vector.broadcast %get3A_100 : f32 to vector<72x128xf32>
    %select_n3A_750 = arith.select %eq3A_748, %broadcast_in_dim3A_749, %select_n3A_745 : vector<72x128xi1>, vector<72x128xf32>
    %eq3A_751 = arith.constant 7 : i32
    %eq3A_752 = vector.broadcast %eq3A_751 : i32 to vector<72x128xi32>
    %eq3A_753 = arith.cmpi eq, %select_n3A_668, %eq3A_752 : vector<72x128xi32>
    %broadcast_in_dim3A_754 = vector.broadcast %get3A_104 : f32 to vector<72x128xf32>
    %select_n3A_755 = arith.select %eq3A_753, %broadcast_in_dim3A_754, %select_n3A_750 : vector<72x128xi1>, vector<72x128xf32>
    %broadcast_in_dim3A_756 = vector.broadcast %get3A_108 : f32 to vector<72x128xf32>
    %eq3A_757 = arith.constant 1 : i32
    %eq3A_758 = vector.broadcast %eq3A_757 : i32 to vector<72x128xi32>
    %eq3A_759 = arith.cmpi eq, %select_n3A_668, %eq3A_758 : vector<72x128xi32>
    %broadcast_in_dim3A_760 = vector.broadcast %get3A_112 : f32 to vector<72x128xf32>
    %select_n3A_761 = arith.select %eq3A_759, %broadcast_in_dim3A_760, %broadcast_in_dim3A_756 : vector<72x128xi1>, vector<72x128xf32>
    %eq3A_762 = arith.constant 2 : i32
    %eq3A_763 = vector.broadcast %eq3A_762 : i32 to vector<72x128xi32>
    %eq3A_764 = arith.cmpi eq, %select_n3A_668, %eq3A_763 : vector<72x128xi32>
    %broadcast_in_dim3A_765 = vector.broadcast %get3A_116 : f32 to vector<72x128xf32>
    %select_n3A_766 = arith.select %eq3A_764, %broadcast_in_dim3A_765, %select_n3A_761 : vector<72x128xi1>, vector<72x128xf32>
    %eq3A_767 = arith.constant 3 : i32
    %eq3A_768 = vector.broadcast %eq3A_767 : i32 to vector<72x128xi32>
    %eq3A_769 = arith.cmpi eq, %select_n3A_668, %eq3A_768 : vector<72x128xi32>
    %broadcast_in_dim3A_770 = vector.broadcast %get3A_120 : f32 to vector<72x128xf32>
    %select_n3A_771 = arith.select %eq3A_769, %broadcast_in_dim3A_770, %select_n3A_766 : vector<72x128xi1>, vector<72x128xf32>
    %eq3A_772 = arith.constant 4 : i32
    %eq3A_773 = vector.broadcast %eq3A_772 : i32 to vector<72x128xi32>
    %eq3A_774 = arith.cmpi eq, %select_n3A_668, %eq3A_773 : vector<72x128xi32>
    %broadcast_in_dim3A_775 = vector.broadcast %get3A_124 : f32 to vector<72x128xf32>
    %select_n3A_776 = arith.select %eq3A_774, %broadcast_in_dim3A_775, %select_n3A_771 : vector<72x128xi1>, vector<72x128xf32>
    %eq3A_777 = arith.constant 5 : i32
    %eq3A_778 = vector.broadcast %eq3A_777 : i32 to vector<72x128xi32>
    %eq3A_779 = arith.cmpi eq, %select_n3A_668, %eq3A_778 : vector<72x128xi32>
    %broadcast_in_dim3A_780 = vector.broadcast %get3A_128 : f32 to vector<72x128xf32>
    %select_n3A_781 = arith.select %eq3A_779, %broadcast_in_dim3A_780, %select_n3A_776 : vector<72x128xi1>, vector<72x128xf32>
    %eq3A_782 = arith.constant 6 : i32
    %eq3A_783 = vector.broadcast %eq3A_782 : i32 to vector<72x128xi32>
    %eq3A_784 = arith.cmpi eq, %select_n3A_668, %eq3A_783 : vector<72x128xi32>
    %broadcast_in_dim3A_785 = vector.broadcast %get3A_132 : f32 to vector<72x128xf32>
    %select_n3A_786 = arith.select %eq3A_784, %broadcast_in_dim3A_785, %select_n3A_781 : vector<72x128xi1>, vector<72x128xf32>
    %eq3A_787 = arith.constant 7 : i32
    %eq3A_788 = vector.broadcast %eq3A_787 : i32 to vector<72x128xi32>
    %eq3A_789 = arith.cmpi eq, %select_n3A_668, %eq3A_788 : vector<72x128xi32>
    %broadcast_in_dim3A_790 = vector.broadcast %get3A_136 : f32 to vector<72x128xf32>
    %select_n3A_791 = arith.select %eq3A_789, %broadcast_in_dim3A_790, %select_n3A_786 : vector<72x128xi1>, vector<72x128xf32>
    %broadcast_in_dim3A_792 = vector.broadcast %get3A_140 : f32 to vector<72x128xf32>
    %eq3A_793 = arith.constant 1 : i32
    %eq3A_794 = vector.broadcast %eq3A_793 : i32 to vector<72x128xi32>
    %eq3A_795 = arith.cmpi eq, %select_n3A_668, %eq3A_794 : vector<72x128xi32>
    %broadcast_in_dim3A_796 = vector.broadcast %get3A_144 : f32 to vector<72x128xf32>
    %select_n3A_797 = arith.select %eq3A_795, %broadcast_in_dim3A_796, %broadcast_in_dim3A_792 : vector<72x128xi1>, vector<72x128xf32>
    %eq3A_798 = arith.constant 2 : i32
    %eq3A_799 = vector.broadcast %eq3A_798 : i32 to vector<72x128xi32>
    %eq3A_800 = arith.cmpi eq, %select_n3A_668, %eq3A_799 : vector<72x128xi32>
    %broadcast_in_dim3A_801 = vector.broadcast %get3A_148 : f32 to vector<72x128xf32>
    %select_n3A_802 = arith.select %eq3A_800, %broadcast_in_dim3A_801, %select_n3A_797 : vector<72x128xi1>, vector<72x128xf32>
    %eq3A_803 = arith.constant 3 : i32
    %eq3A_804 = vector.broadcast %eq3A_803 : i32 to vector<72x128xi32>
    %eq3A_805 = arith.cmpi eq, %select_n3A_668, %eq3A_804 : vector<72x128xi32>
    %broadcast_in_dim3A_806 = vector.broadcast %get3A_152 : f32 to vector<72x128xf32>
    %select_n3A_807 = arith.select %eq3A_805, %broadcast_in_dim3A_806, %select_n3A_802 : vector<72x128xi1>, vector<72x128xf32>
    %eq3A_808 = arith.constant 4 : i32
    %eq3A_809 = vector.broadcast %eq3A_808 : i32 to vector<72x128xi32>
    %eq3A_810 = arith.cmpi eq, %select_n3A_668, %eq3A_809 : vector<72x128xi32>
    %broadcast_in_dim3A_811 = vector.broadcast %get3A_156 : f32 to vector<72x128xf32>
    %select_n3A_812 = arith.select %eq3A_810, %broadcast_in_dim3A_811, %select_n3A_807 : vector<72x128xi1>, vector<72x128xf32>
    %eq3A_813 = arith.constant 5 : i32
    %eq3A_814 = vector.broadcast %eq3A_813 : i32 to vector<72x128xi32>
    %eq3A_815 = arith.cmpi eq, %select_n3A_668, %eq3A_814 : vector<72x128xi32>
    %broadcast_in_dim3A_816 = vector.broadcast %get3A_160 : f32 to vector<72x128xf32>
    %select_n3A_817 = arith.select %eq3A_815, %broadcast_in_dim3A_816, %select_n3A_812 : vector<72x128xi1>, vector<72x128xf32>
    %eq3A_818 = arith.constant 6 : i32
    %eq3A_819 = vector.broadcast %eq3A_818 : i32 to vector<72x128xi32>
    %eq3A_820 = arith.cmpi eq, %select_n3A_668, %eq3A_819 : vector<72x128xi32>
    %broadcast_in_dim3A_821 = vector.broadcast %get3A_164 : f32 to vector<72x128xf32>
    %select_n3A_822 = arith.select %eq3A_820, %broadcast_in_dim3A_821, %select_n3A_817 : vector<72x128xi1>, vector<72x128xf32>
    %eq3A_823 = arith.constant 7 : i32
    %eq3A_824 = vector.broadcast %eq3A_823 : i32 to vector<72x128xi32>
    %eq3A_825 = arith.cmpi eq, %select_n3A_668, %eq3A_824 : vector<72x128xi32>
    %broadcast_in_dim3A_826 = vector.broadcast %get3A_168 : f32 to vector<72x128xf32>
    %select_n3A_827 = arith.select %eq3A_825, %broadcast_in_dim3A_826, %select_n3A_822 : vector<72x128xi1>, vector<72x128xf32>
    %broadcast_in_dim3A_828 = vector.broadcast %convert_element_type3A : f32 to vector<72x128xf32>
    %eq3A_829 = arith.constant 1 : i32
    %eq3A_830 = vector.broadcast %eq3A_829 : i32 to vector<72x128xi32>
    %eq3A_831 = arith.cmpi eq, %select_n3A_668, %eq3A_830 : vector<72x128xi32>
    %broadcast_in_dim3A_832 = vector.broadcast %convert_element_type3A_181 : f32 to vector<72x128xf32>
    %select_n3A_833 = arith.select %eq3A_831, %broadcast_in_dim3A_832, %broadcast_in_dim3A_828 : vector<72x128xi1>, vector<72x128xf32>
    %eq3A_834 = arith.constant 2 : i32
    %eq3A_835 = vector.broadcast %eq3A_834 : i32 to vector<72x128xi32>
    %eq3A_836 = arith.cmpi eq, %select_n3A_668, %eq3A_835 : vector<72x128xi32>
    %broadcast_in_dim3A_837 = vector.broadcast %convert_element_type3A_188 : f32 to vector<72x128xf32>
    %select_n3A_838 = arith.select %eq3A_836, %broadcast_in_dim3A_837, %select_n3A_833 : vector<72x128xi1>, vector<72x128xf32>
    %eq3A_839 = arith.constant 3 : i32
    %eq3A_840 = vector.broadcast %eq3A_839 : i32 to vector<72x128xi32>
    %eq3A_841 = arith.cmpi eq, %select_n3A_668, %eq3A_840 : vector<72x128xi32>
    %broadcast_in_dim3A_842 = vector.broadcast %convert_element_type3A_195 : f32 to vector<72x128xf32>
    %select_n3A_843 = arith.select %eq3A_841, %broadcast_in_dim3A_842, %select_n3A_838 : vector<72x128xi1>, vector<72x128xf32>
    %eq3A_844 = arith.constant 4 : i32
    %eq3A_845 = vector.broadcast %eq3A_844 : i32 to vector<72x128xi32>
    %eq3A_846 = arith.cmpi eq, %select_n3A_668, %eq3A_845 : vector<72x128xi32>
    %broadcast_in_dim3A_847 = vector.broadcast %convert_element_type3A_202 : f32 to vector<72x128xf32>
    %select_n3A_848 = arith.select %eq3A_846, %broadcast_in_dim3A_847, %select_n3A_843 : vector<72x128xi1>, vector<72x128xf32>
    %eq3A_849 = arith.constant 5 : i32
    %eq3A_850 = vector.broadcast %eq3A_849 : i32 to vector<72x128xi32>
    %eq3A_851 = arith.cmpi eq, %select_n3A_668, %eq3A_850 : vector<72x128xi32>
    %broadcast_in_dim3A_852 = vector.broadcast %convert_element_type3A_209 : f32 to vector<72x128xf32>
    %select_n3A_853 = arith.select %eq3A_851, %broadcast_in_dim3A_852, %select_n3A_848 : vector<72x128xi1>, vector<72x128xf32>
    %eq3A_854 = arith.constant 6 : i32
    %eq3A_855 = vector.broadcast %eq3A_854 : i32 to vector<72x128xi32>
    %eq3A_856 = arith.cmpi eq, %select_n3A_668, %eq3A_855 : vector<72x128xi32>
    %broadcast_in_dim3A_857 = vector.broadcast %convert_element_type3A_216 : f32 to vector<72x128xf32>
    %select_n3A_858 = arith.select %eq3A_856, %broadcast_in_dim3A_857, %select_n3A_853 : vector<72x128xi1>, vector<72x128xf32>
    %eq3A_859 = arith.constant 7 : i32
    %eq3A_860 = vector.broadcast %eq3A_859 : i32 to vector<72x128xi32>
    %eq3A_861 = arith.cmpi eq, %select_n3A_668, %eq3A_860 : vector<72x128xi32>
    %broadcast_in_dim3A_862 = vector.broadcast %convert_element_type3A_223 : f32 to vector<72x128xf32>
    %select_n3A_863 = arith.select %eq3A_861, %broadcast_in_dim3A_862, %select_n3A_858 : vector<72x128xi1>, vector<72x128xf32>
    %gt3A_864 = arith.constant 5.000000e-01 : f32
    %gt3A_865 = vector.broadcast %gt3A_864 : f32 to vector<72x128xf32>
    %gt3A_866 = arith.cmpf ogt, %select_n3A_665, %gt3A_865 : vector<72x128xf32>
    %eq3A_867 = vector.broadcast %reduce_min3A_271 : i32 to vector<72x128xi32>
    %eq3A_868 = arith.cmpi eq, %add3A_38, %eq3A_867 : vector<72x128xi32>
    %broadcast_in_dim3A_869 = vector.broadcast %get3A_44 : f32 to vector<72x128xf32>
    %select_n3A_870 = arith.select %eq3A_868, %broadcast_in_dim3A_869, %select_n3A_719 : vector<72x128xi1>, vector<72x128xf32>
    %broadcast_in_dim3A_871 = vector.broadcast %get3A_76 : f32 to vector<72x128xf32>
    %select_n3A_872 = arith.select %eq3A_868, %broadcast_in_dim3A_871, %select_n3A_755 : vector<72x128xi1>, vector<72x128xf32>
    %broadcast_in_dim3A_873 = vector.broadcast %get3A_108 : f32 to vector<72x128xf32>
    %select_n3A_874 = arith.select %eq3A_868, %broadcast_in_dim3A_873, %select_n3A_791 : vector<72x128xi1>, vector<72x128xf32>
    %broadcast_in_dim3A_875 = vector.broadcast %get3A_140 : f32 to vector<72x128xf32>
    %select_n3A_876 = arith.select %eq3A_868, %broadcast_in_dim3A_875, %select_n3A_827 : vector<72x128xi1>, vector<72x128xf32>
    %broadcast_in_dim3A_877 = vector.broadcast %convert_element_type3A : f32 to vector<72x128xf32>
    %select_n3A_878 = arith.select %eq3A_868, %broadcast_in_dim3A_877, %select_n3A_863 : vector<72x128xi1>, vector<72x128xf32>
    %or3A = arith.ori %gt3A_866, %eq3A_868 : vector<72x128xi1>
    %eq3A_879 = vector.broadcast %reduce_min3A_329 : i32 to vector<72x128xi32>
    %eq3A_880 = arith.cmpi eq, %add3A_38, %eq3A_879 : vector<72x128xi32>
    %broadcast_in_dim3A_881 = vector.broadcast %get3A_48 : f32 to vector<72x128xf32>
    %select_n3A_882 = arith.select %eq3A_880, %broadcast_in_dim3A_881, %select_n3A_870 : vector<72x128xi1>, vector<72x128xf32>
    %broadcast_in_dim3A_883 = vector.broadcast %get3A_80 : f32 to vector<72x128xf32>
    %select_n3A_884 = arith.select %eq3A_880, %broadcast_in_dim3A_883, %select_n3A_872 : vector<72x128xi1>, vector<72x128xf32>
    %broadcast_in_dim3A_885 = vector.broadcast %get3A_112 : f32 to vector<72x128xf32>
    %select_n3A_886 = arith.select %eq3A_880, %broadcast_in_dim3A_885, %select_n3A_874 : vector<72x128xi1>, vector<72x128xf32>
    %broadcast_in_dim3A_887 = vector.broadcast %get3A_144 : f32 to vector<72x128xf32>
    %select_n3A_888 = arith.select %eq3A_880, %broadcast_in_dim3A_887, %select_n3A_876 : vector<72x128xi1>, vector<72x128xf32>
    %broadcast_in_dim3A_889 = vector.broadcast %convert_element_type3A_181 : f32 to vector<72x128xf32>
    %select_n3A_890 = arith.select %eq3A_880, %broadcast_in_dim3A_889, %select_n3A_878 : vector<72x128xi1>, vector<72x128xf32>
    %or3A_891 = arith.ori %or3A, %eq3A_880 : vector<72x128xi1>
    %eq3A_892 = vector.broadcast %reduce_min3A_388 : i32 to vector<72x128xi32>
    %eq3A_893 = arith.cmpi eq, %add3A_38, %eq3A_892 : vector<72x128xi32>
    %broadcast_in_dim3A_894 = vector.broadcast %get3A_52 : f32 to vector<72x128xf32>
    %select_n3A_895 = arith.select %eq3A_893, %broadcast_in_dim3A_894, %select_n3A_882 : vector<72x128xi1>, vector<72x128xf32>
    %broadcast_in_dim3A_896 = vector.broadcast %get3A_84 : f32 to vector<72x128xf32>
    %select_n3A_897 = arith.select %eq3A_893, %broadcast_in_dim3A_896, %select_n3A_884 : vector<72x128xi1>, vector<72x128xf32>
    %broadcast_in_dim3A_898 = vector.broadcast %get3A_116 : f32 to vector<72x128xf32>
    %select_n3A_899 = arith.select %eq3A_893, %broadcast_in_dim3A_898, %select_n3A_886 : vector<72x128xi1>, vector<72x128xf32>
    %broadcast_in_dim3A_900 = vector.broadcast %get3A_148 : f32 to vector<72x128xf32>
    %select_n3A_901 = arith.select %eq3A_893, %broadcast_in_dim3A_900, %select_n3A_888 : vector<72x128xi1>, vector<72x128xf32>
    %broadcast_in_dim3A_902 = vector.broadcast %convert_element_type3A_188 : f32 to vector<72x128xf32>
    %select_n3A_903 = arith.select %eq3A_893, %broadcast_in_dim3A_902, %select_n3A_890 : vector<72x128xi1>, vector<72x128xf32>
    %or3A_904 = arith.ori %or3A_891, %eq3A_893 : vector<72x128xi1>
    %eq3A_905 = vector.broadcast %reduce_min3A_447 : i32 to vector<72x128xi32>
    %eq3A_906 = arith.cmpi eq, %add3A_38, %eq3A_905 : vector<72x128xi32>
    %broadcast_in_dim3A_907 = vector.broadcast %get3A_56 : f32 to vector<72x128xf32>
    %select_n3A_908 = arith.select %eq3A_906, %broadcast_in_dim3A_907, %select_n3A_895 : vector<72x128xi1>, vector<72x128xf32>
    %broadcast_in_dim3A_909 = vector.broadcast %get3A_88 : f32 to vector<72x128xf32>
    %select_n3A_910 = arith.select %eq3A_906, %broadcast_in_dim3A_909, %select_n3A_897 : vector<72x128xi1>, vector<72x128xf32>
    %broadcast_in_dim3A_911 = vector.broadcast %get3A_120 : f32 to vector<72x128xf32>
    %select_n3A_912 = arith.select %eq3A_906, %broadcast_in_dim3A_911, %select_n3A_899 : vector<72x128xi1>, vector<72x128xf32>
    %broadcast_in_dim3A_913 = vector.broadcast %get3A_152 : f32 to vector<72x128xf32>
    %select_n3A_914 = arith.select %eq3A_906, %broadcast_in_dim3A_913, %select_n3A_901 : vector<72x128xi1>, vector<72x128xf32>
    %broadcast_in_dim3A_915 = vector.broadcast %convert_element_type3A_195 : f32 to vector<72x128xf32>
    %select_n3A_916 = arith.select %eq3A_906, %broadcast_in_dim3A_915, %select_n3A_903 : vector<72x128xi1>, vector<72x128xf32>
    %or3A_917 = arith.ori %or3A_904, %eq3A_906 : vector<72x128xi1>
    %eq3A_918 = vector.broadcast %reduce_min3A_506 : i32 to vector<72x128xi32>
    %eq3A_919 = arith.cmpi eq, %add3A_38, %eq3A_918 : vector<72x128xi32>
    %broadcast_in_dim3A_920 = vector.broadcast %get3A_60 : f32 to vector<72x128xf32>
    %select_n3A_921 = arith.select %eq3A_919, %broadcast_in_dim3A_920, %select_n3A_908 : vector<72x128xi1>, vector<72x128xf32>
    %broadcast_in_dim3A_922 = vector.broadcast %get3A_92 : f32 to vector<72x128xf32>
    %select_n3A_923 = arith.select %eq3A_919, %broadcast_in_dim3A_922, %select_n3A_910 : vector<72x128xi1>, vector<72x128xf32>
    %broadcast_in_dim3A_924 = vector.broadcast %get3A_124 : f32 to vector<72x128xf32>
    %select_n3A_925 = arith.select %eq3A_919, %broadcast_in_dim3A_924, %select_n3A_912 : vector<72x128xi1>, vector<72x128xf32>
    %broadcast_in_dim3A_926 = vector.broadcast %get3A_156 : f32 to vector<72x128xf32>
    %select_n3A_927 = arith.select %eq3A_919, %broadcast_in_dim3A_926, %select_n3A_914 : vector<72x128xi1>, vector<72x128xf32>
    %broadcast_in_dim3A_928 = vector.broadcast %convert_element_type3A_202 : f32 to vector<72x128xf32>
    %select_n3A_929 = arith.select %eq3A_919, %broadcast_in_dim3A_928, %select_n3A_916 : vector<72x128xi1>, vector<72x128xf32>
    %or3A_930 = arith.ori %or3A_917, %eq3A_919 : vector<72x128xi1>
    %eq3A_931 = vector.broadcast %reduce_min3A_565 : i32 to vector<72x128xi32>
    %eq3A_932 = arith.cmpi eq, %add3A_38, %eq3A_931 : vector<72x128xi32>
    %broadcast_in_dim3A_933 = vector.broadcast %get3A_64 : f32 to vector<72x128xf32>
    %select_n3A_934 = arith.select %eq3A_932, %broadcast_in_dim3A_933, %select_n3A_921 : vector<72x128xi1>, vector<72x128xf32>
    %broadcast_in_dim3A_935 = vector.broadcast %get3A_96 : f32 to vector<72x128xf32>
    %select_n3A_936 = arith.select %eq3A_932, %broadcast_in_dim3A_935, %select_n3A_923 : vector<72x128xi1>, vector<72x128xf32>
    %broadcast_in_dim3A_937 = vector.broadcast %get3A_128 : f32 to vector<72x128xf32>
    %select_n3A_938 = arith.select %eq3A_932, %broadcast_in_dim3A_937, %select_n3A_925 : vector<72x128xi1>, vector<72x128xf32>
    %broadcast_in_dim3A_939 = vector.broadcast %get3A_160 : f32 to vector<72x128xf32>
    %select_n3A_940 = arith.select %eq3A_932, %broadcast_in_dim3A_939, %select_n3A_927 : vector<72x128xi1>, vector<72x128xf32>
    %broadcast_in_dim3A_941 = vector.broadcast %convert_element_type3A_209 : f32 to vector<72x128xf32>
    %select_n3A_942 = arith.select %eq3A_932, %broadcast_in_dim3A_941, %select_n3A_929 : vector<72x128xi1>, vector<72x128xf32>
    %or3A_943 = arith.ori %or3A_930, %eq3A_932 : vector<72x128xi1>
    %eq3A_944 = vector.broadcast %reduce_min3A_624 : i32 to vector<72x128xi32>
    %eq3A_945 = arith.cmpi eq, %add3A_38, %eq3A_944 : vector<72x128xi32>
    %broadcast_in_dim3A_946 = vector.broadcast %get3A_68 : f32 to vector<72x128xf32>
    %select_n3A_947 = arith.select %eq3A_945, %broadcast_in_dim3A_946, %select_n3A_934 : vector<72x128xi1>, vector<72x128xf32>
    %broadcast_in_dim3A_948 = vector.broadcast %get3A_100 : f32 to vector<72x128xf32>
    %select_n3A_949 = arith.select %eq3A_945, %broadcast_in_dim3A_948, %select_n3A_936 : vector<72x128xi1>, vector<72x128xf32>
    %broadcast_in_dim3A_950 = vector.broadcast %get3A_132 : f32 to vector<72x128xf32>
    %select_n3A_951 = arith.select %eq3A_945, %broadcast_in_dim3A_950, %select_n3A_938 : vector<72x128xi1>, vector<72x128xf32>
    %broadcast_in_dim3A_952 = vector.broadcast %get3A_164 : f32 to vector<72x128xf32>
    %select_n3A_953 = arith.select %eq3A_945, %broadcast_in_dim3A_952, %select_n3A_940 : vector<72x128xi1>, vector<72x128xf32>
    %broadcast_in_dim3A_954 = vector.broadcast %convert_element_type3A_216 : f32 to vector<72x128xf32>
    %select_n3A_955 = arith.select %eq3A_945, %broadcast_in_dim3A_954, %select_n3A_942 : vector<72x128xi1>, vector<72x128xf32>
    %or3A_956 = arith.ori %or3A_943, %eq3A_945 : vector<72x128xi1>
    %eq3A_957 = vector.broadcast %reduce_min3A_683 : i32 to vector<72x128xi32>
    %eq3A_958 = arith.cmpi eq, %add3A_38, %eq3A_957 : vector<72x128xi32>
    %broadcast_in_dim3A_959 = vector.broadcast %get3A_72 : f32 to vector<72x128xf32>
    %select_n3A_960 = arith.select %eq3A_958, %broadcast_in_dim3A_959, %select_n3A_947 : vector<72x128xi1>, vector<72x128xf32>
    %broadcast_in_dim3A_961 = vector.broadcast %get3A_104 : f32 to vector<72x128xf32>
    %select_n3A_962 = arith.select %eq3A_958, %broadcast_in_dim3A_961, %select_n3A_949 : vector<72x128xi1>, vector<72x128xf32>
    %broadcast_in_dim3A_963 = vector.broadcast %get3A_136 : f32 to vector<72x128xf32>
    %select_n3A_964 = arith.select %eq3A_958, %broadcast_in_dim3A_963, %select_n3A_951 : vector<72x128xi1>, vector<72x128xf32>
    %broadcast_in_dim3A_965 = vector.broadcast %get3A_168 : f32 to vector<72x128xf32>
    %select_n3A_966 = arith.select %eq3A_958, %broadcast_in_dim3A_965, %select_n3A_953 : vector<72x128xi1>, vector<72x128xf32>
    %broadcast_in_dim3A_967 = vector.broadcast %convert_element_type3A_223 : f32 to vector<72x128xf32>
    %select_n3A_968 = arith.select %eq3A_958, %broadcast_in_dim3A_967, %select_n3A_955 : vector<72x128xi1>, vector<72x128xf32>
    %or3A_969 = arith.ori %or3A_956, %eq3A_958 : vector<72x128xi1>
    %log3A = math.log %get3A_13 : vector<72x128xf32>
    %log3A_970 = math.log %get3A_18 : vector<72x128xf32>
    %jit3A_971 = arith.constant 1.000000e+00 : f32
    %broadcast_in_dim3A_972 = vector.broadcast %jit3A_971 : f32 to vector<72x128xf32>
    %select_n3A_973 = arith.select %or3A_969, %select_n3A_964, %broadcast_in_dim3A_972 : vector<72x128xi1>, vector<72x128xf32>
    %jit3A_974 = arith.constant 1.000000e+00 : f32
    %broadcast_in_dim3A_975 = vector.broadcast %jit3A_974 : f32 to vector<72x128xf32>
    %select_n3A_976 = arith.select %or3A_969, %select_n3A_966, %broadcast_in_dim3A_975 : vector<72x128xi1>, vector<72x128xf32>
    %broadcast_in_dim3A_977 = arith.constant 0.000000e+00 : f32
    %broadcast_in_dim3A_978 = vector.broadcast %broadcast_in_dim3A_977 : f32 to vector<72x128xf32>
    %sub3A_979 = arith.subf %select_n3A_960, %get3A_3 : vector<72x128xf32>
    %div3A_980 = arith.divf %sub3A_979, %get3A_13 : vector<72x128xf32>
    %select_n3A_981 = arith.select %or3A_969, %div3A_980, %broadcast_in_dim3A_978 : vector<72x128xi1>, vector<72x128xf32>
    %sub3A_982 = arith.subf %select_n3A_962, %get3A_8 : vector<72x128xf32>
    %div3A_983 = arith.divf %sub3A_982, %get3A_18 : vector<72x128xf32>
    %select_n3A_984 = arith.select %or3A_969, %div3A_983, %broadcast_in_dim3A_978 : vector<72x128xi1>, vector<72x128xf32>
    %log3A_985 = math.log %select_n3A_973 : vector<72x128xf32>
    %sub3A_986 = arith.subf %log3A_985, %log3A : vector<72x128xf32>
    %select_n3A_987 = arith.select %or3A_969, %sub3A_986, %broadcast_in_dim3A_978 : vector<72x128xi1>, vector<72x128xf32>
    %log3A_988 = math.log %select_n3A_976 : vector<72x128xf32>
    %sub3A_989 = arith.subf %log3A_988, %log3A_970 : vector<72x128xf32>
    %select_n3A_990 = arith.select %or3A_969, %sub3A_989, %broadcast_in_dim3A_978 : vector<72x128xi1>, vector<72x128xf32>
    %select_n3A_991 = arith.select %or3A_969, %select_n3A_968, %broadcast_in_dim3A_978 : vector<72x128xi1>, vector<72x128xf32>
    %gt3A_992 = arith.constant 0.000000e+00 : f32
    %gt3A_993 = vector.broadcast %gt3A_992 : f32 to vector<72x128xf32>
    %gt3A_994 = arith.cmpf ogt, %select_n3A_991, %gt3A_993 : vector<72x128xf32>
    %convert_element_type3A_995 = arith.extui %gt3A_994 : vector<72x128xi1> to vector<72x128xi32>
    %convert_element_type3A_996 = arith.sitofp %convert_element_type3A_995 : vector<72x128xi32> to vector<72x128xf32>
    %reduce_sum3A = vector.shape_cast %convert_element_type3A_996 : vector<72x128xf32> to vector<1x72x128xf32>
    %reduce_sum3A_997 = arith.constant dense<0.000000e+00> : vector<1xf32>
    %reduce_sum3A_998 = vector.multi_reduction <add>, %reduce_sum3A, %reduce_sum3A_997 [1, 2] : vector<1x72x128xf32> to vector<1xf32>
    %reduce_sum3A_999 = vector.shape_cast %reduce_sum3A_998 : vector<1xf32> to vector<1x1x1xf32>
    %reduce_sum3A_1000 = vector.extract %reduce_sum3A_999[0, 0, 0] : f32 from vector<1x1x1xf32>
    %get3A_1001 = arith.constant 0 : index
    %get3A_1002 = arith.constant 0 : index
    %get3A_1003 = arith.constant 0 : index
    %get3A_1004 = arith.constant 0 : index
    %get3A_1005 = vector.load %arg1[%get3A_1001, %get3A_1002, %get3A_1003, %get3A_1004] : memref<1x25x72x128xf32, #tpu.memory_space<vmem>>, vector<1x1x72x128xf32>
    %get3A_1006 = vector.shape_cast %get3A_1005 : vector<1x1x72x128xf32> to vector<72x128xf32>
    %sub3A_1007 = arith.subf %get3A_1006, %select_n3A_981 : vector<72x128xf32>
    %abs3A = math.absf %sub3A_1007 : vector<72x128xf32>
    %lt3A_1008 = arith.constant 1.000000e+00 : f32
    %lt3A_1009 = vector.broadcast %lt3A_1008 : f32 to vector<72x128xf32>
    %lt3A_1010 = arith.cmpf olt, %abs3A, %lt3A_1009 : vector<72x128xf32>
    %mul3A_1011 = arith.constant 5.000000e-01 : f32
    %mul3A_1012 = vector.broadcast %mul3A_1011 : f32 to vector<72x128xf32>
    %mul3A_1013 = arith.mulf %mul3A_1012, %sub3A_1007 : vector<72x128xf32>
    %mul3A_1014 = arith.mulf %mul3A_1013, %sub3A_1007 : vector<72x128xf32>
    %sub3A_1015 = arith.constant 5.000000e-01 : f32
    %sub3A_1016 = vector.broadcast %sub3A_1015 : f32 to vector<72x128xf32>
    %sub3A_1017 = arith.subf %abs3A, %sub3A_1016 : vector<72x128xf32>
    %select_n3A_1018 = arith.select %lt3A_1010, %mul3A_1014, %sub3A_1017 : vector<72x128xi1>, vector<72x128xf32>
    %add3A_1019 = arith.addf %broadcast_in_dim3A_978, %select_n3A_1018 : vector<72x128xf32>
    %get3A_1020 = arith.constant 0 : index
    %get3A_1021 = arith.constant 1 : index
    %get3A_1022 = arith.constant 0 : index
    %get3A_1023 = arith.constant 0 : index
    %get3A_1024 = vector.load %arg1[%get3A_1020, %get3A_1021, %get3A_1022, %get3A_1023] : memref<1x25x72x128xf32, #tpu.memory_space<vmem>>, vector<1x1x72x128xf32>
    %get3A_1025 = vector.shape_cast %get3A_1024 : vector<1x1x72x128xf32> to vector<72x128xf32>
    %sub3A_1026 = arith.subf %get3A_1025, %select_n3A_984 : vector<72x128xf32>
    %abs3A_1027 = math.absf %sub3A_1026 : vector<72x128xf32>
    %lt3A_1028 = arith.constant 1.000000e+00 : f32
    %lt3A_1029 = vector.broadcast %lt3A_1028 : f32 to vector<72x128xf32>
    %lt3A_1030 = arith.cmpf olt, %abs3A_1027, %lt3A_1029 : vector<72x128xf32>
    %mul3A_1031 = arith.constant 5.000000e-01 : f32
    %mul3A_1032 = vector.broadcast %mul3A_1031 : f32 to vector<72x128xf32>
    %mul3A_1033 = arith.mulf %mul3A_1032, %sub3A_1026 : vector<72x128xf32>
    %mul3A_1034 = arith.mulf %mul3A_1033, %sub3A_1026 : vector<72x128xf32>
    %sub3A_1035 = arith.constant 5.000000e-01 : f32
    %sub3A_1036 = vector.broadcast %sub3A_1035 : f32 to vector<72x128xf32>
    %sub3A_1037 = arith.subf %abs3A_1027, %sub3A_1036 : vector<72x128xf32>
    %select_n3A_1038 = arith.select %lt3A_1030, %mul3A_1034, %sub3A_1037 : vector<72x128xi1>, vector<72x128xf32>
    %add3A_1039 = arith.addf %add3A_1019, %select_n3A_1038 : vector<72x128xf32>
    %get3A_1040 = arith.constant 0 : index
    %get3A_1041 = arith.constant 2 : index
    %get3A_1042 = arith.constant 0 : index
    %get3A_1043 = arith.constant 0 : index
    %get3A_1044 = vector.load %arg1[%get3A_1040, %get3A_1041, %get3A_1042, %get3A_1043] : memref<1x25x72x128xf32, #tpu.memory_space<vmem>>, vector<1x1x72x128xf32>
    %get3A_1045 = vector.shape_cast %get3A_1044 : vector<1x1x72x128xf32> to vector<72x128xf32>
    %sub3A_1046 = arith.subf %get3A_1045, %select_n3A_987 : vector<72x128xf32>
    %abs3A_1047 = math.absf %sub3A_1046 : vector<72x128xf32>
    %lt3A_1048 = arith.constant 1.000000e+00 : f32
    %lt3A_1049 = vector.broadcast %lt3A_1048 : f32 to vector<72x128xf32>
    %lt3A_1050 = arith.cmpf olt, %abs3A_1047, %lt3A_1049 : vector<72x128xf32>
    %mul3A_1051 = arith.constant 5.000000e-01 : f32
    %mul3A_1052 = vector.broadcast %mul3A_1051 : f32 to vector<72x128xf32>
    %mul3A_1053 = arith.mulf %mul3A_1052, %sub3A_1046 : vector<72x128xf32>
    %mul3A_1054 = arith.mulf %mul3A_1053, %sub3A_1046 : vector<72x128xf32>
    %sub3A_1055 = arith.constant 5.000000e-01 : f32
    %sub3A_1056 = vector.broadcast %sub3A_1055 : f32 to vector<72x128xf32>
    %sub3A_1057 = arith.subf %abs3A_1047, %sub3A_1056 : vector<72x128xf32>
    %select_n3A_1058 = arith.select %lt3A_1050, %mul3A_1054, %sub3A_1057 : vector<72x128xi1>, vector<72x128xf32>
    %add3A_1059 = arith.addf %add3A_1039, %select_n3A_1058 : vector<72x128xf32>
    %get3A_1060 = arith.constant 0 : index
    %get3A_1061 = arith.constant 3 : index
    %get3A_1062 = arith.constant 0 : index
    %get3A_1063 = arith.constant 0 : index
    %get3A_1064 = vector.load %arg1[%get3A_1060, %get3A_1061, %get3A_1062, %get3A_1063] : memref<1x25x72x128xf32, #tpu.memory_space<vmem>>, vector<1x1x72x128xf32>
    %get3A_1065 = vector.shape_cast %get3A_1064 : vector<1x1x72x128xf32> to vector<72x128xf32>
    %sub3A_1066 = arith.subf %get3A_1065, %select_n3A_990 : vector<72x128xf32>
    %abs3A_1067 = math.absf %sub3A_1066 : vector<72x128xf32>
    %lt3A_1068 = arith.constant 1.000000e+00 : f32
    %lt3A_1069 = vector.broadcast %lt3A_1068 : f32 to vector<72x128xf32>
    %lt3A_1070 = arith.cmpf olt, %abs3A_1067, %lt3A_1069 : vector<72x128xf32>
    %mul3A_1071 = arith.constant 5.000000e-01 : f32
    %mul3A_1072 = vector.broadcast %mul3A_1071 : f32 to vector<72x128xf32>
    %mul3A_1073 = arith.mulf %mul3A_1072, %sub3A_1066 : vector<72x128xf32>
    %mul3A_1074 = arith.mulf %mul3A_1073, %sub3A_1066 : vector<72x128xf32>
    %sub3A_1075 = arith.constant 5.000000e-01 : f32
    %sub3A_1076 = vector.broadcast %sub3A_1075 : f32 to vector<72x128xf32>
    %sub3A_1077 = arith.subf %abs3A_1067, %sub3A_1076 : vector<72x128xf32>
    %select_n3A_1078 = arith.select %lt3A_1070, %mul3A_1074, %sub3A_1077 : vector<72x128xi1>, vector<72x128xf32>
    %add3A_1079 = arith.addf %add3A_1059, %select_n3A_1078 : vector<72x128xf32>
    %mul3A_1080 = arith.mulf %add3A_1079, %convert_element_type3A_996 : vector<72x128xf32>
    %reduce_sum3A_1081 = vector.shape_cast %mul3A_1080 : vector<72x128xf32> to vector<1x72x128xf32>
    %reduce_sum3A_1082 = arith.constant dense<0.000000e+00> : vector<1xf32>
    %reduce_sum3A_1083 = vector.multi_reduction <add>, %reduce_sum3A_1081, %reduce_sum3A_1082 [1, 2] : vector<1x72x128xf32> to vector<1xf32>
    %reduce_sum3A_1084 = vector.shape_cast %reduce_sum3A_1083 : vector<1xf32> to vector<1x1x1xf32>
    %reduce_sum3A_1085 = vector.extract %reduce_sum3A_1084[0, 0, 0] : f32 from vector<1x1x1xf32>
    %get3A_1086 = arith.constant 0 : index
    %get3A_1087 = arith.constant 4 : index
    %get3A_1088 = arith.constant 0 : index
    %get3A_1089 = arith.constant 0 : index
    %get3A_1090 = vector.load %arg1[%get3A_1086, %get3A_1087, %get3A_1088, %get3A_1089] : memref<1x25x72x128xf32, #tpu.memory_space<vmem>>, vector<1x1x72x128xf32>
    %get3A_1091 = vector.shape_cast %get3A_1090 : vector<1x1x72x128xf32> to vector<72x128xf32>
    %get3A_1092 = arith.constant 0 : index
    %get3A_1093 = arith.constant 5 : index
    %get3A_1094 = arith.constant 0 : index
    %get3A_1095 = arith.constant 0 : index
    %get3A_1096 = vector.load %arg1[%get3A_1092, %get3A_1093, %get3A_1094, %get3A_1095] : memref<1x25x72x128xf32, #tpu.memory_space<vmem>>, vector<1x1x72x128xf32>
    %get3A_1097 = vector.shape_cast %get3A_1096 : vector<1x1x72x128xf32> to vector<72x128xf32>
    %max3A_1098 = arith.maximumf %get3A_1091, %get3A_1097 : vector<72x128xf32>
    %get3A_1099 = arith.constant 0 : index
    %get3A_1100 = arith.constant 6 : index
    %get3A_1101 = arith.constant 0 : index
    %get3A_1102 = arith.constant 0 : index
    %get3A_1103 = vector.load %arg1[%get3A_1099, %get3A_1100, %get3A_1101, %get3A_1102] : memref<1x25x72x128xf32, #tpu.memory_space<vmem>>, vector<1x1x72x128xf32>
    %get3A_1104 = vector.shape_cast %get3A_1103 : vector<1x1x72x128xf32> to vector<72x128xf32>
    %max3A_1105 = arith.maximumf %max3A_1098, %get3A_1104 : vector<72x128xf32>
    %get3A_1106 = arith.constant 0 : index
    %get3A_1107 = arith.constant 7 : index
    %get3A_1108 = arith.constant 0 : index
    %get3A_1109 = arith.constant 0 : index
    %get3A_1110 = vector.load %arg1[%get3A_1106, %get3A_1107, %get3A_1108, %get3A_1109] : memref<1x25x72x128xf32, #tpu.memory_space<vmem>>, vector<1x1x72x128xf32>
    %get3A_1111 = vector.shape_cast %get3A_1110 : vector<1x1x72x128xf32> to vector<72x128xf32>
    %max3A_1112 = arith.maximumf %max3A_1105, %get3A_1111 : vector<72x128xf32>
    %get3A_1113 = arith.constant 0 : index
    %get3A_1114 = arith.constant 8 : index
    %get3A_1115 = arith.constant 0 : index
    %get3A_1116 = arith.constant 0 : index
    %get3A_1117 = vector.load %arg1[%get3A_1113, %get3A_1114, %get3A_1115, %get3A_1116] : memref<1x25x72x128xf32, #tpu.memory_space<vmem>>, vector<1x1x72x128xf32>
    %get3A_1118 = vector.shape_cast %get3A_1117 : vector<1x1x72x128xf32> to vector<72x128xf32>
    %max3A_1119 = arith.maximumf %max3A_1112, %get3A_1118 : vector<72x128xf32>
    %get3A_1120 = arith.constant 0 : index
    %get3A_1121 = arith.constant 9 : index
    %get3A_1122 = arith.constant 0 : index
    %get3A_1123 = arith.constant 0 : index
    %get3A_1124 = vector.load %arg1[%get3A_1120, %get3A_1121, %get3A_1122, %get3A_1123] : memref<1x25x72x128xf32, #tpu.memory_space<vmem>>, vector<1x1x72x128xf32>
    %get3A_1125 = vector.shape_cast %get3A_1124 : vector<1x1x72x128xf32> to vector<72x128xf32>
    %max3A_1126 = arith.maximumf %max3A_1119, %get3A_1125 : vector<72x128xf32>
    %get3A_1127 = arith.constant 0 : index
    %get3A_1128 = arith.constant 10 : index
    %get3A_1129 = arith.constant 0 : index
    %get3A_1130 = arith.constant 0 : index
    %get3A_1131 = vector.load %arg1[%get3A_1127, %get3A_1128, %get3A_1129, %get3A_1130] : memref<1x25x72x128xf32, #tpu.memory_space<vmem>>, vector<1x1x72x128xf32>
    %get3A_1132 = vector.shape_cast %get3A_1131 : vector<1x1x72x128xf32> to vector<72x128xf32>
    %max3A_1133 = arith.maximumf %max3A_1126, %get3A_1132 : vector<72x128xf32>
    %get3A_1134 = arith.constant 0 : index
    %get3A_1135 = arith.constant 11 : index
    %get3A_1136 = arith.constant 0 : index
    %get3A_1137 = arith.constant 0 : index
    %get3A_1138 = vector.load %arg1[%get3A_1134, %get3A_1135, %get3A_1136, %get3A_1137] : memref<1x25x72x128xf32, #tpu.memory_space<vmem>>, vector<1x1x72x128xf32>
    %get3A_1139 = vector.shape_cast %get3A_1138 : vector<1x1x72x128xf32> to vector<72x128xf32>
    %max3A_1140 = arith.maximumf %max3A_1133, %get3A_1139 : vector<72x128xf32>
    %get3A_1141 = arith.constant 0 : index
    %get3A_1142 = arith.constant 12 : index
    %get3A_1143 = arith.constant 0 : index
    %get3A_1144 = arith.constant 0 : index
    %get3A_1145 = vector.load %arg1[%get3A_1141, %get3A_1142, %get3A_1143, %get3A_1144] : memref<1x25x72x128xf32, #tpu.memory_space<vmem>>, vector<1x1x72x128xf32>
    %get3A_1146 = vector.shape_cast %get3A_1145 : vector<1x1x72x128xf32> to vector<72x128xf32>
    %max3A_1147 = arith.maximumf %max3A_1140, %get3A_1146 : vector<72x128xf32>
    %get3A_1148 = arith.constant 0 : index
    %get3A_1149 = arith.constant 13 : index
    %get3A_1150 = arith.constant 0 : index
    %get3A_1151 = arith.constant 0 : index
    %get3A_1152 = vector.load %arg1[%get3A_1148, %get3A_1149, %get3A_1150, %get3A_1151] : memref<1x25x72x128xf32, #tpu.memory_space<vmem>>, vector<1x1x72x128xf32>
    %get3A_1153 = vector.shape_cast %get3A_1152 : vector<1x1x72x128xf32> to vector<72x128xf32>
    %max3A_1154 = arith.maximumf %max3A_1147, %get3A_1153 : vector<72x128xf32>
    %get3A_1155 = arith.constant 0 : index
    %get3A_1156 = arith.constant 14 : index
    %get3A_1157 = arith.constant 0 : index
    %get3A_1158 = arith.constant 0 : index
    %get3A_1159 = vector.load %arg1[%get3A_1155, %get3A_1156, %get3A_1157, %get3A_1158] : memref<1x25x72x128xf32, #tpu.memory_space<vmem>>, vector<1x1x72x128xf32>
    %get3A_1160 = vector.shape_cast %get3A_1159 : vector<1x1x72x128xf32> to vector<72x128xf32>
    %max3A_1161 = arith.maximumf %max3A_1154, %get3A_1160 : vector<72x128xf32>
    %get3A_1162 = arith.constant 0 : index
    %get3A_1163 = arith.constant 15 : index
    %get3A_1164 = arith.constant 0 : index
    %get3A_1165 = arith.constant 0 : index
    %get3A_1166 = vector.load %arg1[%get3A_1162, %get3A_1163, %get3A_1164, %get3A_1165] : memref<1x25x72x128xf32, #tpu.memory_space<vmem>>, vector<1x1x72x128xf32>
    %get3A_1167 = vector.shape_cast %get3A_1166 : vector<1x1x72x128xf32> to vector<72x128xf32>
    %max3A_1168 = arith.maximumf %max3A_1161, %get3A_1167 : vector<72x128xf32>
    %get3A_1169 = arith.constant 0 : index
    %get3A_1170 = arith.constant 16 : index
    %get3A_1171 = arith.constant 0 : index
    %get3A_1172 = arith.constant 0 : index
    %get3A_1173 = vector.load %arg1[%get3A_1169, %get3A_1170, %get3A_1171, %get3A_1172] : memref<1x25x72x128xf32, #tpu.memory_space<vmem>>, vector<1x1x72x128xf32>
    %get3A_1174 = vector.shape_cast %get3A_1173 : vector<1x1x72x128xf32> to vector<72x128xf32>
    %max3A_1175 = arith.maximumf %max3A_1168, %get3A_1174 : vector<72x128xf32>
    %get3A_1176 = arith.constant 0 : index
    %get3A_1177 = arith.constant 17 : index
    %get3A_1178 = arith.constant 0 : index
    %get3A_1179 = arith.constant 0 : index
    %get3A_1180 = vector.load %arg1[%get3A_1176, %get3A_1177, %get3A_1178, %get3A_1179] : memref<1x25x72x128xf32, #tpu.memory_space<vmem>>, vector<1x1x72x128xf32>
    %get3A_1181 = vector.shape_cast %get3A_1180 : vector<1x1x72x128xf32> to vector<72x128xf32>
    %max3A_1182 = arith.maximumf %max3A_1175, %get3A_1181 : vector<72x128xf32>
    %get3A_1183 = arith.constant 0 : index
    %get3A_1184 = arith.constant 18 : index
    %get3A_1185 = arith.constant 0 : index
    %get3A_1186 = arith.constant 0 : index
    %get3A_1187 = vector.load %arg1[%get3A_1183, %get3A_1184, %get3A_1185, %get3A_1186] : memref<1x25x72x128xf32, #tpu.memory_space<vmem>>, vector<1x1x72x128xf32>
    %get3A_1188 = vector.shape_cast %get3A_1187 : vector<1x1x72x128xf32> to vector<72x128xf32>
    %max3A_1189 = arith.maximumf %max3A_1182, %get3A_1188 : vector<72x128xf32>
    %get3A_1190 = arith.constant 0 : index
    %get3A_1191 = arith.constant 19 : index
    %get3A_1192 = arith.constant 0 : index
    %get3A_1193 = arith.constant 0 : index
    %get3A_1194 = vector.load %arg1[%get3A_1190, %get3A_1191, %get3A_1192, %get3A_1193] : memref<1x25x72x128xf32, #tpu.memory_space<vmem>>, vector<1x1x72x128xf32>
    %get3A_1195 = vector.shape_cast %get3A_1194 : vector<1x1x72x128xf32> to vector<72x128xf32>
    %max3A_1196 = arith.maximumf %max3A_1189, %get3A_1195 : vector<72x128xf32>
    %get3A_1197 = arith.constant 0 : index
    %get3A_1198 = arith.constant 20 : index
    %get3A_1199 = arith.constant 0 : index
    %get3A_1200 = arith.constant 0 : index
    %get3A_1201 = vector.load %arg1[%get3A_1197, %get3A_1198, %get3A_1199, %get3A_1200] : memref<1x25x72x128xf32, #tpu.memory_space<vmem>>, vector<1x1x72x128xf32>
    %get3A_1202 = vector.shape_cast %get3A_1201 : vector<1x1x72x128xf32> to vector<72x128xf32>
    %max3A_1203 = arith.maximumf %max3A_1196, %get3A_1202 : vector<72x128xf32>
    %get3A_1204 = arith.constant 0 : index
    %get3A_1205 = arith.constant 21 : index
    %get3A_1206 = arith.constant 0 : index
    %get3A_1207 = arith.constant 0 : index
    %get3A_1208 = vector.load %arg1[%get3A_1204, %get3A_1205, %get3A_1206, %get3A_1207] : memref<1x25x72x128xf32, #tpu.memory_space<vmem>>, vector<1x1x72x128xf32>
    %get3A_1209 = vector.shape_cast %get3A_1208 : vector<1x1x72x128xf32> to vector<72x128xf32>
    %max3A_1210 = arith.maximumf %max3A_1203, %get3A_1209 : vector<72x128xf32>
    %get3A_1211 = arith.constant 0 : index
    %get3A_1212 = arith.constant 22 : index
    %get3A_1213 = arith.constant 0 : index
    %get3A_1214 = arith.constant 0 : index
    %get3A_1215 = vector.load %arg1[%get3A_1211, %get3A_1212, %get3A_1213, %get3A_1214] : memref<1x25x72x128xf32, #tpu.memory_space<vmem>>, vector<1x1x72x128xf32>
    %get3A_1216 = vector.shape_cast %get3A_1215 : vector<1x1x72x128xf32> to vector<72x128xf32>
    %max3A_1217 = arith.maximumf %max3A_1210, %get3A_1216 : vector<72x128xf32>
    %get3A_1218 = arith.constant 0 : index
    %get3A_1219 = arith.constant 23 : index
    %get3A_1220 = arith.constant 0 : index
    %get3A_1221 = arith.constant 0 : index
    %get3A_1222 = vector.load %arg1[%get3A_1218, %get3A_1219, %get3A_1220, %get3A_1221] : memref<1x25x72x128xf32, #tpu.memory_space<vmem>>, vector<1x1x72x128xf32>
    %get3A_1223 = vector.shape_cast %get3A_1222 : vector<1x1x72x128xf32> to vector<72x128xf32>
    %max3A_1224 = arith.maximumf %max3A_1217, %get3A_1223 : vector<72x128xf32>
    %get3A_1225 = arith.constant 0 : index
    %get3A_1226 = arith.constant 24 : index
    %get3A_1227 = arith.constant 0 : index
    %get3A_1228 = arith.constant 0 : index
    %get3A_1229 = vector.load %arg1[%get3A_1225, %get3A_1226, %get3A_1227, %get3A_1228] : memref<1x25x72x128xf32, #tpu.memory_space<vmem>>, vector<1x1x72x128xf32>
    %get3A_1230 = vector.shape_cast %get3A_1229 : vector<1x1x72x128xf32> to vector<72x128xf32>
    %max3A_1231 = arith.maximumf %max3A_1224, %get3A_1230 : vector<72x128xf32>
    %get3A_1232 = arith.constant 0 : index
    %get3A_1233 = arith.constant 4 : index
    %get3A_1234 = arith.constant 0 : index
    %get3A_1235 = arith.constant 0 : index
    %get3A_1236 = vector.load %arg1[%get3A_1232, %get3A_1233, %get3A_1234, %get3A_1235] : memref<1x25x72x128xf32, #tpu.memory_space<vmem>>, vector<1x1x72x128xf32>
    %get3A_1237 = vector.shape_cast %get3A_1236 : vector<1x1x72x128xf32> to vector<72x128xf32>
    %sub3A_1238 = arith.subf %get3A_1237, %max3A_1231 : vector<72x128xf32>
    %exp3A = math.exp %sub3A_1238 : vector<72x128xf32>
    %add3A_1239 = arith.addf %broadcast_in_dim3A_978, %exp3A : vector<72x128xf32>
    %get3A_1240 = arith.constant 0 : index
    %get3A_1241 = arith.constant 5 : index
    %get3A_1242 = arith.constant 0 : index
    %get3A_1243 = arith.constant 0 : index
    %get3A_1244 = vector.load %arg1[%get3A_1240, %get3A_1241, %get3A_1242, %get3A_1243] : memref<1x25x72x128xf32, #tpu.memory_space<vmem>>, vector<1x1x72x128xf32>
    %get3A_1245 = vector.shape_cast %get3A_1244 : vector<1x1x72x128xf32> to vector<72x128xf32>
    %sub3A_1246 = arith.subf %get3A_1245, %max3A_1231 : vector<72x128xf32>
    %exp3A_1247 = math.exp %sub3A_1246 : vector<72x128xf32>
    %add3A_1248 = arith.addf %add3A_1239, %exp3A_1247 : vector<72x128xf32>
    %get3A_1249 = arith.constant 0 : index
    %get3A_1250 = arith.constant 6 : index
    %get3A_1251 = arith.constant 0 : index
    %get3A_1252 = arith.constant 0 : index
    %get3A_1253 = vector.load %arg1[%get3A_1249, %get3A_1250, %get3A_1251, %get3A_1252] : memref<1x25x72x128xf32, #tpu.memory_space<vmem>>, vector<1x1x72x128xf32>
    %get3A_1254 = vector.shape_cast %get3A_1253 : vector<1x1x72x128xf32> to vector<72x128xf32>
    %sub3A_1255 = arith.subf %get3A_1254, %max3A_1231 : vector<72x128xf32>
    %exp3A_1256 = math.exp %sub3A_1255 : vector<72x128xf32>
    %add3A_1257 = arith.addf %add3A_1248, %exp3A_1256 : vector<72x128xf32>
    %get3A_1258 = arith.constant 0 : index
    %get3A_1259 = arith.constant 7 : index
    %get3A_1260 = arith.constant 0 : index
    %get3A_1261 = arith.constant 0 : index
    %get3A_1262 = vector.load %arg1[%get3A_1258, %get3A_1259, %get3A_1260, %get3A_1261] : memref<1x25x72x128xf32, #tpu.memory_space<vmem>>, vector<1x1x72x128xf32>
    %get3A_1263 = vector.shape_cast %get3A_1262 : vector<1x1x72x128xf32> to vector<72x128xf32>
    %sub3A_1264 = arith.subf %get3A_1263, %max3A_1231 : vector<72x128xf32>
    %exp3A_1265 = math.exp %sub3A_1264 : vector<72x128xf32>
    %add3A_1266 = arith.addf %add3A_1257, %exp3A_1265 : vector<72x128xf32>
    %get3A_1267 = arith.constant 0 : index
    %get3A_1268 = arith.constant 8 : index
    %get3A_1269 = arith.constant 0 : index
    %get3A_1270 = arith.constant 0 : index
    %get3A_1271 = vector.load %arg1[%get3A_1267, %get3A_1268, %get3A_1269, %get3A_1270] : memref<1x25x72x128xf32, #tpu.memory_space<vmem>>, vector<1x1x72x128xf32>
    %get3A_1272 = vector.shape_cast %get3A_1271 : vector<1x1x72x128xf32> to vector<72x128xf32>
    %sub3A_1273 = arith.subf %get3A_1272, %max3A_1231 : vector<72x128xf32>
    %exp3A_1274 = math.exp %sub3A_1273 : vector<72x128xf32>
    %add3A_1275 = arith.addf %add3A_1266, %exp3A_1274 : vector<72x128xf32>
    %get3A_1276 = arith.constant 0 : index
    %get3A_1277 = arith.constant 9 : index
    %get3A_1278 = arith.constant 0 : index
    %get3A_1279 = arith.constant 0 : index
    %get3A_1280 = vector.load %arg1[%get3A_1276, %get3A_1277, %get3A_1278, %get3A_1279] : memref<1x25x72x128xf32, #tpu.memory_space<vmem>>, vector<1x1x72x128xf32>
    %get3A_1281 = vector.shape_cast %get3A_1280 : vector<1x1x72x128xf32> to vector<72x128xf32>
    %sub3A_1282 = arith.subf %get3A_1281, %max3A_1231 : vector<72x128xf32>
    %exp3A_1283 = math.exp %sub3A_1282 : vector<72x128xf32>
    %add3A_1284 = arith.addf %add3A_1275, %exp3A_1283 : vector<72x128xf32>
    %get3A_1285 = arith.constant 0 : index
    %get3A_1286 = arith.constant 10 : index
    %get3A_1287 = arith.constant 0 : index
    %get3A_1288 = arith.constant 0 : index
    %get3A_1289 = vector.load %arg1[%get3A_1285, %get3A_1286, %get3A_1287, %get3A_1288] : memref<1x25x72x128xf32, #tpu.memory_space<vmem>>, vector<1x1x72x128xf32>
    %get3A_1290 = vector.shape_cast %get3A_1289 : vector<1x1x72x128xf32> to vector<72x128xf32>
    %sub3A_1291 = arith.subf %get3A_1290, %max3A_1231 : vector<72x128xf32>
    %exp3A_1292 = math.exp %sub3A_1291 : vector<72x128xf32>
    %add3A_1293 = arith.addf %add3A_1284, %exp3A_1292 : vector<72x128xf32>
    %get3A_1294 = arith.constant 0 : index
    %get3A_1295 = arith.constant 11 : index
    %get3A_1296 = arith.constant 0 : index
    %get3A_1297 = arith.constant 0 : index
    %get3A_1298 = vector.load %arg1[%get3A_1294, %get3A_1295, %get3A_1296, %get3A_1297] : memref<1x25x72x128xf32, #tpu.memory_space<vmem>>, vector<1x1x72x128xf32>
    %get3A_1299 = vector.shape_cast %get3A_1298 : vector<1x1x72x128xf32> to vector<72x128xf32>
    %sub3A_1300 = arith.subf %get3A_1299, %max3A_1231 : vector<72x128xf32>
    %exp3A_1301 = math.exp %sub3A_1300 : vector<72x128xf32>
    %add3A_1302 = arith.addf %add3A_1293, %exp3A_1301 : vector<72x128xf32>
    %get3A_1303 = arith.constant 0 : index
    %get3A_1304 = arith.constant 12 : index
    %get3A_1305 = arith.constant 0 : index
    %get3A_1306 = arith.constant 0 : index
    %get3A_1307 = vector.load %arg1[%get3A_1303, %get3A_1304, %get3A_1305, %get3A_1306] : memref<1x25x72x128xf32, #tpu.memory_space<vmem>>, vector<1x1x72x128xf32>
    %get3A_1308 = vector.shape_cast %get3A_1307 : vector<1x1x72x128xf32> to vector<72x128xf32>
    %sub3A_1309 = arith.subf %get3A_1308, %max3A_1231 : vector<72x128xf32>
    %exp3A_1310 = math.exp %sub3A_1309 : vector<72x128xf32>
    %add3A_1311 = arith.addf %add3A_1302, %exp3A_1310 : vector<72x128xf32>
    %get3A_1312 = arith.constant 0 : index
    %get3A_1313 = arith.constant 13 : index
    %get3A_1314 = arith.constant 0 : index
    %get3A_1315 = arith.constant 0 : index
    %get3A_1316 = vector.load %arg1[%get3A_1312, %get3A_1313, %get3A_1314, %get3A_1315] : memref<1x25x72x128xf32, #tpu.memory_space<vmem>>, vector<1x1x72x128xf32>
    %get3A_1317 = vector.shape_cast %get3A_1316 : vector<1x1x72x128xf32> to vector<72x128xf32>
    %sub3A_1318 = arith.subf %get3A_1317, %max3A_1231 : vector<72x128xf32>
    %exp3A_1319 = math.exp %sub3A_1318 : vector<72x128xf32>
    %add3A_1320 = arith.addf %add3A_1311, %exp3A_1319 : vector<72x128xf32>
    %get3A_1321 = arith.constant 0 : index
    %get3A_1322 = arith.constant 14 : index
    %get3A_1323 = arith.constant 0 : index
    %get3A_1324 = arith.constant 0 : index
    %get3A_1325 = vector.load %arg1[%get3A_1321, %get3A_1322, %get3A_1323, %get3A_1324] : memref<1x25x72x128xf32, #tpu.memory_space<vmem>>, vector<1x1x72x128xf32>
    %get3A_1326 = vector.shape_cast %get3A_1325 : vector<1x1x72x128xf32> to vector<72x128xf32>
    %sub3A_1327 = arith.subf %get3A_1326, %max3A_1231 : vector<72x128xf32>
    %exp3A_1328 = math.exp %sub3A_1327 : vector<72x128xf32>
    %add3A_1329 = arith.addf %add3A_1320, %exp3A_1328 : vector<72x128xf32>
    %get3A_1330 = arith.constant 0 : index
    %get3A_1331 = arith.constant 15 : index
    %get3A_1332 = arith.constant 0 : index
    %get3A_1333 = arith.constant 0 : index
    %get3A_1334 = vector.load %arg1[%get3A_1330, %get3A_1331, %get3A_1332, %get3A_1333] : memref<1x25x72x128xf32, #tpu.memory_space<vmem>>, vector<1x1x72x128xf32>
    %get3A_1335 = vector.shape_cast %get3A_1334 : vector<1x1x72x128xf32> to vector<72x128xf32>
    %sub3A_1336 = arith.subf %get3A_1335, %max3A_1231 : vector<72x128xf32>
    %exp3A_1337 = math.exp %sub3A_1336 : vector<72x128xf32>
    %add3A_1338 = arith.addf %add3A_1329, %exp3A_1337 : vector<72x128xf32>
    %get3A_1339 = arith.constant 0 : index
    %get3A_1340 = arith.constant 16 : index
    %get3A_1341 = arith.constant 0 : index
    %get3A_1342 = arith.constant 0 : index
    %get3A_1343 = vector.load %arg1[%get3A_1339, %get3A_1340, %get3A_1341, %get3A_1342] : memref<1x25x72x128xf32, #tpu.memory_space<vmem>>, vector<1x1x72x128xf32>
    %get3A_1344 = vector.shape_cast %get3A_1343 : vector<1x1x72x128xf32> to vector<72x128xf32>
    %sub3A_1345 = arith.subf %get3A_1344, %max3A_1231 : vector<72x128xf32>
    %exp3A_1346 = math.exp %sub3A_1345 : vector<72x128xf32>
    %add3A_1347 = arith.addf %add3A_1338, %exp3A_1346 : vector<72x128xf32>
    %get3A_1348 = arith.constant 0 : index
    %get3A_1349 = arith.constant 17 : index
    %get3A_1350 = arith.constant 0 : index
    %get3A_1351 = arith.constant 0 : index
    %get3A_1352 = vector.load %arg1[%get3A_1348, %get3A_1349, %get3A_1350, %get3A_1351] : memref<1x25x72x128xf32, #tpu.memory_space<vmem>>, vector<1x1x72x128xf32>
    %get3A_1353 = vector.shape_cast %get3A_1352 : vector<1x1x72x128xf32> to vector<72x128xf32>
    %sub3A_1354 = arith.subf %get3A_1353, %max3A_1231 : vector<72x128xf32>
    %exp3A_1355 = math.exp %sub3A_1354 : vector<72x128xf32>
    %add3A_1356 = arith.addf %add3A_1347, %exp3A_1355 : vector<72x128xf32>
    %get3A_1357 = arith.constant 0 : index
    %get3A_1358 = arith.constant 18 : index
    %get3A_1359 = arith.constant 0 : index
    %get3A_1360 = arith.constant 0 : index
    %get3A_1361 = vector.load %arg1[%get3A_1357, %get3A_1358, %get3A_1359, %get3A_1360] : memref<1x25x72x128xf32, #tpu.memory_space<vmem>>, vector<1x1x72x128xf32>
    %get3A_1362 = vector.shape_cast %get3A_1361 : vector<1x1x72x128xf32> to vector<72x128xf32>
    %sub3A_1363 = arith.subf %get3A_1362, %max3A_1231 : vector<72x128xf32>
    %exp3A_1364 = math.exp %sub3A_1363 : vector<72x128xf32>
    %add3A_1365 = arith.addf %add3A_1356, %exp3A_1364 : vector<72x128xf32>
    %get3A_1366 = arith.constant 0 : index
    %get3A_1367 = arith.constant 19 : index
    %get3A_1368 = arith.constant 0 : index
    %get3A_1369 = arith.constant 0 : index
    %get3A_1370 = vector.load %arg1[%get3A_1366, %get3A_1367, %get3A_1368, %get3A_1369] : memref<1x25x72x128xf32, #tpu.memory_space<vmem>>, vector<1x1x72x128xf32>
    %get3A_1371 = vector.shape_cast %get3A_1370 : vector<1x1x72x128xf32> to vector<72x128xf32>
    %sub3A_1372 = arith.subf %get3A_1371, %max3A_1231 : vector<72x128xf32>
    %exp3A_1373 = math.exp %sub3A_1372 : vector<72x128xf32>
    %add3A_1374 = arith.addf %add3A_1365, %exp3A_1373 : vector<72x128xf32>
    %get3A_1375 = arith.constant 0 : index
    %get3A_1376 = arith.constant 20 : index
    %get3A_1377 = arith.constant 0 : index
    %get3A_1378 = arith.constant 0 : index
    %get3A_1379 = vector.load %arg1[%get3A_1375, %get3A_1376, %get3A_1377, %get3A_1378] : memref<1x25x72x128xf32, #tpu.memory_space<vmem>>, vector<1x1x72x128xf32>
    %get3A_1380 = vector.shape_cast %get3A_1379 : vector<1x1x72x128xf32> to vector<72x128xf32>
    %sub3A_1381 = arith.subf %get3A_1380, %max3A_1231 : vector<72x128xf32>
    %exp3A_1382 = math.exp %sub3A_1381 : vector<72x128xf32>
    %add3A_1383 = arith.addf %add3A_1374, %exp3A_1382 : vector<72x128xf32>
    %get3A_1384 = arith.constant 0 : index
    %get3A_1385 = arith.constant 21 : index
    %get3A_1386 = arith.constant 0 : index
    %get3A_1387 = arith.constant 0 : index
    %get3A_1388 = vector.load %arg1[%get3A_1384, %get3A_1385, %get3A_1386, %get3A_1387] : memref<1x25x72x128xf32, #tpu.memory_space<vmem>>, vector<1x1x72x128xf32>
    %get3A_1389 = vector.shape_cast %get3A_1388 : vector<1x1x72x128xf32> to vector<72x128xf32>
    %sub3A_1390 = arith.subf %get3A_1389, %max3A_1231 : vector<72x128xf32>
    %exp3A_1391 = math.exp %sub3A_1390 : vector<72x128xf32>
    %add3A_1392 = arith.addf %add3A_1383, %exp3A_1391 : vector<72x128xf32>
    %get3A_1393 = arith.constant 0 : index
    %get3A_1394 = arith.constant 22 : index
    %get3A_1395 = arith.constant 0 : index
    %get3A_1396 = arith.constant 0 : index
    %get3A_1397 = vector.load %arg1[%get3A_1393, %get3A_1394, %get3A_1395, %get3A_1396] : memref<1x25x72x128xf32, #tpu.memory_space<vmem>>, vector<1x1x72x128xf32>
    %get3A_1398 = vector.shape_cast %get3A_1397 : vector<1x1x72x128xf32> to vector<72x128xf32>
    %sub3A_1399 = arith.subf %get3A_1398, %max3A_1231 : vector<72x128xf32>
    %exp3A_1400 = math.exp %sub3A_1399 : vector<72x128xf32>
    %add3A_1401 = arith.addf %add3A_1392, %exp3A_1400 : vector<72x128xf32>
    %get3A_1402 = arith.constant 0 : index
    %get3A_1403 = arith.constant 23 : index
    %get3A_1404 = arith.constant 0 : index
    %get3A_1405 = arith.constant 0 : index
    %get3A_1406 = vector.load %arg1[%get3A_1402, %get3A_1403, %get3A_1404, %get3A_1405] : memref<1x25x72x128xf32, #tpu.memory_space<vmem>>, vector<1x1x72x128xf32>
    %get3A_1407 = vector.shape_cast %get3A_1406 : vector<1x1x72x128xf32> to vector<72x128xf32>
    %sub3A_1408 = arith.subf %get3A_1407, %max3A_1231 : vector<72x128xf32>
    %exp3A_1409 = math.exp %sub3A_1408 : vector<72x128xf32>
    %add3A_1410 = arith.addf %add3A_1401, %exp3A_1409 : vector<72x128xf32>
    %get3A_1411 = arith.constant 0 : index
    %get3A_1412 = arith.constant 24 : index
    %get3A_1413 = arith.constant 0 : index
    %get3A_1414 = arith.constant 0 : index
    %get3A_1415 = vector.load %arg1[%get3A_1411, %get3A_1412, %get3A_1413, %get3A_1414] : memref<1x25x72x128xf32, #tpu.memory_space<vmem>>, vector<1x1x72x128xf32>
    %get3A_1416 = vector.shape_cast %get3A_1415 : vector<1x1x72x128xf32> to vector<72x128xf32>
    %sub3A_1417 = arith.subf %get3A_1416, %max3A_1231 : vector<72x128xf32>
    %exp3A_1418 = math.exp %sub3A_1417 : vector<72x128xf32>
    %add3A_1419 = arith.addf %add3A_1410, %exp3A_1418 : vector<72x128xf32>
    %log3A_1420 = math.log %add3A_1419 : vector<72x128xf32>
    %add3A_1421 = arith.addf %log3A_1420, %max3A_1231 : vector<72x128xf32>
    %convert_element_type3A_1422 = arith.fptosi %select_n3A_991 : vector<72x128xf32> to vector<72x128xi32>
    %eq3A_1423 = arith.constant 0 : i32
    %eq3A_1424 = vector.broadcast %eq3A_1423 : i32 to vector<72x128xi32>
    %eq3A_1425 = arith.cmpi eq, %convert_element_type3A_1422, %eq3A_1424 : vector<72x128xi32>
    %get3A_1426 = arith.constant 0 : index
    %get3A_1427 = arith.constant 4 : index
    %get3A_1428 = arith.constant 0 : index
    %get3A_1429 = arith.constant 0 : index
    %get3A_1430 = vector.load %arg1[%get3A_1426, %get3A_1427, %get3A_1428, %get3A_1429] : memref<1x25x72x128xf32, #tpu.memory_space<vmem>>, vector<1x1x72x128xf32>
    %get3A_1431 = vector.shape_cast %get3A_1430 : vector<1x1x72x128xf32> to vector<72x128xf32>
    %select_n3A_1432 = arith.select %eq3A_1425, %get3A_1431, %broadcast_in_dim3A_978 : vector<72x128xi1>, vector<72x128xf32>
    %eq3A_1433 = arith.constant 1 : i32
    %eq3A_1434 = vector.broadcast %eq3A_1433 : i32 to vector<72x128xi32>
    %eq3A_1435 = arith.cmpi eq, %convert_element_type3A_1422, %eq3A_1434 : vector<72x128xi32>
    %get3A_1436 = arith.constant 0 : index
    %get3A_1437 = arith.constant 5 : index
    %get3A_1438 = arith.constant 0 : index
    %get3A_1439 = arith.constant 0 : index
    %get3A_1440 = vector.load %arg1[%get3A_1436, %get3A_1437, %get3A_1438, %get3A_1439] : memref<1x25x72x128xf32, #tpu.memory_space<vmem>>, vector<1x1x72x128xf32>
    %get3A_1441 = vector.shape_cast %get3A_1440 : vector<1x1x72x128xf32> to vector<72x128xf32>
    %select_n3A_1442 = arith.select %eq3A_1435, %get3A_1441, %select_n3A_1432 : vector<72x128xi1>, vector<72x128xf32>
    %eq3A_1443 = arith.constant 2 : i32
    %eq3A_1444 = vector.broadcast %eq3A_1443 : i32 to vector<72x128xi32>
    %eq3A_1445 = arith.cmpi eq, %convert_element_type3A_1422, %eq3A_1444 : vector<72x128xi32>
    %get3A_1446 = arith.constant 0 : index
    %get3A_1447 = arith.constant 6 : index
    %get3A_1448 = arith.constant 0 : index
    %get3A_1449 = arith.constant 0 : index
    %get3A_1450 = vector.load %arg1[%get3A_1446, %get3A_1447, %get3A_1448, %get3A_1449] : memref<1x25x72x128xf32, #tpu.memory_space<vmem>>, vector<1x1x72x128xf32>
    %get3A_1451 = vector.shape_cast %get3A_1450 : vector<1x1x72x128xf32> to vector<72x128xf32>
    %select_n3A_1452 = arith.select %eq3A_1445, %get3A_1451, %select_n3A_1442 : vector<72x128xi1>, vector<72x128xf32>
    %eq3A_1453 = arith.constant 3 : i32
    %eq3A_1454 = vector.broadcast %eq3A_1453 : i32 to vector<72x128xi32>
    %eq3A_1455 = arith.cmpi eq, %convert_element_type3A_1422, %eq3A_1454 : vector<72x128xi32>
    %get3A_1456 = arith.constant 0 : index
    %get3A_1457 = arith.constant 7 : index
    %get3A_1458 = arith.constant 0 : index
    %get3A_1459 = arith.constant 0 : index
    %get3A_1460 = vector.load %arg1[%get3A_1456, %get3A_1457, %get3A_1458, %get3A_1459] : memref<1x25x72x128xf32, #tpu.memory_space<vmem>>, vector<1x1x72x128xf32>
    %get3A_1461 = vector.shape_cast %get3A_1460 : vector<1x1x72x128xf32> to vector<72x128xf32>
    %select_n3A_1462 = arith.select %eq3A_1455, %get3A_1461, %select_n3A_1452 : vector<72x128xi1>, vector<72x128xf32>
    %eq3A_1463 = arith.constant 4 : i32
    %eq3A_1464 = vector.broadcast %eq3A_1463 : i32 to vector<72x128xi32>
    %eq3A_1465 = arith.cmpi eq, %convert_element_type3A_1422, %eq3A_1464 : vector<72x128xi32>
    %get3A_1466 = arith.constant 0 : index
    %get3A_1467 = arith.constant 8 : index
    %get3A_1468 = arith.constant 0 : index
    %get3A_1469 = arith.constant 0 : index
    %get3A_1470 = vector.load %arg1[%get3A_1466, %get3A_1467, %get3A_1468, %get3A_1469] : memref<1x25x72x128xf32, #tpu.memory_space<vmem>>, vector<1x1x72x128xf32>
    %get3A_1471 = vector.shape_cast %get3A_1470 : vector<1x1x72x128xf32> to vector<72x128xf32>
    %select_n3A_1472 = arith.select %eq3A_1465, %get3A_1471, %select_n3A_1462 : vector<72x128xi1>, vector<72x128xf32>
    %eq3A_1473 = arith.constant 5 : i32
    %eq3A_1474 = vector.broadcast %eq3A_1473 : i32 to vector<72x128xi32>
    %eq3A_1475 = arith.cmpi eq, %convert_element_type3A_1422, %eq3A_1474 : vector<72x128xi32>
    %get3A_1476 = arith.constant 0 : index
    %get3A_1477 = arith.constant 9 : index
    %get3A_1478 = arith.constant 0 : index
    %get3A_1479 = arith.constant 0 : index
    %get3A_1480 = vector.load %arg1[%get3A_1476, %get3A_1477, %get3A_1478, %get3A_1479] : memref<1x25x72x128xf32, #tpu.memory_space<vmem>>, vector<1x1x72x128xf32>
    %get3A_1481 = vector.shape_cast %get3A_1480 : vector<1x1x72x128xf32> to vector<72x128xf32>
    %select_n3A_1482 = arith.select %eq3A_1475, %get3A_1481, %select_n3A_1472 : vector<72x128xi1>, vector<72x128xf32>
    %eq3A_1483 = arith.constant 6 : i32
    %eq3A_1484 = vector.broadcast %eq3A_1483 : i32 to vector<72x128xi32>
    %eq3A_1485 = arith.cmpi eq, %convert_element_type3A_1422, %eq3A_1484 : vector<72x128xi32>
    %get3A_1486 = arith.constant 0 : index
    %get3A_1487 = arith.constant 10 : index
    %get3A_1488 = arith.constant 0 : index
    %get3A_1489 = arith.constant 0 : index
    %get3A_1490 = vector.load %arg1[%get3A_1486, %get3A_1487, %get3A_1488, %get3A_1489] : memref<1x25x72x128xf32, #tpu.memory_space<vmem>>, vector<1x1x72x128xf32>
    %get3A_1491 = vector.shape_cast %get3A_1490 : vector<1x1x72x128xf32> to vector<72x128xf32>
    %select_n3A_1492 = arith.select %eq3A_1485, %get3A_1491, %select_n3A_1482 : vector<72x128xi1>, vector<72x128xf32>
    %eq3A_1493 = arith.constant 7 : i32
    %eq3A_1494 = vector.broadcast %eq3A_1493 : i32 to vector<72x128xi32>
    %eq3A_1495 = arith.cmpi eq, %convert_element_type3A_1422, %eq3A_1494 : vector<72x128xi32>
    %get3A_1496 = arith.constant 0 : index
    %get3A_1497 = arith.constant 11 : index
    %get3A_1498 = arith.constant 0 : index
    %get3A_1499 = arith.constant 0 : index
    %get3A_1500 = vector.load %arg1[%get3A_1496, %get3A_1497, %get3A_1498, %get3A_1499] : memref<1x25x72x128xf32, #tpu.memory_space<vmem>>, vector<1x1x72x128xf32>
    %get3A_1501 = vector.shape_cast %get3A_1500 : vector<1x1x72x128xf32> to vector<72x128xf32>
    %select_n3A_1502 = arith.select %eq3A_1495, %get3A_1501, %select_n3A_1492 : vector<72x128xi1>, vector<72x128xf32>
    %eq3A_1503 = arith.constant 8 : i32
    %eq3A_1504 = vector.broadcast %eq3A_1503 : i32 to vector<72x128xi32>
    %eq3A_1505 = arith.cmpi eq, %convert_element_type3A_1422, %eq3A_1504 : vector<72x128xi32>
    %get3A_1506 = arith.constant 0 : index
    %get3A_1507 = arith.constant 12 : index
    %get3A_1508 = arith.constant 0 : index
    %get3A_1509 = arith.constant 0 : index
    %get3A_1510 = vector.load %arg1[%get3A_1506, %get3A_1507, %get3A_1508, %get3A_1509] : memref<1x25x72x128xf32, #tpu.memory_space<vmem>>, vector<1x1x72x128xf32>
    %get3A_1511 = vector.shape_cast %get3A_1510 : vector<1x1x72x128xf32> to vector<72x128xf32>
    %select_n3A_1512 = arith.select %eq3A_1505, %get3A_1511, %select_n3A_1502 : vector<72x128xi1>, vector<72x128xf32>
    %eq3A_1513 = arith.constant 9 : i32
    %eq3A_1514 = vector.broadcast %eq3A_1513 : i32 to vector<72x128xi32>
    %eq3A_1515 = arith.cmpi eq, %convert_element_type3A_1422, %eq3A_1514 : vector<72x128xi32>
    %get3A_1516 = arith.constant 0 : index
    %get3A_1517 = arith.constant 13 : index
    %get3A_1518 = arith.constant 0 : index
    %get3A_1519 = arith.constant 0 : index
    %get3A_1520 = vector.load %arg1[%get3A_1516, %get3A_1517, %get3A_1518, %get3A_1519] : memref<1x25x72x128xf32, #tpu.memory_space<vmem>>, vector<1x1x72x128xf32>
    %get3A_1521 = vector.shape_cast %get3A_1520 : vector<1x1x72x128xf32> to vector<72x128xf32>
    %select_n3A_1522 = arith.select %eq3A_1515, %get3A_1521, %select_n3A_1512 : vector<72x128xi1>, vector<72x128xf32>
    %eq3A_1523 = arith.constant 10 : i32
    %eq3A_1524 = vector.broadcast %eq3A_1523 : i32 to vector<72x128xi32>
    %eq3A_1525 = arith.cmpi eq, %convert_element_type3A_1422, %eq3A_1524 : vector<72x128xi32>
    %get3A_1526 = arith.constant 0 : index
    %get3A_1527 = arith.constant 14 : index
    %get3A_1528 = arith.constant 0 : index
    %get3A_1529 = arith.constant 0 : index
    %get3A_1530 = vector.load %arg1[%get3A_1526, %get3A_1527, %get3A_1528, %get3A_1529] : memref<1x25x72x128xf32, #tpu.memory_space<vmem>>, vector<1x1x72x128xf32>
    %get3A_1531 = vector.shape_cast %get3A_1530 : vector<1x1x72x128xf32> to vector<72x128xf32>
    %select_n3A_1532 = arith.select %eq3A_1525, %get3A_1531, %select_n3A_1522 : vector<72x128xi1>, vector<72x128xf32>
    %eq3A_1533 = arith.constant 11 : i32
    %eq3A_1534 = vector.broadcast %eq3A_1533 : i32 to vector<72x128xi32>
    %eq3A_1535 = arith.cmpi eq, %convert_element_type3A_1422, %eq3A_1534 : vector<72x128xi32>
    %get3A_1536 = arith.constant 0 : index
    %get3A_1537 = arith.constant 15 : index
    %get3A_1538 = arith.constant 0 : index
    %get3A_1539 = arith.constant 0 : index
    %get3A_1540 = vector.load %arg1[%get3A_1536, %get3A_1537, %get3A_1538, %get3A_1539] : memref<1x25x72x128xf32, #tpu.memory_space<vmem>>, vector<1x1x72x128xf32>
    %get3A_1541 = vector.shape_cast %get3A_1540 : vector<1x1x72x128xf32> to vector<72x128xf32>
    %select_n3A_1542 = arith.select %eq3A_1535, %get3A_1541, %select_n3A_1532 : vector<72x128xi1>, vector<72x128xf32>
    %eq3A_1543 = arith.constant 12 : i32
    %eq3A_1544 = vector.broadcast %eq3A_1543 : i32 to vector<72x128xi32>
    %eq3A_1545 = arith.cmpi eq, %convert_element_type3A_1422, %eq3A_1544 : vector<72x128xi32>
    %get3A_1546 = arith.constant 0 : index
    %get3A_1547 = arith.constant 16 : index
    %get3A_1548 = arith.constant 0 : index
    %get3A_1549 = arith.constant 0 : index
    %get3A_1550 = vector.load %arg1[%get3A_1546, %get3A_1547, %get3A_1548, %get3A_1549] : memref<1x25x72x128xf32, #tpu.memory_space<vmem>>, vector<1x1x72x128xf32>
    %get3A_1551 = vector.shape_cast %get3A_1550 : vector<1x1x72x128xf32> to vector<72x128xf32>
    %select_n3A_1552 = arith.select %eq3A_1545, %get3A_1551, %select_n3A_1542 : vector<72x128xi1>, vector<72x128xf32>
    %eq3A_1553 = arith.constant 13 : i32
    %eq3A_1554 = vector.broadcast %eq3A_1553 : i32 to vector<72x128xi32>
    %eq3A_1555 = arith.cmpi eq, %convert_element_type3A_1422, %eq3A_1554 : vector<72x128xi32>
    %get3A_1556 = arith.constant 0 : index
    %get3A_1557 = arith.constant 17 : index
    %get3A_1558 = arith.constant 0 : index
    %get3A_1559 = arith.constant 0 : index
    %get3A_1560 = vector.load %arg1[%get3A_1556, %get3A_1557, %get3A_1558, %get3A_1559] : memref<1x25x72x128xf32, #tpu.memory_space<vmem>>, vector<1x1x72x128xf32>
    %get3A_1561 = vector.shape_cast %get3A_1560 : vector<1x1x72x128xf32> to vector<72x128xf32>
    %select_n3A_1562 = arith.select %eq3A_1555, %get3A_1561, %select_n3A_1552 : vector<72x128xi1>, vector<72x128xf32>
    %eq3A_1563 = arith.constant 14 : i32
    %eq3A_1564 = vector.broadcast %eq3A_1563 : i32 to vector<72x128xi32>
    %eq3A_1565 = arith.cmpi eq, %convert_element_type3A_1422, %eq3A_1564 : vector<72x128xi32>
    %get3A_1566 = arith.constant 0 : index
    %get3A_1567 = arith.constant 18 : index
    %get3A_1568 = arith.constant 0 : index
    %get3A_1569 = arith.constant 0 : index
    %get3A_1570 = vector.load %arg1[%get3A_1566, %get3A_1567, %get3A_1568, %get3A_1569] : memref<1x25x72x128xf32, #tpu.memory_space<vmem>>, vector<1x1x72x128xf32>
    %get3A_1571 = vector.shape_cast %get3A_1570 : vector<1x1x72x128xf32> to vector<72x128xf32>
    %select_n3A_1572 = arith.select %eq3A_1565, %get3A_1571, %select_n3A_1562 : vector<72x128xi1>, vector<72x128xf32>
    %eq3A_1573 = arith.constant 15 : i32
    %eq3A_1574 = vector.broadcast %eq3A_1573 : i32 to vector<72x128xi32>
    %eq3A_1575 = arith.cmpi eq, %convert_element_type3A_1422, %eq3A_1574 : vector<72x128xi32>
    %get3A_1576 = arith.constant 0 : index
    %get3A_1577 = arith.constant 19 : index
    %get3A_1578 = arith.constant 0 : index
    %get3A_1579 = arith.constant 0 : index
    %get3A_1580 = vector.load %arg1[%get3A_1576, %get3A_1577, %get3A_1578, %get3A_1579] : memref<1x25x72x128xf32, #tpu.memory_space<vmem>>, vector<1x1x72x128xf32>
    %get3A_1581 = vector.shape_cast %get3A_1580 : vector<1x1x72x128xf32> to vector<72x128xf32>
    %select_n3A_1582 = arith.select %eq3A_1575, %get3A_1581, %select_n3A_1572 : vector<72x128xi1>, vector<72x128xf32>
    %eq3A_1583 = arith.constant 16 : i32
    %eq3A_1584 = vector.broadcast %eq3A_1583 : i32 to vector<72x128xi32>
    %eq3A_1585 = arith.cmpi eq, %convert_element_type3A_1422, %eq3A_1584 : vector<72x128xi32>
    %get3A_1586 = arith.constant 0 : index
    %get3A_1587 = arith.constant 20 : index
    %get3A_1588 = arith.constant 0 : index
    %get3A_1589 = arith.constant 0 : index
    %get3A_1590 = vector.load %arg1[%get3A_1586, %get3A_1587, %get3A_1588, %get3A_1589] : memref<1x25x72x128xf32, #tpu.memory_space<vmem>>, vector<1x1x72x128xf32>
    %get3A_1591 = vector.shape_cast %get3A_1590 : vector<1x1x72x128xf32> to vector<72x128xf32>
    %select_n3A_1592 = arith.select %eq3A_1585, %get3A_1591, %select_n3A_1582 : vector<72x128xi1>, vector<72x128xf32>
    %eq3A_1593 = arith.constant 17 : i32
    %eq3A_1594 = vector.broadcast %eq3A_1593 : i32 to vector<72x128xi32>
    %eq3A_1595 = arith.cmpi eq, %convert_element_type3A_1422, %eq3A_1594 : vector<72x128xi32>
    %get3A_1596 = arith.constant 0 : index
    %get3A_1597 = arith.constant 21 : index
    %get3A_1598 = arith.constant 0 : index
    %get3A_1599 = arith.constant 0 : index
    %get3A_1600 = vector.load %arg1[%get3A_1596, %get3A_1597, %get3A_1598, %get3A_1599] : memref<1x25x72x128xf32, #tpu.memory_space<vmem>>, vector<1x1x72x128xf32>
    %get3A_1601 = vector.shape_cast %get3A_1600 : vector<1x1x72x128xf32> to vector<72x128xf32>
    %select_n3A_1602 = arith.select %eq3A_1595, %get3A_1601, %select_n3A_1592 : vector<72x128xi1>, vector<72x128xf32>
    %eq3A_1603 = arith.constant 18 : i32
    %eq3A_1604 = vector.broadcast %eq3A_1603 : i32 to vector<72x128xi32>
    %eq3A_1605 = arith.cmpi eq, %convert_element_type3A_1422, %eq3A_1604 : vector<72x128xi32>
    %get3A_1606 = arith.constant 0 : index
    %get3A_1607 = arith.constant 22 : index
    %get3A_1608 = arith.constant 0 : index
    %get3A_1609 = arith.constant 0 : index
    %get3A_1610 = vector.load %arg1[%get3A_1606, %get3A_1607, %get3A_1608, %get3A_1609] : memref<1x25x72x128xf32, #tpu.memory_space<vmem>>, vector<1x1x72x128xf32>
    %get3A_1611 = vector.shape_cast %get3A_1610 : vector<1x1x72x128xf32> to vector<72x128xf32>
    %select_n3A_1612 = arith.select %eq3A_1605, %get3A_1611, %select_n3A_1602 : vector<72x128xi1>, vector<72x128xf32>
    %eq3A_1613 = arith.constant 19 : i32
    %eq3A_1614 = vector.broadcast %eq3A_1613 : i32 to vector<72x128xi32>
    %eq3A_1615 = arith.cmpi eq, %convert_element_type3A_1422, %eq3A_1614 : vector<72x128xi32>
    %get3A_1616 = arith.constant 0 : index
    %get3A_1617 = arith.constant 23 : index
    %get3A_1618 = arith.constant 0 : index
    %get3A_1619 = arith.constant 0 : index
    %get3A_1620 = vector.load %arg1[%get3A_1616, %get3A_1617, %get3A_1618, %get3A_1619] : memref<1x25x72x128xf32, #tpu.memory_space<vmem>>, vector<1x1x72x128xf32>
    %get3A_1621 = vector.shape_cast %get3A_1620 : vector<1x1x72x128xf32> to vector<72x128xf32>
    %select_n3A_1622 = arith.select %eq3A_1615, %get3A_1621, %select_n3A_1612 : vector<72x128xi1>, vector<72x128xf32>
    %eq3A_1623 = arith.constant 20 : i32
    %eq3A_1624 = vector.broadcast %eq3A_1623 : i32 to vector<72x128xi32>
    %eq3A_1625 = arith.cmpi eq, %convert_element_type3A_1422, %eq3A_1624 : vector<72x128xi32>
    %get3A_1626 = arith.constant 0 : index
    %get3A_1627 = arith.constant 24 : index
    %get3A_1628 = arith.constant 0 : index
    %get3A_1629 = arith.constant 0 : index
    %get3A_1630 = vector.load %arg1[%get3A_1626, %get3A_1627, %get3A_1628, %get3A_1629] : memref<1x25x72x128xf32, #tpu.memory_space<vmem>>, vector<1x1x72x128xf32>
    %get3A_1631 = vector.shape_cast %get3A_1630 : vector<1x1x72x128xf32> to vector<72x128xf32>
    %select_n3A_1632 = arith.select %eq3A_1625, %get3A_1631, %select_n3A_1622 : vector<72x128xi1>, vector<72x128xf32>
    %sub3A_1633 = arith.subf %add3A_1421, %select_n3A_1632 : vector<72x128xf32>
    %mul3A_1634 = arith.mulf %sub3A_1633, %convert_element_type3A_996 : vector<72x128xf32>
    %reduce_sum3A_1635 = vector.shape_cast %mul3A_1634 : vector<72x128xf32> to vector<1x72x128xf32>
    %reduce_sum3A_1636 = arith.constant dense<0.000000e+00> : vector<1xf32>
    %reduce_sum3A_1637 = vector.multi_reduction <add>, %reduce_sum3A_1635, %reduce_sum3A_1636 [1, 2] : vector<1x72x128xf32> to vector<1xf32>
    %reduce_sum3A_1638 = vector.shape_cast %reduce_sum3A_1637 : vector<1xf32> to vector<1x1x1xf32>
    %reduce_sum3A_1639 = vector.extract %reduce_sum3A_1638[0, 0, 0] : f32 from vector<1x1x1xf32>
    %get3A_1640 = arith.constant 0 : index
    %get3A_1641 = arith.constant 4 : index
    %get3A_1642 = arith.constant 0 : index
    %get3A_1643 = arith.constant 0 : index
    %get3A_1644 = vector.load %arg1[%get3A_1640, %get3A_1641, %get3A_1642, %get3A_1643] : memref<1x25x72x128xf32, #tpu.memory_space<vmem>>, vector<1x1x72x128xf32>
    %get3A_1645 = vector.shape_cast %get3A_1644 : vector<1x1x72x128xf32> to vector<72x128xf32>
    %sub3A_1646 = arith.subf %add3A_1421, %get3A_1645 : vector<72x128xf32>
    %sub3A_1647 = arith.constant 1.000000e+00 : f32
    %sub3A_1648 = vector.broadcast %sub3A_1647 : f32 to vector<72x128xf32>
    %sub3A_1649 = arith.subf %sub3A_1648, %convert_element_type3A_996 : vector<72x128xf32>
    %mul3A_1650 = arith.mulf %sub3A_1633, %sub3A_1649 : vector<72x128xf32>
    %bitcast_convert_type3A = tpu.bitcast %mul3A_1650 : vector<72x128xf32> -> vector<72x128xi32>
    %jit3A_1651 = arith.constant -1 : i32
    %broadcast_in_dim3A_1652 = vector.broadcast %jit3A_1651 : i32 to vector<72x128xi32>
    %select_n3A_1653 = arith.select %lt3A_40, %bitcast_convert_type3A, %broadcast_in_dim3A_1652 : vector<72x128xi1>, vector<72x128xi32>
    %swap3A = arith.constant 0 : index
    %swap3A_1654 = arith.constant 0 : index
    %swap3A_1655 = arith.constant 0 : index
    %swap3A_1656 = vector.load %arg5[%swap3A, %swap3A_1654, %swap3A_1655] : memref<1x72x128xi32, #tpu.memory_space<vmem>>, vector<1x72x128xi32>
    %swap3A_1657 = vector.shape_cast %swap3A_1656 : vector<1x72x128xi32> to vector<72x128xi32>
    %swap3A_1658 = vector.shape_cast %select_n3A_1653 : vector<72x128xi32> to vector<1x72x128xi32>
    tpu.vector_store %arg5[%swap3A, %swap3A_1654, %swap3A_1655], %swap3A_1658 {strides = array<i32>} : memref<1x72x128xi32, #tpu.memory_space<vmem>>, vector<1x72x128xi32>,
    %swap3A_1659 = arith.constant 0 : index
    %swap3A_1660 = arith.constant 0 : index
    %swap3A_1661 = arith.constant 0 : index
    %swap3A_1662 = vector.load %arg6[%swap3A_1659, %swap3A_1660, %swap3A_1661] : memref<1x72x128xf32, #tpu.memory_space<vmem>>, vector<1x72x128xf32>
    %swap3A_1663 = vector.shape_cast %swap3A_1662 : vector<1x72x128xf32> to vector<72x128xf32>
    %swap3A_1664 = vector.shape_cast %sub3A_1646 : vector<72x128xf32> to vector<1x72x128xf32>
    tpu.vector_store %arg6[%swap3A_1659, %swap3A_1660, %swap3A_1661], %swap3A_1664 {strides = array<i32>} : memref<1x72x128xf32, #tpu.memory_space<vmem>>, vector<1x72x128xf32>,
    %swap3A_1665 = arith.constant 0 : index
    %swap3A_1666 = arith.constant 0 : index
    %swap3A_1667 = arith.constant 0 : index
    %swap3A_1668 = memref.load %arg7[%swap3A_1665, %swap3A_1666, %swap3A_1667] : memref<1x1x4xf32, #tpu.memory_space<smem>>
    memref.store %reduce_sum3A_1085, %arg7[%swap3A_1665, %swap3A_1666, %swap3A_1667] : memref<1x1x4xf32, #tpu.memory_space<smem>>
    %swap3A_1669 = arith.constant 0 : index
    %swap3A_1670 = arith.constant 0 : index
    %swap3A_1671 = arith.constant 1 : index
    %swap3A_1672 = memref.load %arg7[%swap3A_1669, %swap3A_1670, %swap3A_1671] : memref<1x1x4xf32, #tpu.memory_space<smem>>
    memref.store %reduce_sum3A_1639, %arg7[%swap3A_1669, %swap3A_1670, %swap3A_1671] : memref<1x1x4xf32, #tpu.memory_space<smem>>
    %swap3A_1673 = arith.constant 0 : index
    %swap3A_1674 = arith.constant 0 : index
    %swap3A_1675 = arith.constant 2 : index
    %swap3A_1676 = memref.load %arg7[%swap3A_1673, %swap3A_1674, %swap3A_1675] : memref<1x1x4xf32, #tpu.memory_space<smem>>
    memref.store %reduce_sum3A_1000, %arg7[%swap3A_1673, %swap3A_1674, %swap3A_1675] : memref<1x1x4xf32, #tpu.memory_space<smem>>
    %mul3A_1677 = arith.constant 3.000000e+00 : f32
    %mul3A_1678 = arith.mulf %mul3A_1677, %reduce_sum3A_1000 : f32
    %min3A_1679 = arith.constant 8.731000e+03 : f32
    %min3A_1680 = arith.minimumf %mul3A_1678, %min3A_1679 : f32
    %swap3A_1681 = arith.constant 0 : index
    %swap3A_1682 = arith.constant 0 : index
    %swap3A_1683 = arith.constant 3 : index
    %swap3A_1684 = memref.load %arg7[%swap3A_1681, %swap3A_1682, %swap3A_1683] : memref<1x1x4xf32, #tpu.memory_space<smem>>
    memref.store %min3A_1680, %arg7[%swap3A_1681, %swap3A_1682, %swap3A_1683] : memref<1x1x4xf32, #tpu.memory_space<smem>>
    return
  }
  func.func @transform_0(%arg0: i32) -> (i32, i32, i32, i32) {
    %c0_i32 = arith.constant 0 : i32
    %c0_i32_0 = arith.constant 0 : i32
    %c0_i32_1 = arith.constant 0 : i32
    %c0_i32_2 = arith.constant 0 : i32
    return %arg0, %c0_i32, %c0_i32_0, %c0_i32_1 : i32, i32, i32, i32
  }
  func.func @transform_1(%arg0: i32) -> (i32, i32, i32) {
    %c0_i32 = arith.constant 0 : i32
    %c0_i32_0 = arith.constant 0 : i32
    %c0_i32_1 = arith.constant 0 : i32
    %c0_i32_2 = arith.constant 0 : i32
    return %c0_i32, %c0_i32_0, %c0_i32_1 : i32, i32, i32
  }
  func.func @transform_2(%arg0: i32) -> (i32, i32, i32) {
    %c0_i32 = arith.constant 0 : i32
    %c0_i32_0 = arith.constant 0 : i32
    %c0_i32_1 = arith.constant 0 : i32
    return %arg0, %c0_i32, %c0_i32_0 : i32, i32, i32
  }
  func.func @transform_3(%arg0: i32) -> (i32, i32, i32) {
    %c0_i32 = arith.constant 0 : i32
    %c0_i32_0 = arith.constant 0 : i32
    %c0_i32_1 = arith.constant 0 : i32
    return %arg0, %c0_i32, %c0_i32_0 : i32, i32, i32
  }
  func.func @transform_4(%arg0: i32) -> (i32, i32, i32) {
    %c0_i32 = arith.constant 0 : i32
    %c0_i32_0 = arith.constant 0 : i32
    %c0_i32_1 = arith.constant 0 : i32
    return %arg0, %c0_i32, %c0_i32_0 : i32, i32, i32
  }
  func.func @transform_5(%arg0: i32) -> (i32, i32, i32) {
    %c0_i32 = arith.constant 0 : i32
    %c0_i32_0 = arith.constant 0 : i32
    %c0_i32_1 = arith.constant 0 : i32
    return %arg0, %c0_i32, %c0_i32_0 : i32, i32, i32
  }
  func.func @transform_6(%arg0: i32) -> (i32, i32, i32) {
    %c0_i32 = arith.constant 0 : i32
    %c0_i32_0 = arith.constant 0 : i32
    %c0_i32_1 = arith.constant 0 : i32
    return %arg0, %c0_i32, %c0_i32_0 : i32, i32, i32
  }
}

</mosaic_0001>

<sc_bundles>
// kernel: kernel.4.cloned.1.call-start
scs
__scs_entry_jumppad:
0x0: {  	(pc) =	sbr.rel $0x88, $3  }
0x1: {  	(tag) =	ssettag $0x0;
	lr =	simm.s32 $0x1  }
0x2: {  	[smem:$0x3F9D] =	sst lr;
	_ =	strace $0xD0000000  }
0x3: {  	_ = 	snop  }
0x4: {  	_ = 	snop  }
0x5: {  	_ = 	snop  }
0x6: {  	_ = 	snop  }
0x7: {  	_ = 	snop  }
__scs_overlays_trampoline_lowered:
0x8: {  	[smem:$0x3FAC] =	sst s0  }
0x9: {  	[smem:$0x3FAD] =	sst s1  }
0xa: {  	[smem:$0x3FAE] =	sst s2  }
0xb: {  	[smem:$0x3FAF] =	sst s3  }
0xc: {  	[smem:$0x3FB0] =	sst s4  }
0xd: {  	[smem:$0x3FB1] =	sst s5  }
0xe: {  	[smem:$0x3FB2] =	sst s6  }
0xf: {  	[smem:$0x3FB3] =	sst s7  }
0x10: {  	[smem:$0x3FB4] =	sst s8  }
0x11: {  	[smem:$0x3FB5] =	sst s9;
	s0 =	simm.s32 @!p0 $0x0  }
0x12: {  	s1 =	sld [smem:$0x3F9B];
	s0 =	simm.s32 @p0 $0x1  }
0x13: {  	[smem:$0x3FB6] =	sst s0;
	s0 =	simm.s32 @!p1 $0x0  }
0x14: {  	s2 =	sld [smem:$0x3F9A];
	s0 =	simm.s32 @p1 $0x1  }
0x15: {  	[smem:$0x3FB7] =	sst s0;
	s0 =	simm.s32 @!p2 $0x0  }
0x16: {  	s3 =	sld [smem:$0x3FDB];
	s0 =	simm.s32 @p2 $0x1  }
0x17: {  	s4 =	simm.s32 $0x1BF5;
	[smem:$0x3FB9] =	sst s0  }
0x18: {  	s0 =	sld [smem:$0x3F9C];
	_ =	swait.ge [sflag:s4], $0x0  }
0x19: {  	s7 =	sld [smem:$0x3F9D]  }
0x1a: {  	s8 =	sadd.s32 $0xFFFFE003, lr  }
0x1b: {  	s9 =	sadd.s32 $0xFFFFFEF7, lr;
	s5 =	simm.s32 $0xFFFFFFFF;
	p2 =	slt.u32 s8, $0xFFFFF086  }
0x1c: {  	p1 =	slt.u32 s9, $0xF7A;
	s5 =	simm.s32 @!p2 $0x0  }
0x1d: {  	s5 =	simm.s32 @p1 $0x1;
	p0 =	seq.s32 s7, s2  }
0x1e: {  	s7 =	smul.u32 @!p0 $0xF7A, s2;
	p2 =	seq.s32 @!p0 s5, $0x0  }
0x1f: {  	s9 =	smul.u32 $0xF7A, s1;
	s8 =	simm.s32 @!p0 $0x1BF5;
	p2 =	por !p2, p0  }
0x20: {  	[sflag:s8] =	ssyncset.s32 @!p0 $0xFFFFF086;
	s6 =	sadd.s32 @!p0 s3, s7;
	s7 =	simm.s32 @!p0 $0x108  }
0x21: {  	s3 =	sadd.s32 s3, s9;
	s6 =	sadd.s32 @!p0 $0x88, s6;
	s7 =	simm.s32 @p2 $0x1082  }
0x22: {  	[simem:s7], [sflag:s8] =	dma.local @!p0 [hbm:s6], $0xF7A  }
0x23: {  	s9 =	sor.u32 $0xD0000000, s2;
	s6 =	simm.s32 $0x108;
	_ =	swait.ge @!p0 [sflag:s8], $0x0  }
0x24: {  	s3 =	sadd.s32 $0x88, s3;
	s6 =	simm.s32 @!p1 $0x1082;
	[sflag:s4] =	ssyncset.s32 $0xFFFFF086  }
0x25: {  	[simem:s6], [sflag:s4] =	dma.local [hbm:s3], $0xF7A  }
0x26: {  	[smem:$0x3F9D] =	sst s1;
	(tag) =	ssettag s2;
	_ =	strace s9  }
0x27: {  	s1 =	sld [smem:$0x3FAD]  }
0x28: {  	s2 =	sld [smem:$0x3FAE]  }
0x29: {  	s4 =	sld [smem:$0x3FB0]  }
0x2a: {  	p0 =	seq.s32 s5, $0x0;
	s5 =	sld [smem:$0x3FB1]  }
0x2b: {  	s6 =	sld [smem:$0x3FB2]  }
0x2c: {  	s7 =	sld [smem:$0x3FB3]  }
0x2d: {  	s3 =	simm.s32 $0x108;
	s8 =	sld [smem:$0x3FB4]  }
0x2e: {  	s3 =	simm.s32 @!p0 $0x1082;
	s9 =	sld [smem:$0x3FB5]  }
0x2f: {  	lr =	sadd.s32 s0, s3;
	s0 =	sld [smem:$0x3FAC]  }
0x30: {  	s3 =	sld [smem:$0x3FAF]  }
0x31: {  	[smem:$0x3FB8] =	sst s10  }
0x32: {  	s10 =	sld [smem:$0x3FB6];
	_ =	sdelay $0x3  }
0x33: {  	p0 =	seq.s32 s10, $0x1;
	s10 =	sld [smem:$0x3FB8];
	_ =	sdelay $0x3  }
0x34: {  	[smem:$0x3FB8] =	sst s10  }
0x35: {  	s10 =	sld [smem:$0x3FB7];
	_ =	sdelay $0x3  }
0x36: {  	p1 =	seq.s32 s10, $0x1;
	s10 =	sld [smem:$0x3FB8];
	_ =	sdelay $0x3  }
0x37: {  	[smem:$0x3FB8] =	sst s10  }
0x38: {  	s10 =	sld [smem:$0x3FB9]  }
0x39: {  	_ = 	snop;
	(pc) =	sbr.ind lr, $3  }
0x3a: {  	_ = 	snop  }
0x3b: {  	_ = 	snop  }
0x3c: {  	p2 =	seq.s32 s10, $0x1;
	s10 =	sld [smem:$0x3FB8]  }
0x3d: {  	_ =	shalt  }
0x3e: {  	_ =	shalt  }
0x3f: {  	_ =	shalt  }
0x40: {  	_ =	shalt  }
0x41: {  	_ =	shalt  }
0x42: {  	_ =	shalt  }
0x43: {  	_ =	shalt  }
0x44: {  	_ =	shalt  }
0x45: {  	_ =	shalt  }
0x46: {  	_ =	shalt  }
0x47: {  	_ =	shalt  }
0x48: {  	_ =	shalt  }
0x49: {  	_ =	shalt  }
0x4a: {  	_ =	shalt  }
0x4b: {  	_ =	shalt  }
0x4c: {  	_ =	shalt  }
0x4d: {  	_ =	shalt  }
0x4e: {  	_ =	shalt  }
0x4f: {  	_ =	shalt  }
0x50: {  	_ =	shalt  }
0x51: {  	_ =	shalt  }
0x52: {  	_ =	shalt  }
0x53: {  	_ =	shalt  }
0x54: {  	_ =	shalt  }
0x55: {  	_ =	shalt  }
0x56: {  	_ =	shalt  }
0x57: {  	_ =	shalt  }
0x58: {  	_ =	shalt  }
0x59: {  	_ =	shalt  }
0x5a: {  	_ =	shalt  }
0x5b: {  	_ =	shalt  }
0x5c: {  	_ =	shalt  }
0x5d: {  	_ =	shalt  }
0x5e: {  	_ =	shalt  }
0x5f: {  	_ =	shalt  }
0x60: {  	_ =	shalt  }
0x61: {  	_ =	shalt  }
0x62: {  	_ =	shalt  }
0x63: {  	_ =	shalt  }
0x64: {  	_ =	shalt  }
0x65: {  	_ =	shalt  }
0x66: {  	_ =	shalt  }
0x67: {  	_ =	shalt  }
0x68: {  	_ =	shalt  }
0x69: {  	_ =	shalt  }
0x6a: {  	_ =	shalt  }
0x6b: {  	_ =	shalt  }
0x6c: {  	_ =	shalt  }
0x6d: {  	_ =	shalt  }
0x6e: {  	_ =	shalt  }
0x6f: {  	_ =	shalt  }
0x70: {  	_ =	shalt  }
0x71: {  	_ =	shalt  }
0x72: {  	_ =	shalt  }
0x73: {  	_ =	shalt  }
0x74: {  	_ =	shalt  }
0x75: {  	_ =	shalt  }
0x76: {  	_ =	shalt  }
0x77: {  	_ =	shalt  }
0x78: {  	_ =	shalt  }
0x79: {  	_ =	shalt  }
0x7a: {  	_ =	shalt  }
0x7b: {  	_ =	shalt  }
0x7c: {  	_ =	shalt  }
0x7d: {  	_ =	shalt  }
0x7e: {  	_ =	shalt  }
0x7f: {  	_ =	shalt  }
0x80: {  	_ =	shalt  }
0x81: {  	_ =	shalt  }
0x82: {  	_ =	shalt  }
0x83: {  	_ =	shalt  }
0x84: {  	_ =	shalt  }
0x85: {  	_ =	shalt  }
0x86: {  	_ =	shalt  }
0x87: {  	_ =	shalt  }
.Lfunc_end0:
.L_simem_size_0:
called_computation_lowered:
.L_overlay_start_0:
0x88: {  	s2 =	sld [smem:$0x3FD9]  }
0x89: {  	s3 =	sld [smem:$0x3FFE];
	_ =	sdelay $0x1  }
0x8a: {  	s1 =	srdreg.scid  }
0x8b: {  	s0 =	sand.u32 $0x1, s1  }
0x8c: {  	s17 =	sshll.u32 s0, $0xA;
	s2 =	sadd.s32 s3, s2  }
0x8d: {  	s2 =	sadd.s32 s2, s17  }
0x8e: {  	[smem:$0x3FC4] =	sst s2  }
0x8f: {  	_ = 	snop  }
0x90: {  	s2 =	sld [smem:$0x3FD0];
	(tm) =	ssettm $0x1  }
0x91: {  	s18 =	sld [smem:$0x3FFB];
	_ =	sdelay $0x3  }
0x92: {  	_ =	strace s18  }
0x93: {  	s3 =	sld [smem:$0x3FFC];
	_ =	sdelay $0x3  }
0x94: {  	_ =	strace s3  }
0x95: {  	s3 =	sld [smem:$0x3FFD];
	_ =	sdelay $0x3  }
0x96: {  	_ =	strace s3  }
0x97: {  	_ =	strace $0x8FFFFFFF  }
0x98: {  	s19 =	sld [smem:$0x3FDB];
	_ =	sdelay $0x1  }
0x99: {  	s4 =	simm.s32 $_scs_section_size  }
0x9a: {  	s5 =	simm.s32 $_size__tile_overlayer_lowered;
	s6 =	simm.s32 $_tile_overlayer_lowered  }
0x9b: {  	s22 =	simm.s32 $0x1BFF;
	s21 =	sshll.u32 s6, $0x1;
	s3 =	sadd.s32 s4, s19  }
0x9c: {  	s7 =	simm.s32 $0x0;
	s20 =	sshll.u32 s5, $0x1;
	s5 =	sadd.s32 s21, s3  }
0x9d: {  	[timem:s7], [sflag:s22] =	dma.local [hbm:s5], s20  }
0x9e: {  	_ =	swait.ge [sflag:s22], s20  }
0x9f: {  	s4 =	ssub.s32 $0x0, s20;
	[sflag:s22] =	ssyncset.done $0x0  }
0xa0: {  	[sflag:s22] =	ssyncadd.s32 s4;
	_ =	sdelay $0x1  }
0xa1: {  	s23 =	simm.s32 $0x1B8B  }
0xa2: {  	_ =	swait.ge [sflag:s23], $0x1  }
0xa3: {  	[sflag:s23] =	ssyncset.done $0x0  }
0xa4: {  	s25 =	simm.s32 $0x1B8E;
	s24 =	sld [smem:$0x3FFE];
	[sflag:s23] =	ssyncadd.s32 $0xFFFFFFFF  }
0xa5: {  	s26 =	simm.s32 $execute0_lowered;
	[smem:$0x3FD2] =	sst s25  }
0xa6: {  	s5 =	sshll.u32 s26, $0x1;
	_ =	strace $0x80000046;
	[dreg:$0x1] =	wrdreg $0xFFFFFFFF  }
0xa7: {  	s28 =	simm.s32 $_size_execute0_lowered;
	s3 =	sadd.s32 s3, s5;
	[dreg:$0x0] =	wrdreg $0x0  }
0xa8: {  	s5 =	sshll.u32 s28, $0x1;
	[dreg:$0x2] =	wrdreg s3  }
0xa9: {  	[dreg:$0x3] =	wrdreg s5  }
0xaa: {  	[dreg:$0x4] =	wrdreg $0xC0  }
0xab: {  	_ =	task [dreg:s7], $0x5FFFF  }
0xac: {  	[dreg:$0x1] =	wrdreg $0xFFFFFFFF  }
0xad: {  	[dreg:$0x0] =	wrdreg $0x60  }
0xae: {  	[dreg:$0x2] =	wrdreg s24  }
0xaf: {  	[dreg:$0x3] =	wrdreg s2  }
0xb0: {  	[dreg:$0x4] =	wrdreg $0x4B000  }
0xb1: {  	[dreg:$0x5] =	wrdreg $0x9  }
0xb2: {  	_ =	task.clear_ibuf [dreg:s7], $0x6FFFF;
	_ =	strace $0x90000046  }
0xb3: {  	s29 =	simm.s32 $0x9;
	_ =	strace $0x80000048  }
0xb4: {  	_ =	swait.ge [sflag:s29], $0x1  }
0xb5: {  	[sflag:s29] =	ssyncadd.s32 $0xFFFFFFFF  }
0xb6: {  	_ =	strace $0x90000048  }
0xb7: {  	_ =	sfence  }
0xb8: {  	s30 =	sld [smem:$0x0];
	_ =	sdelay $0x2  }
0xb9: {  	s31 =	sshll.u32 s1, $0xD;
	s1 =	sshrl.u32 s1, $0x2  }
0xba: {  	s3 =	sand.u32 $0x4000, s31;
	s1 =	sadd.s32 s1, s30  }
0xbb: {  	s0 =	sor.u32 s3, s0;
	s1 =	sshll.u32 s1, $0x11  }
0xbc: {  	s0 =	sor.u32 s1, s0  }
0xbd: {  	s0 =	sadd.s32 $0x8F2B, s0  }
0xbe: {  	[sflag:s0] =	ssyncadd.remote.s32 $0x1  }
0xbf: {  	_ =	sfence.sel $0xFFFF  }
0xc0: {  	[dreg:$0x0] =	wrdreg $0xFFFFFFFF;
	(pc) =	sbr.abs _section_cstart, $3  }
0xc1: {  	[dreg:$0x1] =	wrdreg $0xFFFFFFFF  }
0xc2: {  	_ =	task.clear_ibuf [dreg:s7], $0x2FFFF;
	_ =	strace $0x9FFFFFFF  }
0xc3: {  	(tm) =	ssettm $0x7FFFFFFF  }
tec
execute0_lowered:
.L_overlay_start_1:
0x0: {  	(tag) =	ssettag $0x1  }
0x1: {  	s2 =	srdreg.scid  }
0x2: {  	s2 =	sand.u32 $0x1, s2  }
0x3: {  	p0 =	seq.s32 s2, $0x1  }
.Ltmp0:
0x4: {  	s5 =	rddreg [dreg:$0x0];
	(pc) =	sbr.rel @p0 .LBB2_29-.Ltmp0, $4  }
0x5: {  	s1 =	rddreg [dreg:$0x1]  }
0x6: {  	s4 =	rddreg [dreg:$0x2];
	s8 =	simm.s32 $0x0  }
0x7: {  	[smem:$0x7FF] =	sst s8  }
0x8: {  	s0 =	rddreg [dreg:$0x3];
	_ =	strace $0x80000047;
	s2 =	stileid.u32  }
0x9: {  	s3 =	sshrl.u32 s2, $0x3  }
0xa: {  	s6 =	sshll.u32 s2, $0x7;
	s3 =	smul.u32 $0x12000, s3  }
0xb: {  	s6 =	sand.u32 $0x380, s6  }
0xc: {  	s3 =	sor.u32 s6, s3  }
0xd: {  	s25 =	sadd.s32 $0x5400, s5;
	s7 =	simm.s32 $0x80;
	s3 =	sshrl.u32 s3, $0x3  }
0xe: {  	s9 =	simm.s32 $0x400;
	s26 =	simm.s32 $0x1;
	s6 =	sadd.s32 s25, s3  }
0xf: {  	[tilespmem:s8], [sflag:$0x1] =	stream.strided.gather [hbm4b:s6+s7], $0x2400, s9, s7, $0x38;
	[tilespmem:$0x4B10] =	vst v63  }
0x10: {  	_ =	swait.ge [sflag:s26], $0x2400  }
0x11: {  	s10 =	sadd.s32 $0xC00, s5;
	[sflag:s26] =	ssyncset.done $0x0  }
0x12: {  	s28 =	simm.s32 $0x2400;
	s3 =	sadd.s32 s10, s3;
	[sflag:s26] =	ssyncadd.s32 $0xFFFFDC00  }
0x13: {  	[tilespmem:s28], [sflag:$0x1] =	stream.strided.gather [hbm4b:s3+s7], $0x2400, s9, s7, $0x38;
	[tilespmem:$0x4B10] =	vst v63  }
0x14: {  	_ =	swait.ge [sflag:s26], $0x2400  }
0x15: {  	s3 =	sadd.s32 $0x9C00, s5;
	[sflag:s26] =	ssyncset.done $0x0  }
0x16: {  	s30 =	simm.s32 $0x4900;
	s29 =	sadd.s32 $0x30, s3;
	[sflag:s26] =	ssyncadd.s32 $0xFFFFDC00  }
0x17: {  	[tilespmem:s30], [sflag:$0x1] =	stream.linear.gather [hbm4b:s29+s8], $0x80, $0x38;
	[tilespmem:$0x4B10] =	vst v63  }
0x18: {  	_ =	swait.ge [sflag:s26], $0x80  }
0x19: {  	[sflag:s26] =	ssyncset.done $0x0  }
0x1a: {  	v2 =	vimm.s32 $0x0;
	[sflag:s26] =	ssyncadd.s32 $0xFFFFFF80  }
0x1b: {  	[tilespmem:$0x4800] =	vst v2  }
0x1c: {  	[tilespmem:$0x4810] =	vst v2  }
0x1d: {  	[tilespmem:$0x4820] =	vst v2  }
0x1e: {  	[tilespmem:$0x4830] =	vst v2  }
0x1f: {  	[tilespmem:$0x4840] =	vst v2  }
0x20: {  	[tilespmem:$0x4850] =	vst v2  }
0x21: {  	[tilespmem:$0x4860] =	vst v2  }
0x22: {  	[tilespmem:$0x4870] =	vst v2  }
0x23: {  	[tilespmem:$0x4880] =	vst v2  }
0x24: {  	[tilespmem:$0x4890] =	vst v2  }
0x25: {  	[tilespmem:$0x48A0] =	vst v2  }
0x26: {  	[tilespmem:$0x48B0] =	vst v2  }
0x27: {  	[tilespmem:$0x48C0] =	vst v2  }
0x28: {  	[tilespmem:$0x48D0] =	vst v2  }
0x29: {  	s31 =	sshll.u32 s2, $0x4;
	s6 =	sadd.s32 $0x9C10, s5;
	[tilespmem:$0x48E0] =	vst v2  }
0x2a: {  	v0 =	vmov s2;
	s7 =	sadd.s32 s31, s4;
	s5 =	sadd.s32 $0x9C20, s5;
	s9 =	simm.s32 $0x4800;
	v1 =	vld [tilespmem:$0x4900];
	[tilespmem:$0x48F0] =	vst v2;
	v2 =	vimm.s32 $0x1  }
.LBB2_2:
0x2b: {  	s10 =	sshra.s32 s8, $0x2  }
0x2c: {  	v3 =	vld [tilespmem:s10+$0x0];
	_ =	sdelay $0x4  }
0x2d: {  	vm0 =	vgt.s32 v3, $0xFFFFFFFF  }
0x2e: {  	v3 =	vshrl.u32 v3, $0x18;
	_ =	sdelay $0x4  }
0x2f: {  	[tilespmem:v3+s9+$0x0] =	vst.idx.add.s32.msk vm0, v2  }
0x30: {  	v3 =	vld [tilespmem:s10+$0x10];
	_ =	sdelay $0x4  }
0x31: {  	vm13 =	vgt.s32 v3, $0xFFFFFFFF  }
0x32: {  	v3 =	vshrl.u32 v3, $0x18;
	_ =	sdelay $0x4  }
0x33: {  	[tilespmem:v3+s9+$0x0] =	vst.idx.add.s32.msk vm13, v2  }
0x34: {  	v3 =	vld [tilespmem:s10+$0x20];
	_ =	sdelay $0x4  }
0x35: {  	vm14 =	vgt.s32 v3, $0xFFFFFFFF  }
0x36: {  	v3 =	vshrl.u32 v3, $0x18;
	_ =	sdelay $0x4  }
0x37: {  	[tilespmem:v3+s9+$0x0] =	vst.idx.add.s32.msk vm14, v2  }
0x38: {  	v3 =	vld [tilespmem:s10+$0x30];
	_ =	sdelay $0x4  }
0x39: {  	vm15 =	vgt.s32 v3, $0xFFFFFFFF  }
0x3a: {  	p0 =	seq.s32 s8, $0x8F00;
	v3 =	vshrl.u32 v3, $0x18  }
.Ltmp1:
0x3b: {  	_ = 	snop;
	(pc) =	sbr.rel @!p0 .LBB2_2-.Ltmp1, $2  }
0x3c: {  	_ =	sdelay $0x2  }
0x3d: {  	s8 =	sadd.s32 $0x100, s8;
	[tilespmem:v3+s9+$0x0] =	vst.idx.add.s32.msk vm15, v2  }
0x3e: {  	v2 =	vlaneseq.u32  }
0x3f: {  	vm0 =	veq.s32 v0, v2  }
0x40: {  	v0 =	vnsel vm0, $0x0, v1  }
0x41: {  	(xrf2) =	vadd.scan.msk.f32 $0xffff, v0;
	_ =	sdelay $0x7  }
0x42: {  	s10 =	simm.s32 $0xF0  }
0x43: {  	v3 =	vld [tilespmem:s10+$0x4800]  }
0x44: {  	v0, _, _ =	vpop (xrf2)  }
0x45: {  	s21 =	simm.s32 $0xE0;
	(v2sf) =	vpush v0, $0xF  }
0x46: {  	v4 =	vld [tilespmem:s21+$0x4800]  }
0x47: {  	v1 =	vmul.u32 $0xFFFFFFFF, v2  }
0x48: {  	(xrf0) =	vadd.scan.msk.s32 $0xffff, v3  }
0x49: {  	v2 =	vadd.s32 $0xF, v1  }
0x4a: {  	v3 =	vperm.xlane v3, v2  }
0x4b: {  	(xrf0) =	vadd.scan.msk.s32 $0xffff, v4;
	_ =	sdelay $0x2  }
0x4c: {  	s22 =	simm.s32 $0xD0;
	(xrf0) =	vadd.scan.msk.s32 $0xffff, v3;
	v3, _, _ =	vpop (xrf0)  }
0x4d: {  	v5 =	vld [tilespmem:s22+$0x4800];
	(v2sf) =	vpush v3, $0xF;
	_ =	sdelay $0x1  }
0x4e: {  	s23 =	simm.s32 $0xC0;
	v6, _, _ =	vpop (xrf0)  }
0x4f: {  	v3 =	vld [tilespmem:s23+$0x4800];
	(v2sf) =	vpush v6, $0xF;
	_ =	sdelay $0x1  }
0x50: {  	v4 =	vperm.xlane v4, v2;
	(xrf0) =	vadd.scan.msk.s32 $0xffff, v5;
	v6, _, _ =	vpop (xrf0);
	s8 =	spop (v2sf)  }
0x51: {  	v6 =	vperm.xlane v6, v2;
	s8 =	scvt.f32.s32 s8  }
0x52: {  	s9 =	simm.s32 $0x0;
	(xrf0) =	vadd.scan.msk.s32 $0xffff, v4  }
0x53: {  	v4 =	vperm.xlane v5, v2;
	v5 =	vadd.s32 s9, v6;
	(xrf0) =	vadd.scan.msk.s32 $0xffff, v3;
	v0 =	vmov s8  }
0x54: {  	v1 =	vimm.s32 $0x0;
	vm0 =	vge.s32 v5, v0  }
0x55: {  	(xrf0) =	vadd.scan.msk.s32 $0xffff, v4;
	v4 =	vsel vm0, $0x1, v1  }
0x56: {  	s24 =	simm.s32 $0xB0;
	v5, _, _ =	vpop (xrf0)  }
0x57: {  	(v2sf) =	vpush v5, $0xF;
	v5 =	vld [tilespmem:s24+$0x4800]  }
0x58: {  	(xrf0) =	vadd.scan.msk.s32 $0xffff, v4;
	v4, _, _ =	vpop (xrf0)  }
0x59: {  	v6, _, _ =	vpop (xrf0)  }
0x5a: {  	s11 =	simm.s32 $0xA0;
	s25 =	spop (v2sf);
	v4 =	vperm.xlane v4, v2;
	(v2sf) =	vpush v6, $0xF  }
0x5b: {  	v7 =	vld [tilespmem:s11+$0x4800];
	s10 =	sadd.s32 $0x0, s25  }
0x5c: {  	v3 =	vperm.xlane v3, v2;
	v6, _, _ =	vpop (xrf0);
	(xrf0) =	vadd.scan.msk.s32 $0xffff, v5;
	v4 =	vadd.s32 s10, v4  }
0x5d: {  	s26 =	spop (v2sf);
	vm0 =	vge.s32 v4, v0;
	v4 =	vperm.xlane v6, v2  }
0x5e: {  	v5 =	vperm.xlane v5, v2;
	(xrf0) =	vadd.scan.msk.s32 $0xffff, v3;
	s10 =	sadd.s32 s10, s26;
	v3 =	vsel vm0, $0x1, v1  }
0x5f: {  	s12 =	simm.s32 $0x90;
	(xrf0) =	vadd.scan.msk.s32 $0xffff, v3;
	v4 =	vadd.s32 s10, v4  }
0x60: {  	v3 =	vld [tilespmem:s12+$0x4800];
	(xrf0) =	vadd.scan.msk.s32 $0xffff, v7;
	vm0 =	vge.s32 v4, v0  }
0x61: {  	v8, _, _ =	vpop (xrf0);
	(xrf0) =	vadd.scan.msk.s32 $0xffff, v5;
	v4 =	vsel vm0, $0x1, v1  }
0x62: {  	v5, _, _ =	vpop (xrf0);
	(xrf0) =	vadd.scan.msk.s32 $0xffff, v4;
	_ =	sdelay $0x1  }
0x63: {  	v4, _, _ =	vpop (xrf0)  }
0x64: {  	(v2sf) =	vpush v8, $0xF;
	(xrf0) =	vadd.scan.msk.s32 $0xffff, v3;
	v6, _, _ =	vpop (xrf0)  }
0x65: {  	s28 =	spop (v2sf);
	(v2sf) =	vpush v5, $0xF;
	v63, _, _ =	vpop (xrf0)  }
0x66: {  	(v2sf) =	vpush v6, $0xF;
	v5, _, _ =	vpop (xrf0)  }
0x67: {  	(v2sf) =	vpush v63, $0xF;
	v6, _, _ =	vpop (xrf0)  }
0x68: {  	s30 =	spop (v2sf);
	(v2sf) =	vpush v6, $0xF;
	_ =	sdelay $0x1  }
0x69: {  	v6, _, _ =	vpop (xrf0)  }
0x6a: {  	v4 =	vperm.xlane v4, v2;
	(v2sf) =	vpush v6, $0xF  }
0x6b: {  	s10 =	sadd.s32 s10, s28  }
0x6c: {  	s29 =	simm.s32 $0x80;
	v7 =	vperm.xlane v7, v2;
	v4 =	vadd.s32 s10, v4  }
0x6d: {  	v9 =	vld [tilespmem:s29+$0x4800];
	vm0 =	vge.s32 v4, v0  }
0x6e: {  	(xrf0) =	vadd.scan.msk.s32 $0xffff, v7;
	v4 =	vperm.xlane v5, v2;
	v5 =	vsel vm0, $0x1, v1  }
0x6f: {  	(xrf0) =	vadd.scan.msk.s32 $0xffff, v5  }
0x70: {  	s11 =	sadd.s32 s10, s30  }
0x71: {  	s31 =	simm.s32 $0x70;
	v7 =	vadd.s32 s11, v4  }
0x72: {  	s12 =	simm.s32 $0x180;
	v3 =	vperm.xlane v3, v2;
	v5 =	vperm.xlane v9, v2;
	(xrf0) =	vadd.scan.msk.s32 $0xffff, v9;
	v4 =	vld [tilespmem:s31+$0x4800];
	vm0 =	vge.s32 v7, v0;
	s10 =	spop (v2sf)  }
.LBB2_4:
0x73: {  	p0 =	sne.s32 s12, $0x0  }
0x74: {  	(xrf0) =	vadd.scan.msk.s32 $0xffff, v3;
	v6, _, _ =	vpop (xrf0);
	v7 =	vsel vm0, $0x1, v1;
	s9 =	sadd.s32 s9, s10;
	v3 =	vmov v5;
	s10 =	smov.u32 s12;
	s12 =	sadd.s32 $0xFFFFFFC0, s12  }
.Ltmp2:
0x75: {  	(xrf0) =	vadd.scan.msk.s32 $0xffff, v7;
	v5, _, _ =	vpop (xrf0);
	(pc) =	sbr.rel @p0 .LBB2_4-.Ltmp2, $4  }
0x76: {  	v6 =	vperm.xlane v6, v2;
	s13 =	spop (v2sf);
	(v2sf) =	vpush v5, $0xF  }
0x77: {  	s11 =	sadd.s32 s11, s13  }
0x78: {  	s10 =	sshra.s32 s10, $0x2;
	v5 =	vperm.xlane v4, v2;
	(xrf0) =	vadd.scan.msk.s32 $0xffff, v4;
	v7, _, _ =	vpop (xrf0);
	v6 =	vadd.s32 s11, v6  }
0x79: {  	v4 =	vld [tilespmem:s10+$0x4800];
	(v2sf) =	vpush v7, $0xF;
	vm0 =	vge.s32 v6, v0;
	s10 =	spop (v2sf)  }
0x7a: {  	_ =	sdelay $0x1  }
0x7b: {  	v6, _, _ =	vpop (xrf0)  }
0x7c: {  	v7, _, _ =	vpop (xrf0)  }
0x7d: {  	(v2sf) =	vpush v7, $0xF;
	v52, _, _ =	vpop (xrf0)  }
0x7e: {  	(v2sf) =	vpush v52, $0xF;
	_ =	sdelay $0x1  }
0x7f: {  	s12 =	spop (v2sf);
	v6 =	vperm.xlane v6, v2  }
0x80: {  	(xrf0) =	vadd.scan.msk.s32 $0xffff, v3;
	v3 =	vsel vm0, $0x1, v1;
	s11 =	sadd.s32 s11, s12  }
0x81: {  	(xrf0) =	vadd.scan.msk.s32 $0xffff, v3;
	v3 =	vadd.s32 s11, v6  }
0x82: {  	(xrf0) =	vadd.scan.msk.s32 $0xffff, v4;
	vm8 =	vge.s32 v3, v0;
	v3 =	vperm.xlane v4, v2  }
0x83: {  	(xrf0) =	vadd.scan.msk.s32 $0xffff, v5;
	v53 =	vsel vm8, $0x1, v1  }
0x84: {  	(xrf0) =	vadd.scan.msk.s32 $0xffff, v53  }
0x85: {  	(xrf0) =	vadd.scan.msk.s32 $0xffff, v3  }
0x86: {  	v3, _, _ =	vpop (xrf0)  }
0x87: {  	s16 =	spop (v2sf);
	v54, _, _ =	vpop (xrf0)  }
0x88: {  	s13 =	spop (v2sf);
	v55, _, _ =	vpop (xrf0)  }
0x89: {  	s14 =	spop (v2sf);
	v56, _, _ =	vpop (xrf0)  }
0x8a: {  	v3 =	vperm.xlane v3, v2;
	v57, _, _ =	vpop (xrf0);
	s15 =	spop (v2sf)  }
0x8b: {  	s11 =	sadd.s32 s11, s13;
	v6 =	vperm.xlane v56, v2;
	v8, _, _ =	vpop (xrf0);
	s17 =	spop (v2sf)  }
0x8c: {  	v3 =	vadd.s32 s11, v3;
	v2 =	vperm.xlane v8, v2;
	s11 =	sadd.s32 s11, s15;
	s18 =	spop (v2sf)  }
0x8d: {  	vm9 =	vge.s32 v3, v0;
	v6 =	vadd.s32 s11, v6;
	s11 =	sadd.s32 s11, s18  }
0x8e: {  	v3 =	vsel vm9, $0x1, v1;
	vm10 =	vge.s32 v6, v0;
	v2 =	vadd.s32 s11, v2  }
0x8f: {  	(xrf0) =	vadd.scan.msk.s32 $0xffff, v3;
	v3 =	vsel vm10, $0x1, v1;
	vm11 =	vge.s32 v2, v0  }
0x90: {  	(xrf0) =	vadd.scan.msk.s32 $0xffff, v3;
	v0 =	vsel vm11, $0x1, v1  }
0x91: {  	(xrf0) =	vadd.scan.msk.s32 $0xffff, v0;
	_ =	sdelay $0x1  }
0x92: {  	(v2sf) =	vpush v54, $0xF  }
0x93: {  	(v2sf) =	vpush v55, $0xF  }
0x94: {  	(v2sf) =	vpush v57, $0xF;
	v0, _, _ =	vpop (xrf0)  }
0x95: {  	(v2sf) =	vpush v0, $0xF;
	v0, _, _ =	vpop (xrf0)  }
0x96: {  	(v2sf) =	vpush v0, $0xF;
	v0, _, _ =	vpop (xrf0)  }
0x97: {  	(v2sf) =	vpush v0, $0xF;
	_ =	sdelay $0x7  }
0x98: {  	s9 =	sadd.s32 s9, s10  }
0x99: {  	s9 =	sadd.s32 s9, s16  }
0x9a: {  	s9 =	sadd.s32 s9, s14;
	s19 =	spop (v2sf)  }
0x9b: {  	s9 =	sadd.s32 s9, s17;
	s20 =	spop (v2sf)  }
0x9c: {  	s9 =	sadd.s32 s9, s19;
	s21 =	spop (v2sf)  }
0x9d: {  	s9 =	sadd.s32 s9, s21;
	s22 =	spop (v2sf)  }
0x9e: {  	s11 =	simm.s32 $0x4800;
	s9 =	sadd.s32 s9, s22;
	s23 =	spop (v2sf)  }
0x9f: {  	s25 =	simm.s32 $0x4810;
	v2 =	vld [tilespmem:s11+$0x0];
	s9 =	sadd.s32 s9, s23;
	s24 =	spop (v2sf)  }
0xa0: {  	v3 =	vld [tilespmem:s25+$0x0];
	s9 =	sadd.s32 s9, s24  }
0xa1: {  	s10 =	simm.s32 $0x0;
	v1 =	vlaneseq.u32;
	s9 =	sadd.s32 $0xFFFFFFFF, s9  }
0xa2: {  	s26 =	simm.s32 $0x10;
	v58 =	vor.u32 s10, v1;
	v0 =	vmov s9  }
0xa3: {  	v59 =	vor.u32 s26, v1;
	vm12 =	vgt.s32 v58, v0  }
0xa4: {  	vm13 =	vgt.s32 v59, v0;
	v2 =	vnsel vm12, $0x0, v2  }
0xa5: {  	(xrf0) =	vadd.scan.msk.s32 $0xffff, v2;
	v2 =	vnsel vm13, $0x0, v3  }
0xa6: {  	(xrf0) =	vadd.scan.msk.s32 $0xffff, v2;
	_ =	sdelay $0x3  }
0xa7: {  	s28 =	simm.s32 $0x4820  }
0xa8: {  	v2 =	vld [tilespmem:s28+$0x0];
	v61, _, _ =	vpop (xrf0)  }
0xa9: {  	(v2sf) =	vpush v61, $0xF;
	v63, _, _ =	vpop (xrf0)  }
0xaa: {  	s30 =	simm.s32 $0x20;
	(v2sf) =	vpush v63, $0xF  }
0xab: {  	v60 =	vor.u32 s30, v1  }
0xac: {  	vm14 =	vgt.s32 v60, v0  }
0xad: {  	s29 =	simm.s32 $0x4830;
	v2 =	vnsel vm14, $0x0, v2  }
0xae: {  	v3 =	vld [tilespmem:s29+$0x0];
	(xrf0) =	vadd.scan.msk.s32 $0xffff, v2;
	_ =	sdelay $0x1  }
0xaf: {  	s31 =	simm.s32 $0x30  }
0xb0: {  	v62 =	vor.u32 s31, v1  }
0xb1: {  	vm15 =	vgt.s32 v62, v0  }
0xb2: {  	s12 =	simm.s32 $0x4840;
	s11 =	simm.s32 $0x40;
	v2 =	vnsel vm15, $0x0, v3  }
.LBB2_6:
0xb3: {  	v3 =	vld [tilespmem:s12+$0x0];
	p0 =	sne.s32 s11, $0xF0;
	(xrf0) =	vadd.scan.msk.s32 $0xffff, v2;
	v2, _, _ =	vpop (xrf0);
	s13 =	smov.u32 s11;
	s11 =	sadd.s32 $0x10, s11  }
.Ltmp3:
0xb4: {  	(v2sf) =	vpush v2, $0xF;
	(pc) =	sbr.rel @p0 .LBB2_6-.Ltmp3, $4  }
0xb5: {  	_ = 	snop  }
0xb6: {  	v2 =	vor.u32 s13, v1  }
0xb7: {  	vm0 =	vgt.s32 v2, v0;
	s13 =	spop (v2sf)  }
0xb8: {  	s12 =	sadd.s32 $0x10, s12;
	v2 =	vnsel vm0, $0x0, v3;
	s10 =	sadd.s32 s10, s13  }
0xb9: {  	(xrf0) =	vadd.scan.msk.s32 $0xffff, v2;
	_ =	sdelay $0x4  }
0xba: {  	v1, _, _ =	vpop (xrf0)  }
0xbb: {  	(v2sf) =	vpush v1, $0xF;
	v1, _, _ =	vpop (xrf0)  }
0xbc: {  	(v2sf) =	vpush v1, $0xF;
	v1 =	vimm.s32 $0x0  }
0xbd: {  	[tilespmem:$0x4800] =	vst v1  }
0xbe: {  	[tilespmem:$0x4810] =	vst v1  }
0xbf: {  	[tilespmem:$0x4820] =	vst v1  }
0xc0: {  	[tilespmem:$0x4830] =	vst v1  }
0xc1: {  	[tilespmem:$0x4840] =	vst v1  }
0xc2: {  	[tilespmem:$0x4850] =	vst v1  }
0xc3: {  	[tilespmem:$0x4860] =	vst v1  }
0xc4: {  	[tilespmem:$0x4870] =	vst v1  }
0xc5: {  	[tilespmem:$0x4880] =	vst v1  }
0xc6: {  	[tilespmem:$0x4890] =	vst v1  }
0xc7: {  	[tilespmem:$0x48A0] =	vst v1  }
0xc8: {  	s11 =	spop (v2sf);
	[tilespmem:$0x48B0] =	vst v1  }
0xc9: {  	s10 =	sadd.s32 s10, s11;
	[tilespmem:$0x48C0] =	vst v1;
	s29 =	spop (v2sf)  }
0xca: {  	[tilespmem:$0x48D0] =	vst v1;
	s10 =	sadd.s32 s10, s29;
	s30 =	spop (v2sf)  }
0xcb: {  	[tilespmem:$0x48E0] =	vst v1;
	s10 =	sadd.s32 s10, s30;
	s31 =	spop (v2sf)  }
0xcc: {  	s12 =	simm.s32 $0x4800;
	s11 =	simm.s32 $0x0;
	[tilespmem:$0x48F0] =	vst v1;
	v1 =	vimm.s32 $0x1;
	s10 =	sadd.s32 s10, s31  }
.LBB2_8:
0xcd: {  	s13 =	sshra.s32 s11, $0x2  }
0xce: {  	v2 =	vld [tilespmem:s13+$0x0];
	_ =	sdelay $0x4  }
0xcf: {  	v3 =	vshra.s32 v2, $0x18  }
0xd0: {  	v2 =	vshrl.u32 v2, $0x10;
	vm0 =	veq.s32 v3, v0  }
0xd1: {  	v2 =	vand.u32 $0xFF, v2;
	_ =	sdelay $0x4  }
0xd2: {  	[tilespmem:v2+s12+$0x0] =	vst.idx.add.s32.msk vm0, v1  }
0xd3: {  	v2 =	vld [tilespmem:s13+$0x10];
	_ =	sdelay $0x4  }
0xd4: {  	v3 =	vshra.s32 v2, $0x18  }
0xd5: {  	v2 =	vshrl.u32 v2, $0x10;
	vm13 =	veq.s32 v3, v0  }
0xd6: {  	v2 =	vand.u32 $0xFF, v2;
	_ =	sdelay $0x4  }
0xd7: {  	[tilespmem:v2+s12+$0x0] =	vst.idx.add.s32.msk vm13, v1  }
0xd8: {  	v2 =	vld [tilespmem:s13+$0x20];
	_ =	sdelay $0x4  }
0xd9: {  	v3 =	vshra.s32 v2, $0x18  }
0xda: {  	v2 =	vshrl.u32 v2, $0x10;
	vm14 =	veq.s32 v3, v0  }
0xdb: {  	v2 =	vand.u32 $0xFF, v2;
	_ =	sdelay $0x4  }
0xdc: {  	[tilespmem:v2+s12+$0x0] =	vst.idx.add.s32.msk vm14, v1  }
0xdd: {  	v2 =	vld [tilespmem:s13+$0x30];
	_ =	sdelay $0x4  }
0xde: {  	v3 =	vshra.s32 v2, $0x18  }
0xdf: {  	v2 =	vshrl.u32 v2, $0x10;
	vm15 =	veq.s32 v3, v0  }
0xe0: {  	p0 =	seq.s32 s11, $0x8F00;
	v2 =	vand.u32 $0xFF, v2  }
.Ltmp4:
0xe1: {  	_ = 	snop;
	(pc) =	sbr.rel @!p0 .LBB2_8-.Ltmp4, $2  }
0xe2: {  	_ =	sdelay $0x2  }
0xe3: {  	s11 =	sadd.s32 $0x100, s11;
	[tilespmem:v2+s12+$0x0] =	vst.idx.add.s32.msk vm15, v1  }
0xe4: {  	s12 =	simm.s32 $0xF0  }
0xe5: {  	v3 =	vld [tilespmem:s12+$0x4800];
	_ =	sdelay $0x1  }
0xe6: {  	s21 =	simm.s32 $0xE0  }
0xe7: {  	v0 =	vlaneseq.u32;
	v4 =	vld [tilespmem:s21+$0x4800]  }
0xe8: {  	v1 =	vmul.u32 $0xFFFFFFFF, v0  }
0xe9: {  	(xrf0) =	vadd.scan.msk.s32 $0xffff, v3  }
0xea: {  	v2 =	vadd.s32 $0xF, v1  }
0xeb: {  	v3 =	vperm.xlane v3, v2  }
0xec: {  	(xrf0) =	vadd.scan.msk.s32 $0xffff, v4;
	_ =	sdelay $0x2  }
0xed: {  	s22 =	simm.s32 $0xD0;
	(xrf0) =	vadd.scan.msk.s32 $0xffff, v3;
	v3, _, _ =	vpop (xrf0)  }
0xee: {  	v5 =	vld [tilespmem:s22+$0x4800];
	(v2sf) =	vpush v3, $0xF;
	_ =	sdelay $0x1  }
0xef: {  	s23 =	simm.s32 $0xC0;
	v6, _, _ =	vpop (xrf0)  }
0xf0: {  	v3 =	vld [tilespmem:s23+$0x4800];
	(v2sf) =	vpush v6, $0xF;
	_ =	sdelay $0x1  }
0xf1: {  	v4 =	vperm.xlane v4, v2;
	(xrf0) =	vadd.scan.msk.s32 $0xffff, v5;
	v6, _, _ =	vpop (xrf0)  }
0xf2: {  	v6 =	vperm.xlane v6, v2  }
0xf3: {  	s10 =	ssub.s32 s8, s10;
	s11 =	simm.s32 $0x0;
	(xrf0) =	vadd.scan.msk.s32 $0xffff, v4  }
0xf4: {  	v0 =	vmov s10;
	v4 =	vperm.xlane v5, v2;
	v5 =	vadd.s32 s11, v6;
	(xrf0) =	vadd.scan.msk.s32 $0xffff, v3  }
0xf5: {  	v1 =	vimm.s32 $0x0;
	vm0 =	vge.s32 v5, v0  }
0xf6: {  	(xrf0) =	vadd.scan.msk.s32 $0xffff, v4;
	v4 =	vsel vm0, $0x1, v1  }
0xf7: {  	s24 =	simm.s32 $0xB0;
	v5, _, _ =	vpop (xrf0)  }
0xf8: {  	(v2sf) =	vpush v5, $0xF;
	v5 =	vld [tilespmem:s24+$0x4800]  }
0xf9: {  	(xrf0) =	vadd.scan.msk.s32 $0xffff, v4;
	v4, _, _ =	vpop (xrf0)  }
0xfa: {  	v6, _, _ =	vpop (xrf0)  }
0xfb: {  	s13 =	simm.s32 $0xA0;
	v4 =	vperm.xlane v4, v2;
	(v2sf) =	vpush v6, $0xF;
	s25 =	spop (v2sf)  }
0xfc: {  	v7 =	vld [tilespmem:s13+$0x4800];
	s12 =	sadd.s32 $0x0, s25  }
0xfd: {  	v3 =	vperm.xlane v3, v2;
	v6, _, _ =	vpop (xrf0);
	(xrf0) =	vadd.scan.msk.s32 $0xffff, v5;
	v4 =	vadd.s32 s12, v4  }
0xfe: {  	s26 =	spop (v2sf);
	vm0 =	vge.s32 v4, v0;
	v4 =	vperm.xlane v6, v2  }
0xff: {  	v5 =	vperm.xlane v5, v2;
	(xrf0) =	vadd.scan.msk.s32 $0xffff, v3;
	s12 =	sadd.s32 s12, s26;
	v3 =	vsel vm0, $0x1, v1  }
0x100: {  	s14 =	simm.s32 $0x90;
	(xrf0) =	vadd.scan.msk.s32 $0xffff, v3;
	v4 =	vadd.s32 s12, v4  }
0x101: {  	v3 =	vld [tilespmem:s14+$0x4800];
	(xrf0) =	vadd.scan.msk.s32 $0xffff, v7;
	vm0 =	vge.s32 v4, v0  }
0x102: {  	v8, _, _ =	vpop (xrf0);
	(xrf0) =	vadd.scan.msk.s32 $0xffff, v5;
	v4 =	vsel vm0, $0x1, v1  }
0x103: {  	v5, _, _ =	vpop (xrf0);
	(xrf0) =	vadd.scan.msk.s32 $0xffff, v4;
	_ =	sdelay $0x1  }
0x104: {  	v4, _, _ =	vpop (xrf0)  }
0x105: {  	(v2sf) =	vpush v8, $0xF;
	(xrf0) =	vadd.scan.msk.s32 $0xffff, v3;
	v6, _, _ =	vpop (xrf0)  }
0x106: {  	s28 =	spop (v2sf);
	(v2sf) =	vpush v5, $0xF;
	v63, _, _ =	vpop (xrf0)  }
0x107: {  	(v2sf) =	vpush v6, $0xF;
	v5, _, _ =	vpop (xrf0)  }
0x108: {  	(v2sf) =	vpush v63, $0xF;
	v6, _, _ =	vpop (xrf0)  }
0x109: {  	s30 =	spop (v2sf);
	(v2sf) =	vpush v6, $0xF;
	_ =	sdelay $0x1  }
0x10a: {  	v6, _, _ =	vpop (xrf0)  }
0x10b: {  	v4 =	vperm.xlane v4, v2;
	(v2sf) =	vpush v6, $0xF  }
0x10c: {  	s12 =	sadd.s32 s12, s28  }
0x10d: {  	s29 =	simm.s32 $0x80;
	v7 =	vperm.xlane v7, v2;
	v4 =	vadd.s32 s12, v4  }
0x10e: {  	v9 =	vld [tilespmem:s29+$0x4800];
	vm0 =	vge.s32 v4, v0  }
0x10f: {  	(xrf0) =	vadd.scan.msk.s32 $0xffff, v7;
	v4 =	vperm.xlane v5, v2;
	v5 =	vsel vm0, $0x1, v1  }
0x110: {  	(xrf0) =	vadd.scan.msk.s32 $0xffff, v5  }
0x111: {  	s13 =	sadd.s32 s12, s30  }
0x112: {  	s31 =	simm.s32 $0x70;
	v7 =	vadd.s32 s13, v4  }
0x113: {  	s14 =	simm.s32 $0x180;
	v3 =	vperm.xlane v3, v2;
	s12 =	spop (v2sf);
	v5 =	vperm.xlane v9, v2;
	v4 =	vld [tilespmem:s31+$0x4800];
	(xrf0) =	vadd.scan.msk.s32 $0xffff, v9;
	vm0 =	vge.s32 v7, v0  }
.LBB2_10:
0x114: {  	p0 =	sne.s32 s14, $0x0  }
0x115: {  	(xrf0) =	vadd.scan.msk.s32 $0xffff, v3;
	v6, _, _ =	vpop (xrf0);
	v7 =	vsel vm0, $0x1, v1;
	s11 =	sadd.s32 s11, s12;
	v3 =	vmov v5;
	s12 =	smov.u32 s14;
	s14 =	sadd.s32 $0xFFFFFFC0, s14  }
.Ltmp5:
0x116: {  	(xrf0) =	vadd.scan.msk.s32 $0xffff, v7;
	v5, _, _ =	vpop (xrf0);
	(pc) =	sbr.rel @p0 .LBB2_10-.Ltmp5, $4  }
0x117: {  	v6 =	vperm.xlane v6, v2;
	s15 =	spop (v2sf);
	(v2sf) =	vpush v5, $0xF  }
0x118: {  	s13 =	sadd.s32 s13, s15  }
0x119: {  	s12 =	sshra.s32 s12, $0x2;
	v5 =	vperm.xlane v4, v2;
	(xrf0) =	vadd.scan.msk.s32 $0xffff, v4;
	v7, _, _ =	vpop (xrf0);
	v6 =	vadd.s32 s13, v6  }
0x11a: {  	v4 =	vld [tilespmem:s12+$0x4800];
	(v2sf) =	vpush v7, $0xF;
	vm0 =	vge.s32 v6, v0;
	s12 =	spop (v2sf)  }
0x11b: {  	_ =	sdelay $0x1  }
0x11c: {  	v6, _, _ =	vpop (xrf0)  }
0x11d: {  	v7, _, _ =	vpop (xrf0)  }
0x11e: {  	(v2sf) =	vpush v7, $0xF;
	v52, _, _ =	vpop (xrf0)  }
0x11f: {  	(v2sf) =	vpush v52, $0xF;
	_ =	sdelay $0x1  }
0x120: {  	s14 =	spop (v2sf);
	v6 =	vperm.xlane v6, v2  }
0x121: {  	(xrf0) =	vadd.scan.msk.s32 $0xffff, v3;
	v3 =	vsel vm0, $0x1, v1;
	s13 =	sadd.s32 s13, s14  }
0x122: {  	(xrf0) =	vadd.scan.msk.s32 $0xffff, v3;
	v3 =	vadd.s32 s13, v6  }
0x123: {  	(xrf0) =	vadd.scan.msk.s32 $0xffff, v4;
	vm8 =	vge.s32 v3, v0;
	v3 =	vperm.xlane v4, v2  }
0x124: {  	(xrf0) =	vadd.scan.msk.s32 $0xffff, v5;
	v53 =	vsel vm8, $0x1, v1  }
0x125: {  	(xrf0) =	vadd.scan.msk.s32 $0xffff, v53  }
0x126: {  	(xrf0) =	vadd.scan.msk.s32 $0xffff, v3  }
0x127: {  	v3, _, _ =	vpop (xrf0)  }
0x128: {  	s30 =	spop (v2sf);
	v54, _, _ =	vpop (xrf0)  }
0x129: {  	s15 =	spop (v2sf);
	v55, _, _ =	vpop (xrf0)  }
0x12a: {  	s16 =	spop (v2sf);
	v56, _, _ =	vpop (xrf0)  }
0x12b: {  	v3 =	vperm.xlane v3, v2;
	v57, _, _ =	vpop (xrf0);
	s17 =	spop (v2sf)  }
0x12c: {  	s13 =	sadd.s32 s13, s15;
	v6 =	vperm.xlane v56, v2;
	v8, _, _ =	vpop (xrf0);
	s31 =	spop (v2sf)  }
0x12d: {  	v3 =	vadd.s32 s13, v3;
	v2 =	vperm.xlane v8, v2;
	s13 =	sadd.s32 s13, s17;
	s18 =	spop (v2sf)  }
0x12e: {  	vm9 =	vge.s32 v3, v0;
	v6 =	vadd.s32 s13, v6;
	s13 =	sadd.s32 s13, s18  }
0x12f: {  	v3 =	vsel vm9, $0x1, v1;
	vm10 =	vge.s32 v6, v0;
	v2 =	vadd.s32 s13, v2  }
0x130: {  	(xrf0) =	vadd.scan.msk.s32 $0xffff, v3;
	v3 =	vsel vm10, $0x1, v1;
	vm11 =	vge.s32 v2, v0  }
0x131: {  	(xrf0) =	vadd.scan.msk.s32 $0xffff, v3;
	v0 =	vsel vm11, $0x1, v1  }
0x132: {  	(xrf0) =	vadd.scan.msk.s32 $0xffff, v0;
	_ =	sdelay $0x1  }
0x133: {  	(v2sf) =	vpush v54, $0xF  }
0x134: {  	(v2sf) =	vpush v55, $0xF  }
0x135: {  	(v2sf) =	vpush v57, $0xF;
	v0, _, _ =	vpop (xrf0)  }
0x136: {  	(v2sf) =	vpush v0, $0xF;
	v0, _, _ =	vpop (xrf0)  }
0x137: {  	(v2sf) =	vpush v0, $0xF;
	v0, _, _ =	vpop (xrf0)  }
0x138: {  	(v2sf) =	vpush v0, $0xF;
	_ =	sdelay $0x7  }
0x139: {  	s11 =	sadd.s32 s11, s12  }
0x13a: {  	s11 =	sadd.s32 s11, s30  }
0x13b: {  	s11 =	sadd.s32 s11, s16;
	s19 =	spop (v2sf)  }
0x13c: {  	s11 =	sadd.s32 s11, s31;
	s20 =	spop (v2sf)  }
0x13d: {  	s11 =	sadd.s32 s11, s19;
	s21 =	spop (v2sf)  }
0x13e: {  	s11 =	sadd.s32 s11, s21;
	s22 =	spop (v2sf)  }
0x13f: {  	s13 =	simm.s32 $0x4800;
	s11 =	sadd.s32 s11, s22;
	s23 =	spop (v2sf)  }
0x140: {  	s25 =	simm.s32 $0x4810;
	v2 =	vld [tilespmem:s13+$0x0];
	s11 =	sadd.s32 s11, s23;
	s24 =	spop (v2sf)  }
0x141: {  	v3 =	vld [tilespmem:s25+$0x0];
	s11 =	sadd.s32 s11, s24  }
0x142: {  	s12 =	simm.s32 $0x0;
	v0 =	vlaneseq.u32;
	s11 =	sadd.s32 $0xFFFFFFFF, s11  }
0x143: {  	s26 =	simm.s32 $0x10;
	v58 =	vor.u32 s12, v0;
	v1 =	vmov s11  }
0x144: {  	v59 =	vor.u32 s26, v0;
	vm12 =	vgt.s32 v58, v1  }
0x145: {  	vm13 =	vgt.s32 v59, v1;
	v2 =	vnsel vm12, $0x0, v2  }
0x146: {  	(xrf0) =	vadd.scan.msk.s32 $0xffff, v2;
	v2 =	vnsel vm13, $0x0, v3  }
0x147: {  	(xrf0) =	vadd.scan.msk.s32 $0xffff, v2;
	_ =	sdelay $0x3  }
0x148: {  	s28 =	simm.s32 $0x4820  }
0x149: {  	v2 =	vld [tilespmem:s28+$0x0];
	v61, _, _ =	vpop (xrf0)  }
0x14a: {  	(v2sf) =	vpush v61, $0xF;
	v63, _, _ =	vpop (xrf0)  }
0x14b: {  	s30 =	simm.s32 $0x20;
	(v2sf) =	vpush v63, $0xF  }
0x14c: {  	v60 =	vor.u32 s30, v0  }
0x14d: {  	vm14 =	vgt.s32 v60, v1  }
0x14e: {  	s29 =	simm.s32 $0x4830;
	v2 =	vnsel vm14, $0x0, v2  }
0x14f: {  	v3 =	vld [tilespmem:s29+$0x0];
	(xrf0) =	vadd.scan.msk.s32 $0xffff, v2;
	_ =	sdelay $0x1  }
0x150: {  	s31 =	simm.s32 $0x30  }
0x151: {  	v62 =	vor.u32 s31, v0  }
0x152: {  	vm15 =	vgt.s32 v62, v1  }
0x153: {  	s14 =	simm.s32 $0x4840;
	s13 =	simm.s32 $0x40;
	v2 =	vnsel vm15, $0x0, v3  }
.LBB2_12:
0x154: {  	v3 =	vld [tilespmem:s14+$0x0];
	p0 =	sne.s32 s13, $0xF0;
	(xrf0) =	vadd.scan.msk.s32 $0xffff, v2;
	v2, _, _ =	vpop (xrf0);
	s15 =	smov.u32 s13;
	s13 =	sadd.s32 $0x10, s13  }
.Ltmp6:
0x155: {  	(v2sf) =	vpush v2, $0xF;
	(pc) =	sbr.rel @p0 .LBB2_12-.Ltmp6, $4  }
0x156: {  	_ = 	snop  }
0x157: {  	v2 =	vor.u32 s15, v0  }
0x158: {  	vm0 =	vgt.s32 v2, v1;
	s15 =	spop (v2sf)  }
0x159: {  	s14 =	sadd.s32 $0x10, s14;
	v2 =	vnsel vm0, $0x0, v3;
	s12 =	sadd.s32 s12, s15  }
0x15a: {  	(xrf0) =	vadd.scan.msk.s32 $0xffff, v2;
	_ =	sdelay $0x4  }
0x15b: {  	v0, _, _ =	vpop (xrf0)  }
0x15c: {  	(v2sf) =	vpush v0, $0xF;
	v0, _, _ =	vpop (xrf0)  }
0x15d: {  	(v2sf) =	vpush v0, $0xF;
	v0 =	vimm.s32 $0x0  }
0x15e: {  	[tilespmem:$0x4800] =	vst v0  }
0x15f: {  	[tilespmem:$0x4810] =	vst v0  }
0x160: {  	[tilespmem:$0x4820] =	vst v0  }
0x161: {  	[tilespmem:$0x4830] =	vst v0  }
0x162: {  	[tilespmem:$0x4840] =	vst v0  }
0x163: {  	[tilespmem:$0x4850] =	vst v0  }
0x164: {  	[tilespmem:$0x4860] =	vst v0  }
0x165: {  	[tilespmem:$0x4870] =	vst v0  }
0x166: {  	[tilespmem:$0x4880] =	vst v0  }
0x167: {  	[tilespmem:$0x4890] =	vst v0  }
0x168: {  	[tilespmem:$0x48A0] =	vst v0  }
0x169: {  	s13 =	spop (v2sf);
	[tilespmem:$0x48B0] =	vst v0  }
0x16a: {  	s12 =	sadd.s32 s12, s13;
	[tilespmem:$0x48C0] =	vst v0;
	s29 =	spop (v2sf)  }
0x16b: {  	s9 =	sshll.u32 s9, $0x8;
	[tilespmem:$0x48D0] =	vst v0;
	s12 =	sadd.s32 s12, s29;
	s30 =	spop (v2sf)  }
0x16c: {  	s9 =	sor.u32 s9, s11;
	[tilespmem:$0x48E0] =	vst v0;
	s12 =	sadd.s32 s12, s30;
	s31 =	spop (v2sf)  }
0x16d: {  	v1 =	vimm.s32 $0x1;
	s13 =	simm.s32 $0x4800;
	[tilespmem:$0x48F0] =	vst v0;
	v0 =	vmov s9;
	s11 =	sadd.s32 s12, s31;
	s12 =	simm.s32 $0x0  }
.LBB2_14:
0x16e: {  	s14 =	sshra.s32 s12, $0x2  }
0x16f: {  	v2 =	vld [tilespmem:s14+$0x0];
	_ =	sdelay $0x4  }
0x170: {  	v3 =	vshra.s32 v2, $0x10  }
0x171: {  	v2 =	vshrl.u32 v2, $0x8;
	vm0 =	veq.s32 v3, v0  }
0x172: {  	v2 =	vand.u32 $0xFF, v2;
	_ =	sdelay $0x4  }
0x173: {  	[tilespmem:v2+s13+$0x0] =	vst.idx.add.s32.msk vm0, v1  }
0x174: {  	v2 =	vld [tilespmem:s14+$0x10];
	_ =	sdelay $0x4  }
0x175: {  	v3 =	vshra.s32 v2, $0x10  }
0x176: {  	v2 =	vshrl.u32 v2, $0x8;
	vm13 =	veq.s32 v3, v0  }
0x177: {  	v2 =	vand.u32 $0xFF, v2;
	_ =	sdelay $0x4  }
0x178: {  	[tilespmem:v2+s13+$0x0] =	vst.idx.add.s32.msk vm13, v1  }
0x179: {  	v2 =	vld [tilespmem:s14+$0x20];
	_ =	sdelay $0x4  }
0x17a: {  	v3 =	vshra.s32 v2, $0x10  }
0x17b: {  	v2 =	vshrl.u32 v2, $0x8;
	vm14 =	veq.s32 v3, v0  }
0x17c: {  	v2 =	vand.u32 $0xFF, v2;
	_ =	sdelay $0x4  }
0x17d: {  	[tilespmem:v2+s13+$0x0] =	vst.idx.add.s32.msk vm14, v1  }
0x17e: {  	v2 =	vld [tilespmem:s14+$0x30];
	_ =	sdelay $0x4  }
0x17f: {  	v3 =	vshra.s32 v2, $0x10  }
0x180: {  	v2 =	vshrl.u32 v2, $0x8;
	vm15 =	veq.s32 v3, v0  }
0x181: {  	p0 =	seq.s32 s12, $0x8F00;
	v2 =	vand.u32 $0xFF, v2  }
.Ltmp7:
0x182: {  	_ = 	snop;
	(pc) =	sbr.rel @!p0 .LBB2_14-.Ltmp7, $2  }
0x183: {  	_ =	sdelay $0x2  }
0x184: {  	s12 =	sadd.s32 $0x100, s12;
	[tilespmem:v2+s13+$0x0] =	vst.idx.add.s32.msk vm15, v1  }
0x185: {  	s12 =	simm.s32 $0xF0  }
0x186: {  	v3 =	vld [tilespmem:s12+$0x4800];
	_ =	sdelay $0x1  }
0x187: {  	s21 =	simm.s32 $0xE0  }
0x188: {  	v0 =	vlaneseq.u32;
	v4 =	vld [tilespmem:s21+$0x4800]  }
0x189: {  	v1 =	vmul.u32 $0xFFFFFFFF, v0  }
0x18a: {  	(xrf0) =	vadd.scan.msk.s32 $0xffff, v3  }
0x18b: {  	v2 =	vadd.s32 $0xF, v1  }
0x18c: {  	v3 =	vperm.xlane v3, v2  }
0x18d: {  	(xrf0) =	vadd.scan.msk.s32 $0xffff, v4;
	_ =	sdelay $0x2  }
0x18e: {  	s22 =	simm.s32 $0xD0;
	(xrf0) =	vadd.scan.msk.s32 $0xffff, v3;
	v3, _, _ =	vpop (xrf0)  }
0x18f: {  	v5 =	vld [tilespmem:s22+$0x4800];
	(v2sf) =	vpush v3, $0xF;
	_ =	sdelay $0x1  }
0x190: {  	s23 =	simm.s32 $0xC0;
	v6, _, _ =	vpop (xrf0)  }
0x191: {  	v3 =	vld [tilespmem:s23+$0x4800];
	(v2sf) =	vpush v6, $0xF;
	_ =	sdelay $0x1  }
0x192: {  	v4 =	vperm.xlane v4, v2;
	(xrf0) =	vadd.scan.msk.s32 $0xffff, v5;
	v6, _, _ =	vpop (xrf0)  }
0x193: {  	v6 =	vperm.xlane v6, v2  }
0x194: {  	s10 =	ssub.s32 s10, s11;
	s11 =	simm.s32 $0x0;
	(xrf0) =	vadd.scan.msk.s32 $0xffff, v4  }
0x195: {  	v0 =	vmov s10;
	v4 =	vperm.xlane v5, v2;
	v5 =	vadd.s32 s11, v6;
	(xrf0) =	vadd.scan.msk.s32 $0xffff, v3  }
0x196: {  	v1 =	vimm.s32 $0x0;
	vm0 =	vge.s32 v5, v0  }
0x197: {  	(xrf0) =	vadd.scan.msk.s32 $0xffff, v4;
	v4 =	vsel vm0, $0x1, v1  }
0x198: {  	s24 =	simm.s32 $0xB0;
	v5, _, _ =	vpop (xrf0)  }
0x199: {  	(v2sf) =	vpush v5, $0xF;
	v5 =	vld [tilespmem:s24+$0x4800]  }
0x19a: {  	(xrf0) =	vadd.scan.msk.s32 $0xffff, v4;
	v4, _, _ =	vpop (xrf0)  }
0x19b: {  	v6, _, _ =	vpop (xrf0)  }
0x19c: {  	s13 =	simm.s32 $0xA0;
	v4 =	vperm.xlane v4, v2;
	(v2sf) =	vpush v6, $0xF;
	s25 =	spop (v2sf)  }
0x19d: {  	v7 =	vld [tilespmem:s13+$0x4800];
	s12 =	sadd.s32 $0x0, s25  }
0x19e: {  	v3 =	vperm.xlane v3, v2;
	v6, _, _ =	vpop (xrf0);
	(xrf0) =	vadd.scan.msk.s32 $0xffff, v5;
	v4 =	vadd.s32 s12, v4  }
0x19f: {  	s26 =	spop (v2sf);
	vm0 =	vge.s32 v4, v0;
	v4 =	vperm.xlane v6, v2  }
0x1a0: {  	v5 =	vperm.xlane v5, v2;
	(xrf0) =	vadd.scan.msk.s32 $0xffff, v3;
	s12 =	sadd.s32 s12, s26;
	v3 =	vsel vm0, $0x1, v1  }
0x1a1: {  	s14 =	simm.s32 $0x90;
	(xrf0) =	vadd.scan.msk.s32 $0xffff, v3;
	v4 =	vadd.s32 s12, v4  }
0x1a2: {  	v3 =	vld [tilespmem:s14+$0x4800];
	(xrf0) =	vadd.scan.msk.s32 $0xffff, v7;
	vm0 =	vge.s32 v4, v0  }
0x1a3: {  	v8, _, _ =	vpop (xrf0);
	(xrf0) =	vadd.scan.msk.s32 $0xffff, v5;
	v4 =	vsel vm0, $0x1, v1  }
0x1a4: {  	v5, _, _ =	vpop (xrf0);
	(xrf0) =	vadd.scan.msk.s32 $0xffff, v4;
	_ =	sdelay $0x1  }
0x1a5: {  	v4, _, _ =	vpop (xrf0)  }
0x1a6: {  	(v2sf) =	vpush v8, $0xF;
	(xrf0) =	vadd.scan.msk.s32 $0xffff, v3;
	v6, _, _ =	vpop (xrf0)  }
0x1a7: {  	s28 =	spop (v2sf);
	(v2sf) =	vpush v5, $0xF;
	v63, _, _ =	vpop (xrf0)  }
0x1a8: {  	(v2sf) =	vpush v6, $0xF;
	v5, _, _ =	vpop (xrf0)  }
0x1a9: {  	(v2sf) =	vpush v63, $0xF;
	v6, _, _ =	vpop (xrf0)  }
0x1aa: {  	s30 =	spop (v2sf);
	(v2sf) =	vpush v6, $0xF;
	_ =	sdelay $0x1  }
0x1ab: {  	v6, _, _ =	vpop (xrf0)  }
0x1ac: {  	v4 =	vperm.xlane v4, v2;
	(v2sf) =	vpush v6, $0xF  }
0x1ad: {  	s12 =	sadd.s32 s12, s28  }
0x1ae: {  	s29 =	simm.s32 $0x80;
	v7 =	vperm.xlane v7, v2;
	v4 =	vadd.s32 s12, v4  }
0x1af: {  	v9 =	vld [tilespmem:s29+$0x4800];
	vm0 =	vge.s32 v4, v0  }
0x1b0: {  	(xrf0) =	vadd.scan.msk.s32 $0xffff, v7;
	v4 =	vperm.xlane v5, v2;
	v5 =	vsel vm0, $0x1, v1  }
0x1b1: {  	(xrf0) =	vadd.scan.msk.s32 $0xffff, v5  }
0x1b2: {  	s13 =	sadd.s32 s12, s30  }
0x1b3: {  	s31 =	simm.s32 $0x70;
	v7 =	vadd.s32 s13, v4  }
0x1b4: {  	s14 =	simm.s32 $0x180;
	v3 =	vperm.xlane v3, v2;
	s12 =	spop (v2sf);
	v5 =	vperm.xlane v9, v2;
	v4 =	vld [tilespmem:s31+$0x4800];
	(xrf0) =	vadd.scan.msk.s32 $0xffff, v9;
	vm0 =	vge.s32 v7, v0  }
.LBB2_16:
0x1b5: {  	p0 =	sne.s32 s14, $0x0  }
0x1b6: {  	(xrf0) =	vadd.scan.msk.s32 $0xffff, v3;
	v6, _, _ =	vpop (xrf0);
	v7 =	vsel vm0, $0x1, v1;
	s11 =	sadd.s32 s11, s12;
	v3 =	vmov v5;
	s12 =	smov.u32 s14;
	s14 =	sadd.s32 $0xFFFFFFC0, s14  }
.Ltmp8:
0x1b7: {  	(xrf0) =	vadd.scan.msk.s32 $0xffff, v7;
	v5, _, _ =	vpop (xrf0);
	(pc) =	sbr.rel @p0 .LBB2_16-.Ltmp8, $4  }
0x1b8: {  	v6 =	vperm.xlane v6, v2;
	s15 =	spop (v2sf);
	(v2sf) =	vpush v5, $0xF  }
0x1b9: {  	s13 =	sadd.s32 s13, s15  }
0x1ba: {  	s12 =	sshra.s32 s12, $0x2;
	v5 =	vperm.xlane v4, v2;
	(xrf0) =	vadd.scan.msk.s32 $0xffff, v4;
	v7, _, _ =	vpop (xrf0);
	v6 =	vadd.s32 s13, v6  }
0x1bb: {  	v4 =	vld [tilespmem:s12+$0x4800];
	(v2sf) =	vpush v7, $0xF;
	vm0 =	vge.s32 v6, v0;
	s12 =	spop (v2sf)  }
0x1bc: {  	_ =	sdelay $0x1  }
0x1bd: {  	v6, _, _ =	vpop (xrf0)  }
0x1be: {  	v7, _, _ =	vpop (xrf0)  }
0x1bf: {  	(v2sf) =	vpush v7, $0xF;
	v52, _, _ =	vpop (xrf0)  }
0x1c0: {  	(v2sf) =	vpush v52, $0xF;
	_ =	sdelay $0x1  }
0x1c1: {  	s14 =	spop (v2sf);
	v6 =	vperm.xlane v6, v2  }
0x1c2: {  	(xrf0) =	vadd.scan.msk.s32 $0xffff, v3;
	v3 =	vsel vm0, $0x1, v1;
	s13 =	sadd.s32 s13, s14  }
0x1c3: {  	(xrf0) =	vadd.scan.msk.s32 $0xffff, v3;
	v3 =	vadd.s32 s13, v6  }
0x1c4: {  	(xrf0) =	vadd.scan.msk.s32 $0xffff, v4;
	vm8 =	vge.s32 v3, v0;
	v3 =	vperm.xlane v4, v2  }
0x1c5: {  	(xrf0) =	vadd.scan.msk.s32 $0xffff, v5;
	v53 =	vsel vm8, $0x1, v1  }
0x1c6: {  	(xrf0) =	vadd.scan.msk.s32 $0xffff, v53  }
0x1c7: {  	(xrf0) =	vadd.scan.msk.s32 $0xffff, v3  }
0x1c8: {  	v3, _, _ =	vpop (xrf0)  }
0x1c9: {  	s30 =	spop (v2sf);
	v54, _, _ =	vpop (xrf0)  }
0x1ca: {  	s15 =	spop (v2sf);
	v55, _, _ =	vpop (xrf0)  }
0x1cb: {  	s16 =	spop (v2sf);
	v56, _, _ =	vpop (xrf0)  }
0x1cc: {  	v3 =	vperm.xlane v3, v2;
	v57, _, _ =	vpop (xrf0);
	s17 =	spop (v2sf)  }
0x1cd: {  	s13 =	sadd.s32 s13, s15;
	v6 =	vperm.xlane v56, v2;
	v8, _, _ =	vpop (xrf0);
	s31 =	spop (v2sf)  }
0x1ce: {  	v3 =	vadd.s32 s13, v3;
	v2 =	vperm.xlane v8, v2;
	s13 =	sadd.s32 s13, s17;
	s18 =	spop (v2sf)  }
0x1cf: {  	vm9 =	vge.s32 v3, v0;
	v6 =	vadd.s32 s13, v6;
	s13 =	sadd.s32 s13, s18  }
0x1d0: {  	v3 =	vsel vm9, $0x1, v1;
	vm10 =	vge.s32 v6, v0;
	v2 =	vadd.s32 s13, v2  }
0x1d1: {  	(xrf0) =	vadd.scan.msk.s32 $0xffff, v3;
	v3 =	vsel vm10, $0x1, v1;
	vm11 =	vge.s32 v2, v0  }
0x1d2: {  	(xrf0) =	vadd.scan.msk.s32 $0xffff, v3;
	v0 =	vsel vm11, $0x1, v1  }
0x1d3: {  	(xrf0) =	vadd.scan.msk.s32 $0xffff, v0;
	_ =	sdelay $0x1  }
0x1d4: {  	(v2sf) =	vpush v54, $0xF  }
0x1d5: {  	(v2sf) =	vpush v55, $0xF  }
0x1d6: {  	(v2sf) =	vpush v57, $0xF;
	v0, _, _ =	vpop (xrf0)  }
0x1d7: {  	(v2sf) =	vpush v0, $0xF;
	v0, _, _ =	vpop (xrf0)  }
0x1d8: {  	(v2sf) =	vpush v0, $0xF;
	v0, _, _ =	vpop (xrf0)  }
0x1d9: {  	(v2sf) =	vpush v0, $0xF;
	_ =	sdelay $0x7  }
0x1da: {  	s11 =	sadd.s32 s11, s12  }
0x1db: {  	s11 =	sadd.s32 s11, s30  }
0x1dc: {  	s11 =	sadd.s32 s11, s16;
	s19 =	spop (v2sf)  }
0x1dd: {  	s11 =	sadd.s32 s11, s31;
	s20 =	spop (v2sf)  }
0x1de: {  	s11 =	sadd.s32 s11, s19;
	s21 =	spop (v2sf)  }
0x1df: {  	s11 =	sadd.s32 s11, s21;
	s22 =	spop (v2sf)  }
0x1e0: {  	s13 =	simm.s32 $0x4800;
	s11 =	sadd.s32 s11, s22;
	s23 =	spop (v2sf)  }
0x1e1: {  	s25 =	simm.s32 $0x4810;
	v2 =	vld [tilespmem:s13+$0x0];
	s11 =	sadd.s32 s11, s23;
	s24 =	spop (v2sf)  }
0x1e2: {  	v3 =	vld [tilespmem:s25+$0x0];
	s11 =	sadd.s32 s11, s24  }
0x1e3: {  	s12 =	simm.s32 $0x0;
	v0 =	vlaneseq.u32;
	s11 =	sadd.s32 $0xFFFFFFFF, s11  }
0x1e4: {  	s26 =	simm.s32 $0x10;
	v58 =	vor.u32 s12, v0;
	v1 =	vmov s11  }
0x1e5: {  	v59 =	vor.u32 s26, v0;
	vm12 =	vgt.s32 v58, v1  }
0x1e6: {  	vm13 =	vgt.s32 v59, v1;
	v2 =	vnsel vm12, $0x0, v2  }
0x1e7: {  	(xrf0) =	vadd.scan.msk.s32 $0xffff, v2;
	v2 =	vnsel vm13, $0x0, v3  }
0x1e8: {  	(xrf0) =	vadd.scan.msk.s32 $0xffff, v2;
	_ =	sdelay $0x3  }
0x1e9: {  	s28 =	simm.s32 $0x4820  }
0x1ea: {  	v2 =	vld [tilespmem:s28+$0x0];
	v61, _, _ =	vpop (xrf0)  }
0x1eb: {  	(v2sf) =	vpush v61, $0xF;
	v63, _, _ =	vpop (xrf0)  }
0x1ec: {  	s30 =	simm.s32 $0x20;
	(v2sf) =	vpush v63, $0xF  }
0x1ed: {  	v60 =	vor.u32 s30, v0  }
0x1ee: {  	vm14 =	vgt.s32 v60, v1  }
0x1ef: {  	s29 =	simm.s32 $0x4830;
	v2 =	vnsel vm14, $0x0, v2  }
0x1f0: {  	v3 =	vld [tilespmem:s29+$0x0];
	(xrf0) =	vadd.scan.msk.s32 $0xffff, v2;
	_ =	sdelay $0x1  }
0x1f1: {  	s31 =	simm.s32 $0x30  }
0x1f2: {  	v62 =	vor.u32 s31, v0  }
0x1f3: {  	vm15 =	vgt.s32 v62, v1  }
0x1f4: {  	s14 =	simm.s32 $0x4840;
	s13 =	simm.s32 $0x40;
	v2 =	vnsel vm15, $0x0, v3  }
.LBB2_18:
0x1f5: {  	v3 =	vld [tilespmem:s14+$0x0];
	p0 =	sne.s32 s13, $0xF0;
	(xrf0) =	vadd.scan.msk.s32 $0xffff, v2;
	v2, _, _ =	vpop (xrf0);
	s15 =	smov.u32 s13;
	s13 =	sadd.s32 $0x10, s13  }
.Ltmp9:
0x1f6: {  	(v2sf) =	vpush v2, $0xF;
	(pc) =	sbr.rel @p0 .LBB2_18-.Ltmp9, $4  }
0x1f7: {  	_ = 	snop  }
0x1f8: {  	v2 =	vor.u32 s15, v0  }
0x1f9: {  	vm0 =	vgt.s32 v2, v1;
	s15 =	spop (v2sf)  }
0x1fa: {  	s14 =	sadd.s32 $0x10, s14;
	v2 =	vnsel vm0, $0x0, v3;
	s12 =	sadd.s32 s12, s15  }
0x1fb: {  	(xrf0) =	vadd.scan.msk.s32 $0xffff, v2;
	_ =	sdelay $0x4  }
0x1fc: {  	v0, _, _ =	vpop (xrf0)  }
0x1fd: {  	(v2sf) =	vpush v0, $0xF;
	v0, _, _ =	vpop (xrf0)  }
0x1fe: {  	(v2sf) =	vpush v0, $0xF;
	v0 =	vimm.s32 $0x0  }
0x1ff: {  	[tilespmem:$0x4800] =	vst v0  }
0x200: {  	[tilespmem:$0x4810] =	vst v0  }
0x201: {  	[tilespmem:$0x4820] =	vst v0  }
0x202: {  	[tilespmem:$0x4830] =	vst v0  }
0x203: {  	[tilespmem:$0x4840] =	vst v0  }
0x204: {  	[tilespmem:$0x4850] =	vst v0  }
0x205: {  	[tilespmem:$0x4860] =	vst v0  }
0x206: {  	[tilespmem:$0x4870] =	vst v0  }
0x207: {  	[tilespmem:$0x4880] =	vst v0  }
0x208: {  	[tilespmem:$0x4890] =	vst v0  }
0x209: {  	[tilespmem:$0x48A0] =	vst v0  }
0x20a: {  	s13 =	spop (v2sf);
	[tilespmem:$0x48B0] =	vst v0  }
0x20b: {  	s12 =	sadd.s32 s12, s13;
	[tilespmem:$0x48C0] =	vst v0;
	s29 =	spop (v2sf)  }
0x20c: {  	s9 =	sshll.u32 s9, $0x8;
	[tilespmem:$0x48D0] =	vst v0;
	s12 =	sadd.s32 s12, s29;
	s30 =	spop (v2sf)  }
0x20d: {  	s11 =	sor.u32 s9, s11;
	[tilespmem:$0x48E0] =	vst v0;
	s12 =	sadd.s32 s12, s30;
	s31 =	spop (v2sf)  }
0x20e: {  	v1 =	vimm.s32 $0x1;
	s13 =	simm.s32 $0x4800;
	[tilespmem:$0x48F0] =	vst v0;
	v0 =	vmov s11;
	s9 =	sadd.s32 s12, s31;
	s12 =	simm.s32 $0x0  }
.LBB2_20:
0x20f: {  	s14 =	sshra.s32 s12, $0x2  }
0x210: {  	v2 =	vld [tilespmem:s14+$0x0];
	_ =	sdelay $0x4  }
0x211: {  	v3 =	vshra.s32 v2, $0x8  }
0x212: {  	vm0 =	veq.s32 v3, v0  }
0x213: {  	v2 =	vand.u32 $0xFF, v2;
	_ =	sdelay $0x4  }
0x214: {  	[tilespmem:v2+s13+$0x0] =	vst.idx.add.s32.msk vm0, v1  }
0x215: {  	v2 =	vld [tilespmem:s14+$0x10];
	_ =	sdelay $0x4  }
0x216: {  	v3 =	vshra.s32 v2, $0x8  }
0x217: {  	vm13 =	veq.s32 v3, v0  }
0x218: {  	v2 =	vand.u32 $0xFF, v2;
	_ =	sdelay $0x4  }
0x219: {  	[tilespmem:v2+s13+$0x0] =	vst.idx.add.s32.msk vm13, v1  }
0x21a: {  	v2 =	vld [tilespmem:s14+$0x20];
	_ =	sdelay $0x4  }
0x21b: {  	v3 =	vshra.s32 v2, $0x8  }
0x21c: {  	vm14 =	veq.s32 v3, v0  }
0x21d: {  	v2 =	vand.u32 $0xFF, v2;
	_ =	sdelay $0x4  }
0x21e: {  	[tilespmem:v2+s13+$0x0] =	vst.idx.add.s32.msk vm14, v1  }
0x21f: {  	v2 =	vld [tilespmem:s14+$0x30];
	_ =	sdelay $0x4  }
0x220: {  	v3 =	vshra.s32 v2, $0x8  }
0x221: {  	vm15 =	veq.s32 v3, v0  }
0x222: {  	p0 =	seq.s32 s12, $0x8F00;
	v2 =	vand.u32 $0xFF, v2  }
.Ltmp10:
0x223: {  	_ = 	snop;
	(pc) =	sbr.rel @!p0 .LBB2_20-.Ltmp10, $2  }
0x224: {  	_ =	sdelay $0x2  }
0x225: {  	s12 =	sadd.s32 $0x100, s12;
	[tilespmem:v2+s13+$0x0] =	vst.idx.add.s32.msk vm15, v1  }
0x226: {  	s12 =	simm.s32 $0xF0  }
0x227: {  	v3 =	vld [tilespmem:s12+$0x4800];
	_ =	sdelay $0x1  }
0x228: {  	s21 =	simm.s32 $0xE0  }
0x229: {  	v0 =	vlaneseq.u32;
	v4 =	vld [tilespmem:s21+$0x4800]  }
0x22a: {  	v1 =	vmul.u32 $0xFFFFFFFF, v0  }
0x22b: {  	(xrf0) =	vadd.scan.msk.s32 $0xffff, v3  }
0x22c: {  	v2 =	vadd.s32 $0xF, v1  }
0x22d: {  	v3 =	vperm.xlane v3, v2  }
0x22e: {  	(xrf0) =	vadd.scan.msk.s32 $0xffff, v4;
	_ =	sdelay $0x2  }
0x22f: {  	s22 =	simm.s32 $0xD0;
	(xrf0) =	vadd.scan.msk.s32 $0xffff, v3;
	v3, _, _ =	vpop (xrf0)  }
0x230: {  	v5 =	vld [tilespmem:s22+$0x4800];
	(v2sf) =	vpush v3, $0xF;
	_ =	sdelay $0x1  }
0x231: {  	s23 =	simm.s32 $0xC0;
	v6, _, _ =	vpop (xrf0)  }
0x232: {  	v3 =	vld [tilespmem:s23+$0x4800];
	(v2sf) =	vpush v6, $0xF;
	_ =	sdelay $0x1  }
0x233: {  	v4 =	vperm.xlane v4, v2;
	(xrf0) =	vadd.scan.msk.s32 $0xffff, v5;
	v6, _, _ =	vpop (xrf0)  }
0x234: {  	v6 =	vperm.xlane v6, v2  }
0x235: {  	s9 =	ssub.s32 s10, s9;
	s10 =	simm.s32 $0x0;
	(xrf0) =	vadd.scan.msk.s32 $0xffff, v4  }
0x236: {  	v0 =	vmov s9;
	v4 =	vperm.xlane v5, v2;
	v5 =	vadd.s32 s10, v6;
	(xrf0) =	vadd.scan.msk.s32 $0xffff, v3  }
0x237: {  	v1 =	vimm.s32 $0x0;
	vm0 =	vge.s32 v5, v0  }
0x238: {  	(xrf0) =	vadd.scan.msk.s32 $0xffff, v4;
	v4 =	vsel vm0, $0x1, v1  }
0x239: {  	s24 =	simm.s32 $0xB0;
	v5, _, _ =	vpop (xrf0)  }
0x23a: {  	(v2sf) =	vpush v5, $0xF;
	v5 =	vld [tilespmem:s24+$0x4800]  }
0x23b: {  	(xrf0) =	vadd.scan.msk.s32 $0xffff, v4;
	v4, _, _ =	vpop (xrf0)  }
0x23c: {  	v6, _, _ =	vpop (xrf0)  }
0x23d: {  	s13 =	simm.s32 $0xA0;
	v4 =	vperm.xlane v4, v2;
	(v2sf) =	vpush v6, $0xF;
	s25 =	spop (v2sf)  }
0x23e: {  	v7 =	vld [tilespmem:s13+$0x4800];
	s12 =	sadd.s32 $0x0, s25  }
0x23f: {  	v3 =	vperm.xlane v3, v2;
	v6, _, _ =	vpop (xrf0);
	(xrf0) =	vadd.scan.msk.s32 $0xffff, v5;
	v4 =	vadd.s32 s12, v4  }
0x240: {  	s26 =	spop (v2sf);
	vm0 =	vge.s32 v4, v0;
	v4 =	vperm.xlane v6, v2  }
0x241: {  	v5 =	vperm.xlane v5, v2;
	(xrf0) =	vadd.scan.msk.s32 $0xffff, v3;
	s12 =	sadd.s32 s12, s26;
	v3 =	vsel vm0, $0x1, v1  }
0x242: {  	s14 =	simm.s32 $0x90;
	(xrf0) =	vadd.scan.msk.s32 $0xffff, v3;
	v4 =	vadd.s32 s12, v4  }
0x243: {  	v3 =	vld [tilespmem:s14+$0x4800];
	(xrf0) =	vadd.scan.msk.s32 $0xffff, v7;
	vm0 =	vge.s32 v4, v0  }
0x244: {  	v8, _, _ =	vpop (xrf0);
	(xrf0) =	vadd.scan.msk.s32 $0xffff, v5;
	v4 =	vsel vm0, $0x1, v1  }
0x245: {  	v5, _, _ =	vpop (xrf0);
	(xrf0) =	vadd.scan.msk.s32 $0xffff, v4;
	_ =	sdelay $0x1  }
0x246: {  	v4, _, _ =	vpop (xrf0)  }
0x247: {  	(v2sf) =	vpush v8, $0xF;
	(xrf0) =	vadd.scan.msk.s32 $0xffff, v3;
	v6, _, _ =	vpop (xrf0)  }
0x248: {  	s28 =	spop (v2sf);
	(v2sf) =	vpush v5, $0xF;
	v63, _, _ =	vpop (xrf0)  }
0x249: {  	(v2sf) =	vpush v6, $0xF;
	v5, _, _ =	vpop (xrf0)  }
0x24a: {  	(v2sf) =	vpush v63, $0xF;
	v6, _, _ =	vpop (xrf0)  }
0x24b: {  	s30 =	spop (v2sf);
	(v2sf) =	vpush v6, $0xF;
	_ =	sdelay $0x1  }
0x24c: {  	v6, _, _ =	vpop (xrf0)  }
0x24d: {  	v4 =	vperm.xlane v4, v2;
	(v2sf) =	vpush v6, $0xF  }
0x24e: {  	s12 =	sadd.s32 s12, s28  }
0x24f: {  	s29 =	simm.s32 $0x80;
	v7 =	vperm.xlane v7, v2;
	v4 =	vadd.s32 s12, v4  }
0x250: {  	v9 =	vld [tilespmem:s29+$0x4800];
	vm0 =	vge.s32 v4, v0  }
0x251: {  	(xrf0) =	vadd.scan.msk.s32 $0xffff, v7;
	v4 =	vperm.xlane v5, v2;
	v5 =	vsel vm0, $0x1, v1  }
0x252: {  	(xrf0) =	vadd.scan.msk.s32 $0xffff, v5  }
0x253: {  	s13 =	sadd.s32 s12, s30  }
0x254: {  	s31 =	simm.s32 $0x70;
	v7 =	vadd.s32 s13, v4  }
0x255: {  	s14 =	simm.s32 $0x180;
	v3 =	vperm.xlane v3, v2;
	s12 =	spop (v2sf);
	v5 =	vperm.xlane v9, v2;
	v4 =	vld [tilespmem:s31+$0x4800];
	(xrf0) =	vadd.scan.msk.s32 $0xffff, v9;
	vm0 =	vge.s32 v7, v0  }
.LBB2_22:
0x256: {  	p0 =	sne.s32 s14, $0x0  }
0x257: {  	(xrf0) =	vadd.scan.msk.s32 $0xffff, v3;
	v6, _, _ =	vpop (xrf0);
	v7 =	vsel vm0, $0x1, v1;
	s10 =	sadd.s32 s10, s12;
	v3 =	vmov v5;
	s12 =	smov.u32 s14;
	s14 =	sadd.s32 $0xFFFFFFC0, s14  }
.Ltmp11:
0x258: {  	(xrf0) =	vadd.scan.msk.s32 $0xffff, v7;
	v5, _, _ =	vpop (xrf0);
	(pc) =	sbr.rel @p0 .LBB2_22-.Ltmp11, $4  }
0x259: {  	v6 =	vperm.xlane v6, v2;
	s15 =	spop (v2sf);
	(v2sf) =	vpush v5, $0xF  }
0x25a: {  	s13 =	sadd.s32 s13, s15  }
0x25b: {  	s12 =	sshra.s32 s12, $0x2;
	v5 =	vperm.xlane v4, v2;
	(xrf0) =	vadd.scan.msk.s32 $0xffff, v4;
	v7, _, _ =	vpop (xrf0);
	v6 =	vadd.s32 s13, v6  }
0x25c: {  	v4 =	vld [tilespmem:s12+$0x4800];
	(v2sf) =	vpush v7, $0xF;
	vm0 =	vge.s32 v6, v0;
	s12 =	spop (v2sf)  }
0x25d: {  	_ =	sdelay $0x1  }
0x25e: {  	v6, _, _ =	vpop (xrf0)  }
0x25f: {  	v7, _, _ =	vpop (xrf0)  }
0x260: {  	(v2sf) =	vpush v7, $0xF;
	v52, _, _ =	vpop (xrf0)  }
0x261: {  	(v2sf) =	vpush v52, $0xF;
	_ =	sdelay $0x1  }
0x262: {  	s14 =	spop (v2sf);
	v6 =	vperm.xlane v6, v2  }
0x263: {  	(xrf0) =	vadd.scan.msk.s32 $0xffff, v3;
	v3 =	vsel vm0, $0x1, v1;
	s13 =	sadd.s32 s13, s14  }
0x264: {  	(xrf0) =	vadd.scan.msk.s32 $0xffff, v3;
	v3 =	vadd.s32 s13, v6  }
0x265: {  	(xrf0) =	vadd.scan.msk.s32 $0xffff, v4;
	vm8 =	vge.s32 v3, v0;
	v3 =	vperm.xlane v4, v2  }
0x266: {  	(xrf0) =	vadd.scan.msk.s32 $0xffff, v5;
	v53 =	vsel vm8, $0x1, v1  }
0x267: {  	(xrf0) =	vadd.scan.msk.s32 $0xffff, v53  }
0x268: {  	(xrf0) =	vadd.scan.msk.s32 $0xffff, v3  }
0x269: {  	v3, _, _ =	vpop (xrf0)  }
0x26a: {  	s30 =	spop (v2sf);
	v54, _, _ =	vpop (xrf0)  }
0x26b: {  	s15 =	spop (v2sf);
	v55, _, _ =	vpop (xrf0)  }
0x26c: {  	s16 =	spop (v2sf);
	v56, _, _ =	vpop (xrf0)  }
0x26d: {  	v3 =	vperm.xlane v3, v2;
	v57, _, _ =	vpop (xrf0);
	s17 =	spop (v2sf)  }
0x26e: {  	s13 =	sadd.s32 s13, s15;
	v6 =	vperm.xlane v56, v2;
	v8, _, _ =	vpop (xrf0);
	s31 =	spop (v2sf)  }
0x26f: {  	v3 =	vadd.s32 s13, v3;
	v2 =	vperm.xlane v8, v2;
	s13 =	sadd.s32 s13, s17;
	s18 =	spop (v2sf)  }
0x270: {  	vm9 =	vge.s32 v3, v0;
	v6 =	vadd.s32 s13, v6;
	s13 =	sadd.s32 s13, s18  }
0x271: {  	v3 =	vsel vm9, $0x1, v1;
	vm10 =	vge.s32 v6, v0;
	v2 =	vadd.s32 s13, v2  }
0x272: {  	(xrf0) =	vadd.scan.msk.s32 $0xffff, v3;
	v3 =	vsel vm10, $0x1, v1;
	vm11 =	vge.s32 v2, v0  }
0x273: {  	(xrf0) =	vadd.scan.msk.s32 $0xffff, v3;
	v0 =	vsel vm11, $0x1, v1  }
0x274: {  	(xrf0) =	vadd.scan.msk.s32 $0xffff, v0;
	_ =	sdelay $0x1  }
0x275: {  	(v2sf) =	vpush v54, $0xF  }
0x276: {  	(v2sf) =	vpush v55, $0xF  }
0x277: {  	(v2sf) =	vpush v57, $0xF;
	v0, _, _ =	vpop (xrf0)  }
0x278: {  	(v2sf) =	vpush v0, $0xF;
	v0, _, _ =	vpop (xrf0)  }
0x279: {  	(v2sf) =	vpush v0, $0xF;
	v0, _, _ =	vpop (xrf0)  }
0x27a: {  	(v2sf) =	vpush v0, $0xF;
	_ =	sdelay $0x7  }
0x27b: {  	s10 =	sadd.s32 s10, s12  }
0x27c: {  	s10 =	sadd.s32 s10, s30  }
0x27d: {  	s10 =	sadd.s32 s10, s16;
	s19 =	spop (v2sf)  }
0x27e: {  	s10 =	sadd.s32 s10, s31;
	s20 =	spop (v2sf)  }
0x27f: {  	s10 =	sadd.s32 s10, s19;
	s21 =	spop (v2sf)  }
0x280: {  	s10 =	sadd.s32 s10, s21;
	s22 =	spop (v2sf)  }
0x281: {  	s13 =	simm.s32 $0x4800;
	s10 =	sadd.s32 s10, s22;
	s23 =	spop (v2sf)  }
0x282: {  	s25 =	simm.s32 $0x4810;
	v2 =	vld [tilespmem:s13+$0x0];
	s10 =	sadd.s32 s10, s23;
	s24 =	spop (v2sf)  }
0x283: {  	v3 =	vld [tilespmem:s25+$0x0];
	s10 =	sadd.s32 s10, s24  }
0x284: {  	v0 =	vlaneseq.u32;
	s13 =	sadd.s32 $0xFFFFFFFF, s10;
	s10 =	simm.s32 $0x0  }
0x285: {  	s26 =	simm.s32 $0x10;
	v1 =	vmov s13;
	v58 =	vor.u32 s10, v0  }
0x286: {  	v59 =	vor.u32 s26, v0;
	vm12 =	vgt.s32 v58, v1  }
0x287: {  	vm13 =	vgt.s32 v59, v1;
	v2 =	vnsel vm12, $0x0, v2  }
0x288: {  	(xrf0) =	vadd.scan.msk.s32 $0xffff, v2;
	v2 =	vnsel vm13, $0x0, v3  }
0x289: {  	(xrf0) =	vadd.scan.msk.s32 $0xffff, v2;
	_ =	sdelay $0x3  }
0x28a: {  	s28 =	simm.s32 $0x4820  }
0x28b: {  	v2 =	vld [tilespmem:s28+$0x0];
	v61, _, _ =	vpop (xrf0)  }
0x28c: {  	(v2sf) =	vpush v61, $0xF;
	v63, _, _ =	vpop (xrf0)  }
0x28d: {  	s30 =	simm.s32 $0x20;
	(v2sf) =	vpush v63, $0xF  }
0x28e: {  	v60 =	vor.u32 s30, v0  }
0x28f: {  	vm14 =	vgt.s32 v60, v1  }
0x290: {  	s29 =	simm.s32 $0x4830;
	v2 =	vnsel vm14, $0x0, v2  }
0x291: {  	v3 =	vld [tilespmem:s29+$0x0];
	(xrf0) =	vadd.scan.msk.s32 $0xffff, v2;
	_ =	sdelay $0x1  }
0x292: {  	s31 =	simm.s32 $0x30  }
0x293: {  	v62 =	vor.u32 s31, v0  }
0x294: {  	vm15 =	vgt.s32 v62, v1  }
0x295: {  	s12 =	simm.s32 $0x40;
	s14 =	simm.s32 $0x4840;
	v2 =	vnsel vm15, $0x0, v3  }
.LBB2_24:
0x296: {  	v3 =	vld [tilespmem:s14+$0x0];
	p0 =	sne.s32 s12, $0xF0;
	(xrf0) =	vadd.scan.msk.s32 $0xffff, v2;
	v2, _, _ =	vpop (xrf0);
	s15 =	smov.u32 s12;
	s12 =	sadd.s32 $0x10, s12  }
.Ltmp12:
0x297: {  	(v2sf) =	vpush v2, $0xF;
	(pc) =	sbr.rel @p0 .LBB2_24-.Ltmp12, $4  }
0x298: {  	_ = 	snop  }
0x299: {  	v2 =	vor.u32 s15, v0  }
0x29a: {  	vm0 =	vgt.s32 v2, v1;
	s15 =	spop (v2sf)  }
0x29b: {  	s14 =	sadd.s32 $0x10, s14;
	v2 =	vnsel vm0, $0x0, v3;
	s10 =	sadd.s32 s10, s15  }
0x29c: {  	(xrf0) =	vadd.scan.msk.s32 $0xffff, v2;
	_ =	sdelay $0x1  }
0x29d: {  	s12 =	simm.s32 $0x0  }
0x29e: {  	v11 =	vld [tilespmem:s12+$0x0]  }
0x29f: {  	s11 =	sshll.u32 s11, $0x8  }
0x2a0: {  	v0, _, _ =	vpop (xrf0);
	p0 =	sgt.s32 s8, $0x0;
	s11 =	sor.u32 s11, s13  }
0x2a1: {  	(v2sf) =	vpush v0, $0xF;
	s11 =	simm.s32 @!p0 $0x7F800000;
	v0, _, _ =	vpop (xrf0)  }
0x2a2: {  	(v2sf) =	vpush v0, $0xF;
	v0 =	vmov s11  }
0x2a3: {  	v2 =	vimm.s32 $0x0;
	vm0 =	veq.s32 v11, v0  }
0x2a4: {  	v1 =	vsel vm0, $0x1, v2  }
0x2a5: {  	(xrf0) =	vadd.scan.msk.s32 $0xffff, v1  }
0x2a6: {  	v10 =	vld [tilespmem:s12+$0x10];
	_ =	sdelay $0x3  }
0x2a7: {  	s11 =	simm.s32 $0x20  }
0x2a8: {  	vm1 =	veq.s32 v10, v0;
	v7 =	vld [tilespmem:s11+$0x0];
	v8, _, _ =	vpop (xrf0)  }
0x2a9: {  	v6 =	vld [tilespmem:s11+$0x10];
	v1 =	vsel vm1, $0x1, v2;
	(v2sf) =	vpush v8, $0xF  }
0x2aa: {  	(xrf0) =	vadd.scan.msk.s32 $0xffff, v1;
	_ =	sdelay $0x2  }
0x2ab: {  	s24 =	spop (v2sf);
	vm2 =	veq.s32 v7, v0  }
0x2ac: {  	s8 =	sadd.s32 s10, s24;
	s10 =	simm.s32 $0x40;
	vm3 =	veq.s32 v6, v0;
	v1 =	vsel vm2, $0x1, v2  }
0x2ad: {  	v3 =	vld [tilespmem:s10+$0x0];
	v4 =	vsel vm3, $0x1, v2;
	(xrf0) =	vadd.scan.msk.s32 $0xffff, v1  }
0x2ae: {  	v12, _, _ =	vpop (xrf0);
	(xrf0) =	vadd.scan.msk.s32 $0xffff, v4;
	v4 =	vld [tilespmem:s10+$0x10];
	_ =	sdelay $0x2  }
0x2af: {  	(v2sf) =	vpush v12, $0xF  }
0x2b0: {  	vm4 =	veq.s32 v3, v0  }
0x2b1: {  	v5 =	vsel vm4, $0x1, v2;
	s25 =	spop (v2sf);
	vm6 =	veq.s32 v4, v0  }
0x2b2: {  	s8 =	sadd.s32 s8, s25;
	s26 =	spop (v2sf);
	v14, _, _ =	vpop (xrf0);
	(xrf0) =	vadd.scan.msk.s32 $0xffff, v5;
	v5 =	vsel vm6, $0x1, v2  }
0x2b3: {  	s8 =	sadd.s32 s8, s26;
	s28 =	spop (v2sf);
	v9, _, _ =	vpop (xrf0);
	(xrf0) =	vadd.scan.msk.s32 $0xffff, v5  }
0x2b4: {  	s8 =	sadd.s32 s8, s28;
	(v2sf) =	vpush v14, $0xF;
	s30 =	spop (v2sf)  }
0x2b5: {  	s8 =	ssub.s32 s9, s8;
	s9 =	sadd.s32 $0x0, s30  }
0x2b6: {  	vm9 =	vgt.s32 v11, v0;
	(v2sf) =	vpush v9, $0xF;
	s8 =	simm.s32 @!p0 $0x0;
	v11 =	vadd.s32 s9, v12  }
0x2b7: {  	v15 =	vimm.f32 $0.0e+00;
	vm0 =	vmmov vm0;
	v1 =	vmov s8;
	s8 =	simm.s32 $0x60  }
0x2b8: {  	s29 =	simm.s32 $0x0;
	vm5 =	vgt.s32 v10, v0;
	vm1 =	vmmov vm1;
	vm0 =	vmmov vm0;
	v5 =	vld [tilespmem:s8+$0x0];
	v10, _, _ =	vpop (xrf0)  }
0x2b9: {  	v13 =	vadd.s32 s29, v8;
	v8 =	vld [tilespmem:s8+$0x10];
	(v2sf) =	vpush v10, $0xF;
	vm10 =	vle.s32 v11, v1;
	v11, _, _ =	vpop (xrf0)  }
0x2ba: {  	v16 =	vld [tilespmem:s12+$0x2400];
	vm1 =	vmmov vm1;
	vm7 =	vmmov vm0;
	(v2sf) =	vpush v11, $0xF  }
0x2bb: {  	vm0 =	vmmov vm4;
	vm8 =	vmmov vm1;
	vm3 =	vmmov vm3  }
0x2bc: {  	vm2 =	vmmov vm2;
	vm1 =	vmmov vm3;
	vm4 =	vle.s32 v13, v1  }
0x2bd: {  	vm3 =	vmmov vm6;
	v13 =	vld [tilespmem:s12+$0x2410];
	vm7 =	vmand vm7, vm4;
	vm6 =	veq.s32 v5, v0  }
0x2be: {  	vm7 =	vmor vm9, vm7;
	vm4 =	veq.s32 v8, v0;
	s31 =	spop (v2sf);
	v12 =	vsel vm6, $0x1, v2  }
0x2bf: {  	vm2 =	vmmov vm2;
	v16 =	vnsel vm7, $0x0, v16;
	v17 =	vsel vm4, $0x1, v2;
	s12 =	sadd.s32 s9, s31;
	(xrf0) =	vadd.scan.msk.s32 $0xffff, v12  }
0x2c0: {  	s13 =	simm.s32 $0x280;
	v15 =	vadd.f32 v16, v15;
	s9 =	simm.s32 $0x80;
	v14 =	vadd.s32 s12, v14;
	vm8 =	vmand vm8, vm10;
	v12 =	vld [tilespmem:s11+$0x2400];
	(xrf0) =	vadd.scan.msk.s32 $0xffff, v17  }
.LBB2_26:
0x2c1: {  	p0 =	sne.s32 s13, $0x8F80;
	v16 =	vld [tilespmem:s9+$0x0];
	vm5 =	vmor vm5, vm8;
	v17 =	vmovc v10;
	v18 =	vmovc v9;
	v9 =	vmov v11;
	vm8 =	vmmov vm2;
	s14 =	smov.u32 s13;
	s13 =	sadd.s32 $0x80, s13  }
0x2c2: {  	vm2 =	vmmov vm0;
	vm0 =	vmmov vm6;
	v19 =	vld [tilespmem:s9+$0x10];
	v10 =	vnsel vm5, $0x0, v13  }
0x2c3: {  	vm7 =	vmmov vm1;
	vm1 =	vmmov vm3;
	s15 =	spop (v2sf);
	v15 =	vadd.f32 v10, v15  }
0x2c4: {  	vm6 =	vle.s32 v14, v1;
	vm3 =	vmmov vm4;
	vm5 =	vgt.s32 v6, v0;
	v6 =	vmovc v4;
	v4 =	vmovc v8;
	s12 =	sadd.s32 s12, s15  }
.Ltmp13:
0x2c5: {  	vm9 =	vgt.s32 v7, v0;
	vm8 =	vmand vm8, vm6;
	v10, _, _ =	vpop (xrf0);
	v14 =	vadd.s32 s12, v18;
	v13 =	vld [tilespmem:s11+$0x2410];
	s15 =	spop (v2sf);
	s11 =	smov.u32 s10;
	(pc) =	sbr.rel @p0 .LBB2_26-.Ltmp13, $4  }
0x2c6: {  	s10 =	smov.u32 s8;
	s8 =	smov.u32 s9;
	vm6 =	veq.s32 v16, v0;
	(v2sf) =	vpush v10, $0xF;
	v11, _, _ =	vpop (xrf0);
	vm10 =	vle.s32 v14, v1;
	s12 =	sadd.s32 s12, s15  }
0x2c7: {  	v7 =	vmovc v3;
	v3 =	vmovc v5;
	vm8 =	vmor vm9, vm8;
	v20 =	vsel vm6, $0x1, v2;
	vm4 =	veq.s32 v19, v0  }
0x2c8: {  	v18 =	vnsel vm8, $0x0, v12;
	v5 =	vmovc v16;
	v14 =	vsel vm4, $0x1, v2;
	(xrf0) =	vadd.scan.msk.s32 $0xffff, v20;
	(v2sf) =	vpush v11, $0xF  }
0x2c9: {  	s9 =	sshra.s32 s14, $0x2;
	v15 =	vadd.f32 v18, v15;
	vm8 =	vmand vm7, vm10;
	v8 =	vmovc v19;
	(xrf0) =	vadd.scan.msk.s32 $0xffff, v14;
	v14 =	vadd.s32 s12, v17;
	v12 =	vld [tilespmem:s11+$0x2400]  }
0x2ca: {  	v16 =	vld [tilespmem:s9+$0x0];
	_ =	sdelay $0x4  }
0x2cb: {  	vm7 =	veq.s32 v16, v0  }
0x2cc: {  	v17 =	vsel vm7, $0x1, v2  }
0x2cd: {  	v18, _, _ =	vpop (xrf0);
	(xrf0) =	vadd.scan.msk.s32 $0xffff, v17  }
0x2ce: {  	vm5 =	vmor vm5, vm8;
	vm13 =	vmmov vm2  }
0x2cf: {  	vm0 =	vmmov vm0;
	vm6 =	vmmov vm6;
	(v2sf) =	vpush v18, $0xF  }
0x2d0: {  	vm14 =	vmmov vm1;
	vm2 =	vmmov vm3;
	vm3 =	vle.s32 v14, v1  }
0x2d1: {  	vm9 =	vgt.s32 v6, v0;
	vm1 =	vmmov vm4;
	vm15 =	vgt.s32 v7, v0;
	v42, _, _ =	vpop (xrf0)  }
0x2d2: {  	s13 =	spop (v2sf);
	vm11 =	vgt.s32 v4, v0;
	v13 =	vnsel vm5, $0x0, v13;
	(v2sf) =	vpush v42, $0xF  }
0x2d3: {  	v41 =	vld [tilespmem:s9+$0x10];
	vm5 =	vmand vm13, vm3;
	vm13 =	vmmov vm0;
	vm2 =	vmmov vm2;
	v44, _, _ =	vpop (xrf0)  }
0x2d4: {  	s12 =	sadd.s32 s12, s13;
	s24 =	spop (v2sf);
	vm1 =	vmmov vm1;
	v13 =	vadd.f32 v13, v15;
	(v2sf) =	vpush v44, $0xF  }
0x2d5: {  	v43 =	vld [tilespmem:s11+$0x2410];
	v9 =	vadd.s32 s12, v9;
	vm4 =	vmor vm15, vm5;
	s11 =	sadd.s32 s12, s24;
	vm1 =	vmmov vm1  }
0x2d6: {  	vm10 =	vle.s32 v9, v1;
	v10 =	vadd.s32 s11, v10;
	v46 =	vnsel vm4, $0x0, v12  }
0x2d7: {  	vm12 =	vmand vm14, vm10;
	vm14 =	vmmov vm6;
	vm15 =	vle.s32 v10, v1  }
0x2d8: {  	v47 =	vld [tilespmem:s10+$0x2400];
	vm3 =	veq.s32 v41, v0;
	v9 =	vadd.f32 v46, v13;
	vm4 =	vmor vm9, vm12  }
0x2d9: {  	vm9 =	vgt.s32 v3, v0;
	vm5 =	vmand vm13, vm15;
	vm13 =	vgt.s32 v5, v0;
	s25 =	spop (v2sf)  }
0x2da: {  	v49 =	vld [tilespmem:s10+$0x2410];
	vm15 =	vgt.s32 v8, v0;
	v45 =	vsel vm3, $0x1, v2;
	v48 =	vnsel vm4, $0x0, v43;
	s11 =	sadd.s32 s11, s25  }
0x2db: {  	vm0 =	vmmov vm7;
	vm5 =	vmor vm9, vm5;
	v50 =	vadd.s32 s11, v11  }
0x2dc: {  	vm3 =	vmmov vm3;
	v9 =	vadd.f32 v48, v9;
	s26 =	spop (v2sf);
	vm10 =	vle.s32 v50, v1  }
0x2dd: {  	v52 =	vld [tilespmem:s8+$0x2400];
	v51 =	vnsel vm5, $0x0, v47;
	vm0 =	vmmov vm0;
	s10 =	sadd.s32 s11, s26;
	vm2 =	vmand vm2, vm10  }
0x2de: {  	(xrf0) =	vadd.scan.msk.s32 $0xffff, v45;
	v3 =	vadd.f32 v51, v9;
	v53 =	vadd.s32 s10, v18;
	vm2 =	vmor vm11, vm2;
	s28 =	spop (v2sf)  }
0x2df: {  	v55 =	vld [tilespmem:s8+$0x2410];
	vm12 =	vle.s32 v53, v1;
	v10 =	vnsel vm2, $0x0, v49;
	vm2 =	vmmov vm14;
	s10 =	sadd.s32 s10, s28  }
0x2e0: {  	vm0 =	vmmov vm0;
	vm2 =	vmand vm2, vm12;
	v56 =	vadd.s32 s10, v42  }
0x2e1: {  	v54 =	vadd.f32 v10, v3;
	vm2 =	vmor vm13, vm2;
	s29 =	spop (v2sf);
	vm14 =	vle.s32 v56, v1  }
0x2e2: {  	v57 =	vld [tilespmem:s9+$0x2400];
	v4 =	vnsel vm2, $0x0, v52;
	vm2 =	vmmov vm3;
	s8 =	sadd.s32 s10, s29;
	vm1 =	vmand vm1, vm14  }
0x2e3: {  	v2 =	vadd.f32 v4, v54;
	v58 =	vadd.s32 s8, v44;
	vm1 =	vmor vm15, vm1;
	s30 =	spop (v2sf)  }
0x2e4: {  	v60 =	vld [tilespmem:s9+$0x2410];
	v59, _, _ =	vpop (xrf0);
	vm3 =	vgt.s32 v16, v0;
	v3 =	vnsel vm1, $0x0, v55;
	vm1 =	vle.s32 v58, v1;
	s8 =	sadd.s32 s8, s30  }
0x2e5: {  	v2 =	vadd.f32 v3, v2;
	vm0 =	vmand vm0, vm1;
	v61 =	vadd.s32 s8, v59  }
0x2e6: {  	vm1 =	vmmov vm2;
	vm0 =	vmor vm3, vm0;
	vm2 =	vle.s32 v61, v1  }
0x2e7: {  	vm3 =	vgt.s32 v41, v0;
	v62 =	vnsel vm0, $0x0, v57;
	vm0 =	vmand vm1, vm2  }
0x2e8: {  	v0 =	vadd.f32 v62, v2;
	vm0 =	vmor vm3, vm0  }
0x2e9: {  	v63 =	vnsel vm0, $0x0, v60  }
0x2ea: {  	v0 =	vadd.f32 v63, v0;
	_ =	sdelay $0x1  }
0x2eb: {  	(xrf2) =	vadd.scan.msk.f32 $0xffff, v0  }
0x2ec: {  	(v2sf) =	vpush v59, $0xF;
	_ =	sdelay $0x8  }
0x2ed: {  	v0, _, _ =	vpop (xrf2)  }
0x2ee: {  	v0 =	vbroadcast v0, $0xF  }
0x2ef: {  	vm0 =	vmmov $0x1  }
0x2f0: {  	v0 =	vnsel vm0, $0x0, v0  }
0x2f1: {  	s8 =	simm.s32 $0x4980;
	[tilespmem:$0x4980] =	vst v0  }
0x2f2: {  	[spmem:s7] =	stream.linear.scatter [tilespmem:s8], [sflag:$0x1], $0x10, $0x38;
	[tilespmem:$0x4B10] =	vst v63  }
0x2f3: {  	p0 =	sne.s32 s2, $0x0;
	s31 =	spop (v2sf);
	s7 =	simm.s32 $0x1  }
.Ltmp14:
0x2f4: {  	_ =	swait.ge [sflag:s7], $0x10;
	(pc) =	sbr.rel @p0 .LBB2_29-.Ltmp14, $3  }
0x2f5: {  	[sflag:s7] =	ssyncset.done $0x0  }
0x2f6: {  	[sflag:s7] =	ssyncadd.s32 $0xFFFFFFF0  }
0x2f7: {  	[bflag:$0x0] =	sbarrier.arrive $0xFFFF;
	_ =	sdelay $0x1  }
0x2f8: {  	s9 =	simm.s32 $0x4A00  }
0x2f9: {  	[tilespmem:s9], [sflag:$0x1] =	stream.linear.gather [spmem:s4], $0x100, $0x38;
	[tilespmem:$0x4B10] =	vst v63  }
0x2fa: {  	_ =	swait.ge [sflag:s7], $0x100  }
0x2fb: {  	[sflag:s7] =	ssyncset.done $0x0  }
0x2fc: {  	[sflag:s7] =	ssyncadd.s32 $0xFFFFFF00  }
0x2fd: {  	v0 =	vld [tilespmem:$0x4A00];
	_ =	sdelay $0x1  }
0x2fe: {  	v1 =	vld [tilespmem:$0x4A10];
	_ =	sdelay $0x1  }
0x2ff: {  	v2 =	vld [tilespmem:$0x4A20]  }
0x300: {  	v0 =	vadd.f32 $0.0e+00, v0  }
0x301: {  	v3 =	vld [tilespmem:$0x4A30]  }
0x302: {  	v0 =	vadd.f32 v1, v0  }
0x303: {  	v47 =	vld [tilespmem:$0x4A40]  }
0x304: {  	v0 =	vadd.f32 v2, v0  }
0x305: {  	v48 =	vld [tilespmem:$0x4A50]  }
0x306: {  	v0 =	vadd.f32 v3, v0  }
0x307: {  	v49 =	vld [tilespmem:$0x4A60]  }
0x308: {  	v0 =	vadd.f32 v47, v0  }
0x309: {  	v50 =	vld [tilespmem:$0x4A70]  }
0x30a: {  	v0 =	vadd.f32 v48, v0  }
0x30b: {  	v51 =	vld [tilespmem:$0x4A80]  }
0x30c: {  	v0 =	vadd.f32 v49, v0  }
0x30d: {  	v52 =	vld [tilespmem:$0x4A90]  }
0x30e: {  	v0 =	vadd.f32 v50, v0  }
0x30f: {  	v53 =	vld [tilespmem:$0x4AA0]  }
0x310: {  	v0 =	vadd.f32 v51, v0  }
0x311: {  	v54 =	vld [tilespmem:$0x4AB0]  }
0x312: {  	v0 =	vadd.f32 v52, v0  }
0x313: {  	v55 =	vld [tilespmem:$0x4AC0]  }
0x314: {  	v0 =	vadd.f32 v53, v0  }
0x315: {  	v56 =	vld [tilespmem:$0x4AD0]  }
0x316: {  	v0 =	vadd.f32 v54, v0  }
0x317: {  	v57 =	vld [tilespmem:$0x4AE0]  }
0x318: {  	v0 =	vadd.f32 v55, v0  }
0x319: {  	v58 =	vld [tilespmem:$0x4AF0]  }
0x31a: {  	v0 =	vadd.f32 v56, v0;
	_ =	sdelay $0x1  }
0x31b: {  	v0 =	vadd.f32 v57, v0;
	_ =	sdelay $0x1  }
0x31c: {  	v0 =	vadd.f32 v58, v0;
	_ =	sdelay $0x1  }
0x31d: {  	(xrf2) =	vadd.scan.msk.f32 $0xffff, v0;
	_ =	sdelay $0x9  }
0x31e: {  	v0, _, _ =	vpop (xrf2)  }
0x31f: {  	(v2sf) =	vpush v0, $0xF;
	_ =	sdelay $0xc  }
0x320: {  	s29 =	simm.s32 $0x0;
	s10 =	simm.s32 $0x4900  }
0x321: {  	[tilespmem:s10], [sflag:$0x1] =	stream.linear.gather [hbm4b:s3+s29], $0x80, $0x38;
	[tilespmem:$0x4B10] =	vst v63  }
0x322: {  	s28 =	spop (v2sf)  }
0x323: {  	_ =	swait.ge [sflag:s7], $0x80  }
0x324: {  	[sflag:s7] =	ssyncset.done $0x0  }
0x325: {  	[sflag:s7] =	ssyncadd.s32 $0xFFFFFF80  }
0x326: {  	v59 =	vld [tilespmem:$0x4900];
	_ =	sdelay $0x4  }
0x327: {  	(xrf2) =	vadd.scan.msk.f32 $0xffff, v59;
	_ =	sdelay $0x9  }
0x328: {  	v0, _, _ =	vpop (xrf2)  }
0x329: {  	(v2sf) =	vpush v0, $0xF;
	_ =	sdelay $0xd  }
0x32a: {  	[tilespmem:s10], [sflag:$0x1] =	stream.linear.gather [hbm4b:s6+s29], $0x80, $0x38;
	[tilespmem:$0x4B10] =	vst v63  }
0x32b: {  	s30 =	spop (v2sf)  }
0x32c: {  	_ =	swait.ge [sflag:s7], $0x80  }
0x32d: {  	[sflag:s7] =	ssyncset.done $0x0  }
0x32e: {  	[sflag:s7] =	ssyncadd.s32 $0xFFFFFF80  }
0x32f: {  	v60 =	vld [tilespmem:$0x4900];
	_ =	sdelay $0x4  }
0x330: {  	(xrf2) =	vadd.scan.msk.f32 $0xffff, v60;
	_ =	sdelay $0x9  }
0x331: {  	v0, _, _ =	vpop (xrf2)  }
0x332: {  	(v2sf) =	vpush v0, $0xF;
	_ =	sdelay $0xd  }
0x333: {  	[tilespmem:s10], [sflag:$0x1] =	stream.linear.gather [hbm4b:s5+s29], $0x80, $0x38;
	[tilespmem:$0x4B10] =	vst v63  }
0x334: {  	s31 =	spop (v2sf)  }
0x335: {  	_ =	swait.ge [sflag:s7], $0x80  }
0x336: {  	[sflag:s7] =	ssyncset.done $0x0  }
0x337: {  	[sflag:s7] =	ssyncadd.s32 $0xFFFFFF80  }
0x338: {  	v61 =	vld [tilespmem:$0x4900];
	_ =	sdelay $0x4  }
0x339: {  	(xrf2) =	vadd.scan.msk.f32 $0xffff, v61;
	_ =	sdelay $0x9  }
0x33a: {  	v0, _, _ =	vpop (xrf2)  }
0x33b: {  	v0 =	vbroadcast v0, $0xF;
	_ =	sdelay $0x1  }
0x33c: {  	v0 =	vnsel vm0, $0x3F800000, v0  }
0x33d: {  	(erf) = vrcp.f32 v0;
	_ =	sdelay $0x3  }
0x33e: {  	s4 =	sadd.f32 s31, s28;
	_ =	sdelay $0x1  }
0x33f: {  	s3 =	sadd.f32 s4, s30;
	_ =	sdelay $0x1  }
0x340: {  	vm15 =	vcmask $0x300;
	v62 =	vmov s3  }
0x341: {  	v0 =	vnsel vm15, $0x0, v62;
	v63 =	vpop (erf)  }
0x342: {  	v0 =	vmul.f32 v63, v0;
	_ =	sdelay $0x1  }
0x343: {  	[tilespmem:$0x4980] =	vst v0  }
0x344: {  	[hbm4b:s1+s29] =	stream.linear.scatter [tilespmem:s8], [sflag:$0x1], $0x80, $0x38;
	[tilespmem:$0x4B10] =	vst v63  }
0x345: {  	_ =	swait.ge [sflag:s7], $0x80  }
0x346: {  	[sflag:s7] =	ssyncset.done $0x0  }
0x347: {  	[sflag:s7] =	ssyncadd.s32 $0xFFFFFF80  }
.LBB2_29:
0x348: {  	_ =	sfence.sel $0x180000  }
0x349: {  	[bflag:$0x0] =	sbarrier.arrive $0xFFFF  }
0x34a: {  	p0 =	sne.s32 s2, $0x0;
	_ =	strace $0x90000047  }
0x34b: {  	s0 =	sadd.s32 @!p0 $0x100000, s0;
	[bflag:$0x2] =	sbarrier.arrive $0xFFFF  }
0x34c: {  	[sflag:s0] =	ssyncadd.tile.s32 @!p0 $0x1;
	_ =	shalt  }
.Lfunc_end2:
_tile_overlayer_lowered:
.L_overlay_start_2:
0x34d: {  	(tag) =	ssettag $0x2  }
0x34e: {  	s0 =	rddreg [dreg:$0x0];
	s2 =	stileid.u32  }
0x34f: {  	s1 =	rddreg [dreg:$0x1];
	p0 =	sne.s32 s2, $0x0  }
0x350: {  	s3 =	rddreg [dreg:$0x2];
	[bflag:$0x3] =	sbarrier.arrive $0xFFFF;
	s2 =	simm.s32 @!p0 $0x1C01  }
0x351: {  	[timem:s3], [sflag:s2] =	dma.local @!p0 [hbm:s0], s1  }
0x352: {  	s0 =	simm.s32 @!p0 $0x1  }
0x353: {  	_ =	swait.ge @!p0 [sflag:s0], s1  }
0x354: {  	s1 =	ssub.s32 @!p0 $0x0, s1;
	[sflag:s0] =	ssyncset.done @!p0 $0x0  }
0x355: {  	[sflag:s0] =	ssyncadd.s32 @!p0 s1  }
0x356: {  	[bflag:$0x3] =	sbarrier.arrive $0xFFFF  }
0x357: {  	_ =	shalt  }

</sc_bundles>
